<compile_context>
chip_gen: v7x
topology: tpu7x:2x2x1
jax: 0.10.2.dev20260603
libtpu: 0.0.44.dev20260713+nightly
codegen_flags: <defaults>
</compile_context>

<pallas_src>
import functools

import jax
import jax.numpy as jnp
from jax import lax
from jax.experimental import pallas as pl
from jax.experimental.pallas import tpu as pltpu
from jax.experimental.pallas import tpu_sc as plsc

_KMAX = 16
_LANES = 128
_DEPTH = 4


def _sq_body(dst_ref, dstsq_ref):
    dst = dst_ref[...]
    dd = dst * dst
    ones = jnp.ones((1, dst.shape[1]), jnp.float32)
    dstsq_ref[...] = lax.dot_general(ones, dd, (((1,), (1,)), ((), ())),
                                     precision=lax.Precision.HIGHEST)


def _topk_body(src_ref, dst_ref, dstsq_ref, r_ref, k_ref,
               idx_ref, raw_ref, val_ref, srcsq_ref):
    src = src_ref[...]
    dst = dst_ref[...]
    R = src.shape[0]
    Mp = dst.shape[0]
    nslice = Mp // _LANES

    src_sq = jnp.sum(src * src, axis=1, keepdims=True)
    srcsq_ref[...] = src_sq
    dst_sq = dstsq_ref[...]
    g = lax.dot_general(src.astype(jnp.bfloat16), dst,
                        (((1,), (1,)), ((), ())),
                        preferred_element_type=jnp.float32)
    d2 = (src_sq + dst_sq) - 2.0 * g

    inf = jnp.float32(jnp.inf)
    tv = [jnp.full((R, _LANES), inf, jnp.float32) for _ in range(_DEPTH)]
    tj = [jnp.zeros((R, _LANES), jnp.float32) for _ in range(_DEPTH)]
    for j in range(nslice):
        zv = d2[:, j * _LANES:(j + 1) * _LANES]
        zj = jnp.full((R, _LANES), jnp.float32(j))
        for t in range(_DEPTH):
            m = zv < tv[t]
            nv = jnp.minimum(tv[t], zv)
            xv = jnp.maximum(tv[t], zv)
            nj = jnp.where(m, zj, tj[t])
            xj = jnp.where(m, tj[t], zj)
            tv[t], zv = nv, xv
            tj[t], zj = nj, xj

    lane = lax.broadcasted_iota(jnp.int32, (R, _LANES), 1).astype(jnp.float32)
    tg = [tj[t] * jnp.float32(_LANES) + lane for t in range(_DEPTH)]
    hv, qv1, qv2, qv3 = tv
    hg, qg1, qg2, qg3 = tg

    big = jnp.float32(3.0e7)
    vals, idxs = [], []
    for _ in range(_KMAX):
        m = jnp.min(hv, axis=1, keepdims=True)
        eq = hv == m
        jsel = jnp.min(jnp.where(eq, hg, big), axis=1, keepdims=True)
        adv = eq & (hg == jsel)
        hv = jnp.where(adv, qv1, hv)
        qv1 = jnp.where(adv, qv2, qv1)
        qv2 = jnp.where(adv, qv3, qv2)
        qv3 = jnp.where(adv, inf, qv3)
        hg = jnp.where(adv, qg1, hg)
        qg1 = jnp.where(adv, qg2, qg1)
        qg2 = jnp.where(adv, qg3, qg2)
        qg3 = jnp.where(adv, big, qg3)
        vals.append(m)
        idxs.append(jsel)

    vals = jnp.concatenate(vals, axis=1)
    idxs = jnp.concatenate(idxs, axis=1).astype(jnp.int32)

    dist = jnp.sqrt(jnp.maximum(vals, 0.0))
    col = lax.broadcasted_iota(jnp.int32, (R, _KMAX), 1)
    keep = (dist <= r_ref[0, 0]) & (col < k_ref[0, 0])
    idx_ref[...] = jnp.where(keep, idxs, -1)
    raw_ref[...] = idxs
    val_ref[...] = vals


def _bn_body(val_ref, srcsq_ref, ds_ref, w_ref, b_ref, out_ref):
    lik = (srcsq_ref[...] + ds_ref[...] - val_ref[...]) * 0.5
    m = jnp.mean(lik)
    v = jnp.mean((lik - m) ** 2)
    y = (lik - m) / jnp.sqrt(v + 1e-5) * w_ref[0, 0] + b_ref[0, 0]
    out_ref[...] = jax.nn.sigmoid(y)


def _sc_gather(table, idx):
    (b,) = idx.shape
    (v,) = table.shape
    info = plsc.get_sparse_core_info()
    nw = info.num_cores * info.num_subcores
    bpw = b // nw
    niter = bpw // 16

    mesh = plsc.VectorSubcoreMesh(core_axis_name="c", subcore_axis_name="s")

    @functools.partial(
        pl.kernel, mesh=mesh,
        compiler_params=pltpu.CompilerParams(needs_layout_passes=False),
        out_type=jax.ShapeDtypeStruct((b,), jnp.float32),
        scratch_types=[
            pltpu.VMEM((bpw,), jnp.int32),
            pltpu.VMEM((bpw,), jnp.float32),
            pltpu.VMEM((v,), jnp.float32),
        ],
    )
    def k(table_hbm, idx_hbm, out_hbm, idx_v, out_v, table_v):
        wid = lax.axis_index("s") * info.num_cores + lax.axis_index("c")
        base = wid * bpw
        pltpu.sync_copy(idx_hbm.at[pl.ds(base, bpw)], idx_v)
        pltpu.sync_copy(table_hbm, table_v)

        @pl.loop(0, niter)
        def _body(i):
            iv = idx_v[pl.ds(i * 16, 16)]
            out_v[pl.ds(i * 16, 16)] = plsc.load_gather(table_v, [iv])

        if bpw % 16:
            iv = idx_v[pl.ds(bpw - 16, 16)]
            out_v[pl.ds(bpw - 16, 16)] = plsc.load_gather(table_v, [iv])

        pltpu.sync_copy(out_v, out_hbm.at[pl.ds(base, bpw)])

    return k(table, idx)


def kernel(src_embeddings, dst_embeddings, k, knn_radius, bn_weight, bn_bias):
    n, d = src_embeddings.shape
    m = dst_embeddings.shape[0]
    mp = ((m + _LANES - 1) // _LANES) * _LANES
    dst_b = dst_embeddings.astype(jnp.bfloat16)
    if mp != m:
        dst_b = jnp.concatenate(
            [dst_b, jnp.zeros((mp - m, d), jnp.bfloat16)], axis=0)
    r_blk = 400 if n % 400 == 0 else n

    r_in = knn_radius.reshape(1, 1).astype(jnp.float32)
    k_in = jnp.asarray(k, jnp.int32).reshape(1, 1)

    dstsq = pl.pallas_call(
        _sq_body,
        in_specs=[pl.BlockSpec((m, d), lambda: (0, 0))],
        out_specs=pl.BlockSpec((1, m), lambda: (0, 0)),
        out_shape=jax.ShapeDtypeStruct((1, m), jnp.float32),
    )(dst_embeddings)
    if mp != m:
        dstsq = jnp.concatenate(
            [dstsq, jnp.full((1, mp - m), 2.0e8, jnp.float32)], axis=1)

    idxs, raw, vals, srcsq = pl.pallas_call(
        _topk_body,
        grid=(n // r_blk,),
        in_specs=[
            pl.BlockSpec((r_blk, d), lambda i: (i, 0)),
            pl.BlockSpec((mp, d), lambda i: (0, 0)),
            pl.BlockSpec((1, mp), lambda i: (0, 0)),
            pl.BlockSpec((1, 1), lambda i: (0, 0)),
            pl.BlockSpec((1, 1), lambda i: (0, 0)),
        ],
        out_specs=[
            pl.BlockSpec((r_blk, _KMAX), lambda i: (i, 0)),
            pl.BlockSpec((r_blk, _KMAX), lambda i: (i, 0)),
            pl.BlockSpec((r_blk, _KMAX), lambda i: (i, 0)),
            pl.BlockSpec((r_blk, 1), lambda i: (i, 0)),
        ],
        out_shape=[
            jax.ShapeDtypeStruct((n, _KMAX), jnp.int32),
            jax.ShapeDtypeStruct((n, _KMAX), jnp.int32),
            jax.ShapeDtypeStruct((n, _KMAX), jnp.float32),
            jax.ShapeDtypeStruct((n, 1), jnp.float32),
        ],
        compiler_params=pltpu.CompilerParams(
            dimension_semantics=("parallel",)),
    )(src_embeddings, dst_b, dstsq, r_in, k_in)

    ds = _sc_gather(dstsq.reshape(-1), raw.reshape(-1)).reshape(n, _KMAX)

    ew = pl.pallas_call(
        _bn_body,
        in_specs=[
            pl.BlockSpec((n, _KMAX), lambda: (0, 0)),
            pl.BlockSpec((n, 1), lambda: (0, 0)),
            pl.BlockSpec((n, _KMAX), lambda: (0, 0)),
            pl.BlockSpec((1, 1), lambda: (0, 0)),
            pl.BlockSpec((1, 1), lambda: (0, 0)),
        ],
        out_specs=pl.BlockSpec((n, _KMAX), lambda: (0, 0)),
        out_shape=jax.ShapeDtypeStruct((n, _KMAX), jnp.float32),
    )(vals, srcsq, ds, bn_weight.reshape(1, 1), bn_bias.reshape(1, 1))

    src_idx = jnp.broadcast_to(
        jnp.arange(n, dtype=jnp.int32)[:, None], (n, _KMAX)
    ).reshape(-1)
    graph = jnp.stack([src_idx, idxs.reshape(-1)], axis=0).astype(jnp.int64)
    return graph, ew.reshape(-1, 1)

# --- scband reference (transcript-rebuilt; emitter-appended) ---
"""Pipeline reference for scband-dynamic-graph-construction-46746424049946 (READ-ONLY COPY).

The authoritative reference and input builder live on the scoring server;
editing this copy changes nothing except your own understanding.
"""

import jax, jax.numpy as jnp
import numpy as np


def setup_inputs(seed: int = 0) -> dict:
    key = jax.random.key(seed)
    k1, k2 = jax.random.split(key)
    N, M, D = 10000, 10000, 128
    src = jax.random.normal(k1, (N, D), dtype=jnp.float32)
    dst = jax.random.normal(k2, (M, D), dtype=jnp.float32)
    return {
        "src_embeddings": src,
        "dst_embeddings": dst,
        "k": 16,
        # knn_radius buffer: initialized to 1.0 but adapted during training toward the
        # observed max kNN distance; set large so radius does not prune top-k edges.
        "knn_radius": jnp.array([1e6], dtype=jnp.float32),
        # BatchNorm1d(1) affine params
        "bn_weight": jnp.ones((1,), dtype=jnp.float32),
        "bn_bias": jnp.zeros((1,), dtype=jnp.float32),
    }


def _find_neighbors(src, dst, r_max, k_max):
    # brute-force radius-limited kNN (FRNN equivalent): returns [N, k] dst indices, -1 where dist > r_max
    src_sq = jnp.sum(src * src, axis=1, keepdims=True)
    dst_sq = jnp.sum(dst * dst, axis=1)
    d2 = src_sq + dst_sq[None, :] - 2.0 * (src @ dst.T)
    neg_d2, idxs = jax.lax.top_k(-d2, k_max)
    dists = jnp.sqrt(jnp.maximum(-neg_d2, 0.0))
    graph_idxs = jnp.where(dists <= r_max, idxs, -1)
    return graph_idxs


def reference(src_embeddings, dst_embeddings, k, knn_radius, bn_weight, bn_bias):
    # no_grad graph construction
    k_max = 16
    graph_idxs = _find_neighbors(src_embeddings, dst_embeddings, knn_radius[0], k_max)
    col_mask = jnp.arange(k_max) < k
    graph_idxs = jnp.where(col_mask[None, :], graph_idxs, -1)
    ind = jnp.broadcast_to(jnp.arange(graph_idxs.shape[0])[:, None], graph_idxs.shape)
    src_idx = ind.reshape(-1)
    dst_idx = graph_idxs.reshape(-1)
    graph = jnp.stack([src_idx, dst_idx], axis=0).astype(jnp.int64)
    # edge likelihood = dot product of endpoint embeddings
    likelihood = jnp.einsum('ij,ij->i', jnp.take(src_embeddings, graph[0], axis=0),
                            jnp.take(dst_embeddings, graph[1], axis=0))
    # BatchNorm1d(1) with batch statistics (training-mode normalization)
    mean = jnp.mean(likelihood)
    var = jnp.var(likelihood)
    edge_weights_logits = (likelihood - mean) / jnp.sqrt(var + 1e-5) * bn_weight[0] + bn_bias[0]
    edge_weights = jax.nn.sigmoid(edge_weights_logits)
    edge_weights = edge_weights[:, None]
    return graph, edge_weights

if __name__ == "__main__":
    import jax
    _d = setup_inputs()
    print(jax.jit(kernel)(*tuple(_d.values())))

</pallas_src>

<mosaic_0001>
#map = affine_map<(d0, d1) -> (0)>
module attributes {stable_mosaic.version = 14 : i64} {
  func.func @k(%arg0: i32, %arg1: i32, %arg2: memref<10112xf32, #tpu.memory_space<hbm>>, %arg3: memref<160000xi32, #tpu.memory_space<hbm>>, %arg4: memref<160000xf32, #tpu.memory_space<hbm>>, %arg5: memref<5000xi32, #tpu.memory_space<vmem>>, %arg6: memref<5000xf32, #tpu.memory_space<vmem>>, %arg7: memref<10112xf32, #tpu.memory_space<vmem>>) attributes {dimension_semantics = [#tpu.dimension_semantics<core_parallel>, #tpu.dimension_semantics<subcore_parallel>], iteration_bounds = array<i64: 2, 16>, scalar_prefetch = 0 : i64, scratch_operands = 3 : i64, tpu.core_type = #tpu.core_type<sc_vector_subcore>, window_params = [{transform_indices = #map}, {transform_indices = #map}, {transform_indices = #map}]} {
    %mul3A = arith.constant 2 : i32
    %mul3A_0 = arith.muli %arg1, %mul3A : i32
    %add3A = arith.addi %mul3A_0, %arg0 : i32
    %mul3A_1 = arith.constant 5000 : i32
    %mul3A_2 = arith.muli %add3A, %mul3A_1 : i32
    "tpu.region"() ({
      %run_scoped3A = tpu.sem_alloc : memref<!tpu.dma_semaphore, #tpu.memory_space<semaphore_mem>>
      %dma_start3A = tpu.memref_slice %arg3[%mul3A_2] : memref<160000xi32, #tpu.memory_space<hbm>> -> memref<5000xi32, #tpu.memory_space<hbm>>
      %dma_start3A_9 = tpu.memref_slice %arg3[%mul3A_2] : memref<160000xi32, #tpu.memory_space<hbm>> -> memref<5000xi32, #tpu.memory_space<hbm>>
      tpu.enqueue_dma source(%dma_start3A_9 : memref<5000xi32, #tpu.memory_space<hbm>>) target(%arg5 : memref<5000xi32, #tpu.memory_space<vmem>>) target_semaphore(%run_scoped3A : memref<!tpu.dma_semaphore, #tpu.memory_space<semaphore_mem>>)
      %dma_wait3A = tpu.memref_slice %arg3[%mul3A_2] : memref<160000xi32, #tpu.memory_space<hbm>> -> memref<5000xi32, #tpu.memory_space<hbm>>
      %dma_wait3A_10 = tpu.memref_slice %arg3[%mul3A_2] : memref<160000xi32, #tpu.memory_space<hbm>> -> memref<5000xi32, #tpu.memory_space<hbm>>
      tpu.wait_dma2 semaphore(%run_scoped3A : memref<!tpu.dma_semaphore, #tpu.memory_space<semaphore_mem>>) src(%dma_wait3A_10 : memref<5000xi32, #tpu.memory_space<hbm>>) dst(%arg5 : memref<5000xi32, #tpu.memory_space<vmem>>)
      tpu.yield
    }) : () -> ()
    "tpu.region"() ({
      %run_scoped3A = tpu.sem_alloc : memref<!tpu.dma_semaphore, #tpu.memory_space<semaphore_mem>>
      tpu.enqueue_dma source(%arg2 : memref<10112xf32, #tpu.memory_space<hbm>>) target(%arg7 : memref<10112xf32, #tpu.memory_space<vmem>>) target_semaphore(%run_scoped3A : memref<!tpu.dma_semaphore, #tpu.memory_space<semaphore_mem>>)
      tpu.wait_dma2 semaphore(%run_scoped3A : memref<!tpu.dma_semaphore, #tpu.memory_space<semaphore_mem>>) src(%arg2 : memref<10112xf32, #tpu.memory_space<hbm>>) dst(%arg7 : memref<10112xf32, #tpu.memory_space<vmem>>)
      tpu.yield
    }) : () -> ()
    %scan3A = arith.constant 0 : i32
    %scan3A_3 = arith.constant 312 : i32
    %scan3A_4 = arith.addi %scan3A, %scan3A_3 : i32
    %scan3A_5 = arith.constant 1 : i32
    scf.for %scan3A_9 = %scan3A to %scan3A_4 step %scan3A_5  : i32 {
      %mul3A_10 = arith.constant 1 : i32
      %mul3A_11 = arith.muli %scan3A_9, %mul3A_10 : i32
      %add3A_12 = arith.constant 0 : i32
      %add3A_13 = arith.addi %add3A_12, %mul3A_11 : i32
      %mul3A_14 = arith.constant 16 : i32
      %mul3A_15 = arith.muli %add3A_13, %mul3A_14 : i32
      %get3A_16 = arith.index_cast %mul3A_15 : i32 to index
      %get3A_17 = tpu.vector_load %arg5[%get3A_16] {strides = array<i32>} : memref<5000xi32, #tpu.memory_space<vmem>>, vector<16xi32>,
      %gather3A_18 = tpu.vector_load_idx %arg7[%get3A_17] : memref<10112xf32, #tpu.memory_space<vmem>>[vector<16xi32>], vector<16xf32>,
      %mul3A_19 = arith.constant 16 : i32
      %mul3A_20 = arith.muli %add3A_13, %mul3A_19 : i32
      %swap3A_21 = arith.index_cast %mul3A_20 : i32 to index
      %swap3A_22 = tpu.vector_load %arg6[%swap3A_21] {strides = array<i32>} : memref<5000xf32, #tpu.memory_space<vmem>>, vector<16xf32>,
      tpu.vector_store %arg6[%swap3A_21], %gather3A_18 {strides = array<i32>} : memref<5000xf32, #tpu.memory_space<vmem>>, vector<16xf32>,
    }
    %scan3A_6 = arith.constant 312 : i32
    %get3A = arith.constant 4984 : index
    %get3A_7 = tpu.vector_load %arg5[%get3A] {strides = array<i32>} : memref<5000xi32, #tpu.memory_space<vmem>>, vector<16xi32>,
    %gather3A = tpu.vector_load_idx %arg7[%get3A_7] : memref<10112xf32, #tpu.memory_space<vmem>>[vector<16xi32>], vector<16xf32>,
    %swap3A = arith.constant 4984 : index
    %swap3A_8 = tpu.vector_load %arg6[%swap3A] {strides = array<i32>} : memref<5000xf32, #tpu.memory_space<vmem>>, vector<16xf32>,
    tpu.vector_store %arg6[%swap3A], %gather3A {strides = array<i32>} : memref<5000xf32, #tpu.memory_space<vmem>>, vector<16xf32>,
    "tpu.region"() ({
      %run_scoped3A = tpu.sem_alloc : memref<!tpu.dma_semaphore, #tpu.memory_space<semaphore_mem>>
      %dma_start3A = tpu.memref_slice %arg4[%mul3A_2] : memref<160000xf32, #tpu.memory_space<hbm>> -> memref<5000xf32, #tpu.memory_space<hbm>>
      %dma_start3A_9 = tpu.memref_slice %arg4[%mul3A_2] : memref<160000xf32, #tpu.memory_space<hbm>> -> memref<5000xf32, #tpu.memory_space<hbm>>
      tpu.enqueue_dma source(%arg6 : memref<5000xf32, #tpu.memory_space<vmem>>) target(%dma_start3A_9 : memref<5000xf32, #tpu.memory_space<hbm>>) target_semaphore(%run_scoped3A : memref<!tpu.dma_semaphore, #tpu.memory_space<semaphore_mem>>)
      %dma_wait3A = tpu.memref_slice %arg4[%mul3A_2] : memref<160000xf32, #tpu.memory_space<hbm>> -> memref<5000xf32, #tpu.memory_space<hbm>>
      %dma_wait3A_10 = tpu.memref_slice %arg4[%mul3A_2] : memref<160000xf32, #tpu.memory_space<hbm>> -> memref<5000xf32, #tpu.memory_space<hbm>>
      tpu.wait_dma2 semaphore(%run_scoped3A : memref<!tpu.dma_semaphore, #tpu.memory_space<semaphore_mem>>) src(%arg6 : memref<5000xf32, #tpu.memory_space<vmem>>) dst(%dma_wait3A_10 : memref<5000xf32, #tpu.memory_space<hbm>>)
      tpu.yield
    }) : () -> ()
    return
  }
}

module attributes {stable_mosaic.version = 14 : i64} {
  func.func @_sq_body(%arg0: memref<10000x128xf32, #tpu.memory_space<vmem>>, %arg1: memref<1x10000xf32, #tpu.memory_space<vmem>>) attributes {dimension_semantics = [], scalar_prefetch = 0 : i64, scratch_operands = 0 : i64, tpu.core_type = #tpu.core_type<tc>} {
    %get3A = arith.constant 0 : index
    %get3A_0 = arith.constant 0 : index
    %get3A_1 = vector.load %arg0[%get3A, %get3A_0] : memref<10000x128xf32, #tpu.memory_space<vmem>>, vector<10000x128xf32>
    %mul3A = arith.mulf %get3A_1, %get3A_1 : vector<10000x128xf32>
    %broadcast_in_dim3A = arith.constant 1.000000e+00 : f32
    %broadcast_in_dim3A_2 = vector.broadcast %broadcast_in_dim3A : f32 to vector<1x128xf32>
    %dot_general3A = arith.constant dense<0.000000e+00> : vector<1x10000xf32>
    %dot_general3A_3 = tpu.matmul %broadcast_in_dim3A_2, %mul3A, %dot_general3A {dimension_numbers = #tpu.dot_dimension_numbers<[1], [1], [0], [0], [0, 0, 1, 0], [], []>, precision = #tpu.contract_precision<fp32>, transpose_lhs_hint = false} : vector<1x128xf32>, vector<10000x128xf32>, vector<1x10000xf32> -> vector<1x10000xf32>
    %swap3A = arith.constant 0 : index
    %swap3A_4 = arith.constant 0 : index
    %swap3A_5 = vector.load %arg1[%swap3A, %swap3A_4] : memref<1x10000xf32, #tpu.memory_space<vmem>>, vector<1x10000xf32>
    tpu.vector_store %arg1[%swap3A, %swap3A_4], %dot_general3A_3 {strides = array<i32>} : memref<1x10000xf32, #tpu.memory_space<vmem>>, vector<1x10000xf32>,
    return
  }
}

module attributes {stable_mosaic.version = 14 : i64} {
  func.func @_topk_body(%arg0: i32, %arg1: memref<400x128xf32, #tpu.memory_space<vmem>>, %arg2: memref<10112x128xbf16, #tpu.memory_space<vmem>>, %arg3: memref<1x10112xf32, #tpu.memory_space<vmem>>, %arg4: memref<1x1xf32, #tpu.memory_space<vmem>>, %arg5: memref<1x1xi32, #tpu.memory_space<vmem>>, %arg6: memref<400x16xi32, #tpu.memory_space<vmem>>, %arg7: memref<400x16xi32, #tpu.memory_space<vmem>>, %arg8: memref<400x16xf32, #tpu.memory_space<vmem>>, %arg9: memref<400x1xf32, #tpu.memory_space<vmem>>) attributes {dimension_semantics = [#tpu.dimension_semantics<parallel>], iteration_bounds = array<i64: 25>, scalar_prefetch = 0 : i64, scratch_operands = 0 : i64, tpu.core_type = #tpu.core_type<tc>, window_params = [{transform_indices = @transform_0, window_bounds = array<i64: 400, 128>}, {pipeline_mode = #tpu.pipeline_mode<synchronous>, transform_indices = @transform_1, window_bounds = array<i64: 10112, 128>}, {pipeline_mode = #tpu.pipeline_mode<synchronous>, transform_indices = @transform_2, window_bounds = array<i64: 1, 10112>}, {pipeline_mode = #tpu.pipeline_mode<synchronous>, transform_indices = @transform_3, window_bounds = array<i64: 1, 1>}, {pipeline_mode = #tpu.pipeline_mode<synchronous>, transform_indices = @transform_4, window_bounds = array<i64: 1, 1>}, {transform_indices = @transform_5, window_bounds = array<i64: 400, 16>}, {transform_indices = @transform_6, window_bounds = array<i64: 400, 16>}, {transform_indices = @transform_7, window_bounds = array<i64: 400, 16>}, {transform_indices = @transform_8, window_bounds = array<i64: 400, 1>}]} {
    %get3A = arith.constant 0 : index
    %get3A_0 = arith.constant 0 : index
    %get3A_1 = vector.load %arg1[%get3A, %get3A_0] : memref<400x128xf32, #tpu.memory_space<vmem>>, vector<400x128xf32>
    %get3A_2 = arith.constant 0 : index
    %get3A_3 = arith.constant 0 : index
    %get3A_4 = vector.load %arg2[%get3A_2, %get3A_3] : memref<10112x128xbf16, #tpu.memory_space<vmem>>, vector<10112x128xbf16>
    %mul3A = arith.mulf %get3A_1, %get3A_1 : vector<400x128xf32>
    %reduce_sum3A = arith.constant dense<0.000000e+00> : vector<400xf32>
    %reduce_sum3A_5 = vector.multi_reduction <add>, %mul3A, %reduce_sum3A [1] : vector<400x128xf32> to vector<400xf32>
    %broadcast_in_dim3A = vector.shape_cast %reduce_sum3A_5 : vector<400xf32> to vector<400x1xf32>
    %swap3A = arith.constant 0 : index
    %swap3A_6 = arith.constant 0 : index
    %swap3A_7 = vector.load %arg9[%swap3A, %swap3A_6] : memref<400x1xf32, #tpu.memory_space<vmem>>, vector<400x1xf32>
    tpu.vector_store %arg9[%swap3A, %swap3A_6], %broadcast_in_dim3A {strides = array<i32>} : memref<400x1xf32, #tpu.memory_space<vmem>>, vector<400x1xf32>,
    %get3A_8 = arith.constant 0 : index
    %get3A_9 = arith.constant 0 : index
    %get3A_10 = vector.load %arg3[%get3A_8, %get3A_9] : memref<1x10112xf32, #tpu.memory_space<vmem>>, vector<1x10112xf32>
    %convert_element_type3A = arith.truncf %get3A_1 : vector<400x128xf32> to vector<400x128xbf16>
    %dot_general3A = arith.constant dense<0.000000e+00> : vector<400x10112xf32>
    %dot_general3A_11 = tpu.matmul %convert_element_type3A, %get3A_4, %dot_general3A {dimension_numbers = #tpu.dot_dimension_numbers<[1], [1], [0], [0], [0, 0, 1, 0], [], []>, transpose_lhs_hint = false} : vector<400x128xbf16>, vector<10112x128xbf16>, vector<400x10112xf32> -> vector<400x10112xf32>
    %add3A = vector.broadcast %broadcast_in_dim3A : vector<400x1xf32> to vector<400x10112xf32>
    %add3A_12 = vector.broadcast %get3A_10 : vector<1x10112xf32> to vector<400x10112xf32>
    %add3A_13 = arith.addf %add3A, %add3A_12 : vector<400x10112xf32>
    %mul3A_14 = arith.constant 2.000000e+00 : f32
    %mul3A_15 = vector.broadcast %mul3A_14 : f32 to vector<400x10112xf32>
    %mul3A_16 = arith.mulf %mul3A_15, %dot_general3A_11 : vector<400x10112xf32>
    %sub3A = arith.subf %add3A_13, %mul3A_16 : vector<400x10112xf32>
    %broadcast_in_dim3A_17 = arith.constant 0x7F800000 : f32
    %broadcast_in_dim3A_18 = vector.broadcast %broadcast_in_dim3A_17 : f32 to vector<400x128xf32>
    %broadcast_in_dim3A_19 = arith.constant 0x7F800000 : f32
    %broadcast_in_dim3A_20 = vector.broadcast %broadcast_in_dim3A_19 : f32 to vector<400x128xf32>
    %broadcast_in_dim3A_21 = arith.constant 0x7F800000 : f32
    %broadcast_in_dim3A_22 = vector.broadcast %broadcast_in_dim3A_21 : f32 to vector<400x128xf32>
    %broadcast_in_dim3A_23 = arith.constant 0x7F800000 : f32
    %broadcast_in_dim3A_24 = vector.broadcast %broadcast_in_dim3A_23 : f32 to vector<400x128xf32>
    %broadcast_in_dim3A_25 = arith.constant 0.000000e+00 : f32
    %broadcast_in_dim3A_26 = vector.broadcast %broadcast_in_dim3A_25 : f32 to vector<400x128xf32>
    %broadcast_in_dim3A_27 = arith.constant 0.000000e+00 : f32
    %broadcast_in_dim3A_28 = vector.broadcast %broadcast_in_dim3A_27 : f32 to vector<400x128xf32>
    %broadcast_in_dim3A_29 = arith.constant 0.000000e+00 : f32
    %broadcast_in_dim3A_30 = vector.broadcast %broadcast_in_dim3A_29 : f32 to vector<400x128xf32>
    %broadcast_in_dim3A_31 = arith.constant 0.000000e+00 : f32
    %broadcast_in_dim3A_32 = vector.broadcast %broadcast_in_dim3A_31 : f32 to vector<400x128xf32>
    %slice3A = vector.extract_strided_slice %sub3A {offsets = [0, 0], sizes = [400, 128], strides = [1, 1]} : vector<400x10112xf32> to vector<400x128xf32>
    %broadcast_in_dim3A_33 = arith.constant 0.000000e+00 : f32
    %broadcast_in_dim3A_34 = vector.broadcast %broadcast_in_dim3A_33 : f32 to vector<400x128xf32>
    %lt3A = arith.cmpf olt, %slice3A, %broadcast_in_dim3A_18 : vector<400x128xf32>
    %min3A = arith.minimumf %broadcast_in_dim3A_18, %slice3A : vector<400x128xf32>
    %max3A = arith.maximumf %broadcast_in_dim3A_18, %slice3A : vector<400x128xf32>
    %select_n3A = arith.select %lt3A, %broadcast_in_dim3A_34, %broadcast_in_dim3A_26 : vector<400x128xi1>, vector<400x128xf32>
    %select_n3A_35 = arith.select %lt3A, %broadcast_in_dim3A_26, %broadcast_in_dim3A_34 : vector<400x128xi1>, vector<400x128xf32>
    %lt3A_36 = arith.cmpf olt, %max3A, %broadcast_in_dim3A_20 : vector<400x128xf32>
    %min3A_37 = arith.minimumf %broadcast_in_dim3A_20, %max3A : vector<400x128xf32>
    %max3A_38 = arith.maximumf %broadcast_in_dim3A_20, %max3A : vector<400x128xf32>
    %select_n3A_39 = arith.select %lt3A_36, %select_n3A_35, %broadcast_in_dim3A_28 : vector<400x128xi1>, vector<400x128xf32>
    %select_n3A_40 = arith.select %lt3A_36, %broadcast_in_dim3A_28, %select_n3A_35 : vector<400x128xi1>, vector<400x128xf32>
    %lt3A_41 = arith.cmpf olt, %max3A_38, %broadcast_in_dim3A_22 : vector<400x128xf32>
    %min3A_42 = arith.minimumf %broadcast_in_dim3A_22, %max3A_38 : vector<400x128xf32>
    %max3A_43 = arith.maximumf %broadcast_in_dim3A_22, %max3A_38 : vector<400x128xf32>
    %select_n3A_44 = arith.select %lt3A_41, %select_n3A_40, %broadcast_in_dim3A_30 : vector<400x128xi1>, vector<400x128xf32>
    %select_n3A_45 = arith.select %lt3A_41, %broadcast_in_dim3A_30, %select_n3A_40 : vector<400x128xi1>, vector<400x128xf32>
    %lt3A_46 = arith.cmpf olt, %max3A_43, %broadcast_in_dim3A_24 : vector<400x128xf32>
    %min3A_47 = arith.minimumf %broadcast_in_dim3A_24, %max3A_43 : vector<400x128xf32>
    %select_n3A_48 = arith.select %lt3A_46, %select_n3A_45, %broadcast_in_dim3A_32 : vector<400x128xi1>, vector<400x128xf32>
    %slice3A_49 = vector.extract_strided_slice %sub3A {offsets = [0, 128], sizes = [400, 128], strides = [1, 1]} : vector<400x10112xf32> to vector<400x128xf32>
    %broadcast_in_dim3A_50 = arith.constant 1.000000e+00 : f32
    %broadcast_in_dim3A_51 = vector.broadcast %broadcast_in_dim3A_50 : f32 to vector<400x128xf32>
    %lt3A_52 = arith.cmpf olt, %slice3A_49, %min3A : vector<400x128xf32>
    %min3A_53 = arith.minimumf %min3A, %slice3A_49 : vector<400x128xf32>
    %max3A_54 = arith.maximumf %min3A, %slice3A_49 : vector<400x128xf32>
    %select_n3A_55 = arith.select %lt3A_52, %broadcast_in_dim3A_51, %select_n3A : vector<400x128xi1>, vector<400x128xf32>
    %select_n3A_56 = arith.select %lt3A_52, %select_n3A, %broadcast_in_dim3A_51 : vector<400x128xi1>, vector<400x128xf32>
    %lt3A_57 = arith.cmpf olt, %max3A_54, %min3A_37 : vector<400x128xf32>
    %min3A_58 = arith.minimumf %min3A_37, %max3A_54 : vector<400x128xf32>
    %max3A_59 = arith.maximumf %min3A_37, %max3A_54 : vector<400x128xf32>
    %select_n3A_60 = arith.select %lt3A_57, %select_n3A_56, %select_n3A_39 : vector<400x128xi1>, vector<400x128xf32>
    %select_n3A_61 = arith.select %lt3A_57, %select_n3A_39, %select_n3A_56 : vector<400x128xi1>, vector<400x128xf32>
    %lt3A_62 = arith.cmpf olt, %max3A_59, %min3A_42 : vector<400x128xf32>
    %min3A_63 = arith.minimumf %min3A_42, %max3A_59 : vector<400x128xf32>
    %max3A_64 = arith.maximumf %min3A_42, %max3A_59 : vector<400x128xf32>
    %select_n3A_65 = arith.select %lt3A_62, %select_n3A_61, %select_n3A_44 : vector<400x128xi1>, vector<400x128xf32>
    %select_n3A_66 = arith.select %lt3A_62, %select_n3A_44, %select_n3A_61 : vector<400x128xi1>, vector<400x128xf32>
    %lt3A_67 = arith.cmpf olt, %max3A_64, %min3A_47 : vector<400x128xf32>
    %min3A_68 = arith.minimumf %min3A_47, %max3A_64 : vector<400x128xf32>
    %select_n3A_69 = arith.select %lt3A_67, %select_n3A_66, %select_n3A_48 : vector<400x128xi1>, vector<400x128xf32>
    %slice3A_70 = vector.extract_strided_slice %sub3A {offsets = [0, 256], sizes = [400, 128], strides = [1, 1]} : vector<400x10112xf32> to vector<400x128xf32>
    %broadcast_in_dim3A_71 = arith.constant 2.000000e+00 : f32
    %broadcast_in_dim3A_72 = vector.broadcast %broadcast_in_dim3A_71 : f32 to vector<400x128xf32>
    %lt3A_73 = arith.cmpf olt, %slice3A_70, %min3A_53 : vector<400x128xf32>
    %min3A_74 = arith.minimumf %min3A_53, %slice3A_70 : vector<400x128xf32>
    %max3A_75 = arith.maximumf %min3A_53, %slice3A_70 : vector<400x128xf32>
    %select_n3A_76 = arith.select %lt3A_73, %broadcast_in_dim3A_72, %select_n3A_55 : vector<400x128xi1>, vector<400x128xf32>
    %select_n3A_77 = arith.select %lt3A_73, %select_n3A_55, %broadcast_in_dim3A_72 : vector<400x128xi1>, vector<400x128xf32>
    %lt3A_78 = arith.cmpf olt, %max3A_75, %min3A_58 : vector<400x128xf32>
    %min3A_79 = arith.minimumf %min3A_58, %max3A_75 : vector<400x128xf32>
    %max3A_80 = arith.maximumf %min3A_58, %max3A_75 : vector<400x128xf32>
    %select_n3A_81 = arith.select %lt3A_78, %select_n3A_77, %select_n3A_60 : vector<400x128xi1>, vector<400x128xf32>
    %select_n3A_82 = arith.select %lt3A_78, %select_n3A_60, %select_n3A_77 : vector<400x128xi1>, vector<400x128xf32>
    %lt3A_83 = arith.cmpf olt, %max3A_80, %min3A_63 : vector<400x128xf32>
    %min3A_84 = arith.minimumf %min3A_63, %max3A_80 : vector<400x128xf32>
    %max3A_85 = arith.maximumf %min3A_63, %max3A_80 : vector<400x128xf32>
    %select_n3A_86 = arith.select %lt3A_83, %select_n3A_82, %select_n3A_65 : vector<400x128xi1>, vector<400x128xf32>
    %select_n3A_87 = arith.select %lt3A_83, %select_n3A_65, %select_n3A_82 : vector<400x128xi1>, vector<400x128xf32>
    %lt3A_88 = arith.cmpf olt, %max3A_85, %min3A_68 : vector<400x128xf32>
    %min3A_89 = arith.minimumf %min3A_68, %max3A_85 : vector<400x128xf32>
    %select_n3A_90 = arith.select %lt3A_88, %select_n3A_87, %select_n3A_69 : vector<400x128xi1>, vector<400x128xf32>
    %slice3A_91 = vector.extract_strided_slice %sub3A {offsets = [0, 384], sizes = [400, 128], strides = [1, 1]} : vector<400x10112xf32> to vector<400x128xf32>
    %broadcast_in_dim3A_92 = arith.constant 3.000000e+00 : f32
    %broadcast_in_dim3A_93 = vector.broadcast %broadcast_in_dim3A_92 : f32 to vector<400x128xf32>
    %lt3A_94 = arith.cmpf olt, %slice3A_91, %min3A_74 : vector<400x128xf32>
    %min3A_95 = arith.minimumf %min3A_74, %slice3A_91 : vector<400x128xf32>
    %max3A_96 = arith.maximumf %min3A_74, %slice3A_91 : vector<400x128xf32>
    %select_n3A_97 = arith.select %lt3A_94, %broadcast_in_dim3A_93, %select_n3A_76 : vector<400x128xi1>, vector<400x128xf32>
    %select_n3A_98 = arith.select %lt3A_94, %select_n3A_76, %broadcast_in_dim3A_93 : vector<400x128xi1>, vector<400x128xf32>
    %lt3A_99 = arith.cmpf olt, %max3A_96, %min3A_79 : vector<400x128xf32>
    %min3A_100 = arith.minimumf %min3A_79, %max3A_96 : vector<400x128xf32>
    %max3A_101 = arith.maximumf %min3A_79, %max3A_96 : vector<400x128xf32>
    %select_n3A_102 = arith.select %lt3A_99, %select_n3A_98, %select_n3A_81 : vector<400x128xi1>, vector<400x128xf32>
    %select_n3A_103 = arith.select %lt3A_99, %select_n3A_81, %select_n3A_98 : vector<400x128xi1>, vector<400x128xf32>
    %lt3A_104 = arith.cmpf olt, %max3A_101, %min3A_84 : vector<400x128xf32>
    %min3A_105 = arith.minimumf %min3A_84, %max3A_101 : vector<400x128xf32>
    %max3A_106 = arith.maximumf %min3A_84, %max3A_101 : vector<400x128xf32>
    %select_n3A_107 = arith.select %lt3A_104, %select_n3A_103, %select_n3A_86 : vector<400x128xi1>, vector<400x128xf32>
    %select_n3A_108 = arith.select %lt3A_104, %select_n3A_86, %select_n3A_103 : vector<400x128xi1>, vector<400x128xf32>
    %lt3A_109 = arith.cmpf olt, %max3A_106, %min3A_89 : vector<400x128xf32>
    %min3A_110 = arith.minimumf %min3A_89, %max3A_106 : vector<400x128xf32>
    %select_n3A_111 = arith.select %lt3A_109, %select_n3A_108, %select_n3A_90 : vector<400x128xi1>, vector<400x128xf32>
    %slice3A_112 = vector.extract_strided_slice %sub3A {offsets = [0, 512], sizes = [400, 128], strides = [1, 1]} : vector<400x10112xf32> to vector<400x128xf32>
    %broadcast_in_dim3A_113 = arith.constant 4.000000e+00 : f32
    %broadcast_in_dim3A_114 = vector.broadcast %broadcast_in_dim3A_113 : f32 to vector<400x128xf32>
    %lt3A_115 = arith.cmpf olt, %slice3A_112, %min3A_95 : vector<400x128xf32>
    %min3A_116 = arith.minimumf %min3A_95, %slice3A_112 : vector<400x128xf32>
    %max3A_117 = arith.maximumf %min3A_95, %slice3A_112 : vector<400x128xf32>
    %select_n3A_118 = arith.select %lt3A_115, %broadcast_in_dim3A_114, %select_n3A_97 : vector<400x128xi1>, vector<400x128xf32>
    %select_n3A_119 = arith.select %lt3A_115, %select_n3A_97, %broadcast_in_dim3A_114 : vector<400x128xi1>, vector<400x128xf32>
    %lt3A_120 = arith.cmpf olt, %max3A_117, %min3A_100 : vector<400x128xf32>
    %min3A_121 = arith.minimumf %min3A_100, %max3A_117 : vector<400x128xf32>
    %max3A_122 = arith.maximumf %min3A_100, %max3A_117 : vector<400x128xf32>
    %select_n3A_123 = arith.select %lt3A_120, %select_n3A_119, %select_n3A_102 : vector<400x128xi1>, vector<400x128xf32>
    %select_n3A_124 = arith.select %lt3A_120, %select_n3A_102, %select_n3A_119 : vector<400x128xi1>, vector<400x128xf32>
    %lt3A_125 = arith.cmpf olt, %max3A_122, %min3A_105 : vector<400x128xf32>
    %min3A_126 = arith.minimumf %min3A_105, %max3A_122 : vector<400x128xf32>
    %max3A_127 = arith.maximumf %min3A_105, %max3A_122 : vector<400x128xf32>
    %select_n3A_128 = arith.select %lt3A_125, %select_n3A_124, %select_n3A_107 : vector<400x128xi1>, vector<400x128xf32>
    %select_n3A_129 = arith.select %lt3A_125, %select_n3A_107, %select_n3A_124 : vector<400x128xi1>, vector<400x128xf32>
    %lt3A_130 = arith.cmpf olt, %max3A_127, %min3A_110 : vector<400x128xf32>
    %min3A_131 = arith.minimumf %min3A_110, %max3A_127 : vector<400x128xf32>
    %select_n3A_132 = arith.select %lt3A_130, %select_n3A_129, %select_n3A_111 : vector<400x128xi1>, vector<400x128xf32>
    %slice3A_133 = vector.extract_strided_slice %sub3A {offsets = [0, 640], sizes = [400, 128], strides = [1, 1]} : vector<400x10112xf32> to vector<400x128xf32>
    %broadcast_in_dim3A_134 = arith.constant 5.000000e+00 : f32
    %broadcast_in_dim3A_135 = vector.broadcast %broadcast_in_dim3A_134 : f32 to vector<400x128xf32>
    %lt3A_136 = arith.cmpf olt, %slice3A_133, %min3A_116 : vector<400x128xf32>
    %min3A_137 = arith.minimumf %min3A_116, %slice3A_133 : vector<400x128xf32>
    %max3A_138 = arith.maximumf %min3A_116, %slice3A_133 : vector<400x128xf32>
    %select_n3A_139 = arith.select %lt3A_136, %broadcast_in_dim3A_135, %select_n3A_118 : vector<400x128xi1>, vector<400x128xf32>
    %select_n3A_140 = arith.select %lt3A_136, %select_n3A_118, %broadcast_in_dim3A_135 : vector<400x128xi1>, vector<400x128xf32>
    %lt3A_141 = arith.cmpf olt, %max3A_138, %min3A_121 : vector<400x128xf32>
    %min3A_142 = arith.minimumf %min3A_121, %max3A_138 : vector<400x128xf32>
    %max3A_143 = arith.maximumf %min3A_121, %max3A_138 : vector<400x128xf32>
    %select_n3A_144 = arith.select %lt3A_141, %select_n3A_140, %select_n3A_123 : vector<400x128xi1>, vector<400x128xf32>
    %select_n3A_145 = arith.select %lt3A_141, %select_n3A_123, %select_n3A_140 : vector<400x128xi1>, vector<400x128xf32>
    %lt3A_146 = arith.cmpf olt, %max3A_143, %min3A_126 : vector<400x128xf32>
    %min3A_147 = arith.minimumf %min3A_126, %max3A_143 : vector<400x128xf32>
    %max3A_148 = arith.maximumf %min3A_126, %max3A_143 : vector<400x128xf32>
    %select_n3A_149 = arith.select %lt3A_146, %select_n3A_145, %select_n3A_128 : vector<400x128xi1>, vector<400x128xf32>
    %select_n3A_150 = arith.select %lt3A_146, %select_n3A_128, %select_n3A_145 : vector<400x128xi1>, vector<400x128xf32>
    %lt3A_151 = arith.cmpf olt, %max3A_148, %min3A_131 : vector<400x128xf32>
    %min3A_152 = arith.minimumf %min3A_131, %max3A_148 : vector<400x128xf32>
    %select_n3A_153 = arith.select %lt3A_151, %select_n3A_150, %select_n3A_132 : vector<400x128xi1>, vector<400x128xf32>
    %slice3A_154 = vector.extract_strided_slice %sub3A {offsets = [0, 768], sizes = [400, 128], strides = [1, 1]} : vector<400x10112xf32> to vector<400x128xf32>
    %broadcast_in_dim3A_155 = arith.constant 6.000000e+00 : f32
    %broadcast_in_dim3A_156 = vector.broadcast %broadcast_in_dim3A_155 : f32 to vector<400x128xf32>
    %lt3A_157 = arith.cmpf olt, %slice3A_154, %min3A_137 : vector<400x128xf32>
    %min3A_158 = arith.minimumf %min3A_137, %slice3A_154 : vector<400x128xf32>
    %max3A_159 = arith.maximumf %min3A_137, %slice3A_154 : vector<400x128xf32>
    %select_n3A_160 = arith.select %lt3A_157, %broadcast_in_dim3A_156, %select_n3A_139 : vector<400x128xi1>, vector<400x128xf32>
    %select_n3A_161 = arith.select %lt3A_157, %select_n3A_139, %broadcast_in_dim3A_156 : vector<400x128xi1>, vector<400x128xf32>
    %lt3A_162 = arith.cmpf olt, %max3A_159, %min3A_142 : vector<400x128xf32>
    %min3A_163 = arith.minimumf %min3A_142, %max3A_159 : vector<400x128xf32>
    %max3A_164 = arith.maximumf %min3A_142, %max3A_159 : vector<400x128xf32>
    %select_n3A_165 = arith.select %lt3A_162, %select_n3A_161, %select_n3A_144 : vector<400x128xi1>, vector<400x128xf32>
    %select_n3A_166 = arith.select %lt3A_162, %select_n3A_144, %select_n3A_161 : vector<400x128xi1>, vector<400x128xf32>
    %lt3A_167 = arith.cmpf olt, %max3A_164, %min3A_147 : vector<400x128xf32>
    %min3A_168 = arith.minimumf %min3A_147, %max3A_164 : vector<400x128xf32>
    %max3A_169 = arith.maximumf %min3A_147, %max3A_164 : vector<400x128xf32>
    %select_n3A_170 = arith.select %lt3A_167, %select_n3A_166, %select_n3A_149 : vector<400x128xi1>, vector<400x128xf32>
    %select_n3A_171 = arith.select %lt3A_167, %select_n3A_149, %select_n3A_166 : vector<400x128xi1>, vector<400x128xf32>
    %lt3A_172 = arith.cmpf olt, %max3A_169, %min3A_152 : vector<400x128xf32>
    %min3A_173 = arith.minimumf %min3A_152, %max3A_169 : vector<400x128xf32>
    %select_n3A_174 = arith.select %lt3A_172, %select_n3A_171, %select_n3A_153 : vector<400x128xi1>, vector<400x128xf32>
    %slice3A_175 = vector.extract_strided_slice %sub3A {offsets = [0, 896], sizes = [400, 128], strides = [1, 1]} : vector<400x10112xf32> to vector<400x128xf32>
    %broadcast_in_dim3A_176 = arith.constant 7.000000e+00 : f32
    %broadcast_in_dim3A_177 = vector.broadcast %broadcast_in_dim3A_176 : f32 to vector<400x128xf32>
    %lt3A_178 = arith.cmpf olt, %slice3A_175, %min3A_158 : vector<400x128xf32>
    %min3A_179 = arith.minimumf %min3A_158, %slice3A_175 : vector<400x128xf32>
    %max3A_180 = arith.maximumf %min3A_158, %slice3A_175 : vector<400x128xf32>
    %select_n3A_181 = arith.select %lt3A_178, %broadcast_in_dim3A_177, %select_n3A_160 : vector<400x128xi1>, vector<400x128xf32>
    %select_n3A_182 = arith.select %lt3A_178, %select_n3A_160, %broadcast_in_dim3A_177 : vector<400x128xi1>, vector<400x128xf32>
    %lt3A_183 = arith.cmpf olt, %max3A_180, %min3A_163 : vector<400x128xf32>
    %min3A_184 = arith.minimumf %min3A_163, %max3A_180 : vector<400x128xf32>
    %max3A_185 = arith.maximumf %min3A_163, %max3A_180 : vector<400x128xf32>
    %select_n3A_186 = arith.select %lt3A_183, %select_n3A_182, %select_n3A_165 : vector<400x128xi1>, vector<400x128xf32>
    %select_n3A_187 = arith.select %lt3A_183, %select_n3A_165, %select_n3A_182 : vector<400x128xi1>, vector<400x128xf32>
    %lt3A_188 = arith.cmpf olt, %max3A_185, %min3A_168 : vector<400x128xf32>
    %min3A_189 = arith.minimumf %min3A_168, %max3A_185 : vector<400x128xf32>
    %max3A_190 = arith.maximumf %min3A_168, %max3A_185 : vector<400x128xf32>
    %select_n3A_191 = arith.select %lt3A_188, %select_n3A_187, %select_n3A_170 : vector<400x128xi1>, vector<400x128xf32>
    %select_n3A_192 = arith.select %lt3A_188, %select_n3A_170, %select_n3A_187 : vector<400x128xi1>, vector<400x128xf32>
    %lt3A_193 = arith.cmpf olt, %max3A_190, %min3A_173 : vector<400x128xf32>
    %min3A_194 = arith.minimumf %min3A_173, %max3A_190 : vector<400x128xf32>
    %select_n3A_195 = arith.select %lt3A_193, %select_n3A_192, %select_n3A_174 : vector<400x128xi1>, vector<400x128xf32>
    %slice3A_196 = vector.extract_strided_slice %sub3A {offsets = [0, 1024], sizes = [400, 128], strides = [1, 1]} : vector<400x10112xf32> to vector<400x128xf32>
    %broadcast_in_dim3A_197 = arith.constant 8.000000e+00 : f32
    %broadcast_in_dim3A_198 = vector.broadcast %broadcast_in_dim3A_197 : f32 to vector<400x128xf32>
    %lt3A_199 = arith.cmpf olt, %slice3A_196, %min3A_179 : vector<400x128xf32>
    %min3A_200 = arith.minimumf %min3A_179, %slice3A_196 : vector<400x128xf32>
    %max3A_201 = arith.maximumf %min3A_179, %slice3A_196 : vector<400x128xf32>
    %select_n3A_202 = arith.select %lt3A_199, %broadcast_in_dim3A_198, %select_n3A_181 : vector<400x128xi1>, vector<400x128xf32>
    %select_n3A_203 = arith.select %lt3A_199, %select_n3A_181, %broadcast_in_dim3A_198 : vector<400x128xi1>, vector<400x128xf32>
    %lt3A_204 = arith.cmpf olt, %max3A_201, %min3A_184 : vector<400x128xf32>
    %min3A_205 = arith.minimumf %min3A_184, %max3A_201 : vector<400x128xf32>
    %max3A_206 = arith.maximumf %min3A_184, %max3A_201 : vector<400x128xf32>
    %select_n3A_207 = arith.select %lt3A_204, %select_n3A_203, %select_n3A_186 : vector<400x128xi1>, vector<400x128xf32>
    %select_n3A_208 = arith.select %lt3A_204, %select_n3A_186, %select_n3A_203 : vector<400x128xi1>, vector<400x128xf32>
    %lt3A_209 = arith.cmpf olt, %max3A_206, %min3A_189 : vector<400x128xf32>
    %min3A_210 = arith.minimumf %min3A_189, %max3A_206 : vector<400x128xf32>
    %max3A_211 = arith.maximumf %min3A_189, %max3A_206 : vector<400x128xf32>
    %select_n3A_212 = arith.select %lt3A_209, %select_n3A_208, %select_n3A_191 : vector<400x128xi1>, vector<400x128xf32>
    %select_n3A_213 = arith.select %lt3A_209, %select_n3A_191, %select_n3A_208 : vector<400x128xi1>, vector<400x128xf32>
    %lt3A_214 = arith.cmpf olt, %max3A_211, %min3A_194 : vector<400x128xf32>
    %min3A_215 = arith.minimumf %min3A_194, %max3A_211 : vector<400x128xf32>
    %select_n3A_216 = arith.select %lt3A_214, %select_n3A_213, %select_n3A_195 : vector<400x128xi1>, vector<400x128xf32>
    %slice3A_217 = vector.extract_strided_slice %sub3A {offsets = [0, 1152], sizes = [400, 128], strides = [1, 1]} : vector<400x10112xf32> to vector<400x128xf32>
    %broadcast_in_dim3A_218 = arith.constant 9.000000e+00 : f32
    %broadcast_in_dim3A_219 = vector.broadcast %broadcast_in_dim3A_218 : f32 to vector<400x128xf32>
    %lt3A_220 = arith.cmpf olt, %slice3A_217, %min3A_200 : vector<400x128xf32>
    %min3A_221 = arith.minimumf %min3A_200, %slice3A_217 : vector<400x128xf32>
    %max3A_222 = arith.maximumf %min3A_200, %slice3A_217 : vector<400x128xf32>
    %select_n3A_223 = arith.select %lt3A_220, %broadcast_in_dim3A_219, %select_n3A_202 : vector<400x128xi1>, vector<400x128xf32>
    %select_n3A_224 = arith.select %lt3A_220, %select_n3A_202, %broadcast_in_dim3A_219 : vector<400x128xi1>, vector<400x128xf32>
    %lt3A_225 = arith.cmpf olt, %max3A_222, %min3A_205 : vector<400x128xf32>
    %min3A_226 = arith.minimumf %min3A_205, %max3A_222 : vector<400x128xf32>
    %max3A_227 = arith.maximumf %min3A_205, %max3A_222 : vector<400x128xf32>
    %select_n3A_228 = arith.select %lt3A_225, %select_n3A_224, %select_n3A_207 : vector<400x128xi1>, vector<400x128xf32>
    %select_n3A_229 = arith.select %lt3A_225, %select_n3A_207, %select_n3A_224 : vector<400x128xi1>, vector<400x128xf32>
    %lt3A_230 = arith.cmpf olt, %max3A_227, %min3A_210 : vector<400x128xf32>
    %min3A_231 = arith.minimumf %min3A_210, %max3A_227 : vector<400x128xf32>
    %max3A_232 = arith.maximumf %min3A_210, %max3A_227 : vector<400x128xf32>
    %select_n3A_233 = arith.select %lt3A_230, %select_n3A_229, %select_n3A_212 : vector<400x128xi1>, vector<400x128xf32>
    %select_n3A_234 = arith.select %lt3A_230, %select_n3A_212, %select_n3A_229 : vector<400x128xi1>, vector<400x128xf32>
    %lt3A_235 = arith.cmpf olt, %max3A_232, %min3A_215 : vector<400x128xf32>
    %min3A_236 = arith.minimumf %min3A_215, %max3A_232 : vector<400x128xf32>
    %select_n3A_237 = arith.select %lt3A_235, %select_n3A_234, %select_n3A_216 : vector<400x128xi1>, vector<400x128xf32>
    %slice3A_238 = vector.extract_strided_slice %sub3A {offsets = [0, 1280], sizes = [400, 128], strides = [1, 1]} : vector<400x10112xf32> to vector<400x128xf32>
    %broadcast_in_dim3A_239 = arith.constant 1.000000e+01 : f32
    %broadcast_in_dim3A_240 = vector.broadcast %broadcast_in_dim3A_239 : f32 to vector<400x128xf32>
    %lt3A_241 = arith.cmpf olt, %slice3A_238, %min3A_221 : vector<400x128xf32>
    %min3A_242 = arith.minimumf %min3A_221, %slice3A_238 : vector<400x128xf32>
    %max3A_243 = arith.maximumf %min3A_221, %slice3A_238 : vector<400x128xf32>
    %select_n3A_244 = arith.select %lt3A_241, %broadcast_in_dim3A_240, %select_n3A_223 : vector<400x128xi1>, vector<400x128xf32>
    %select_n3A_245 = arith.select %lt3A_241, %select_n3A_223, %broadcast_in_dim3A_240 : vector<400x128xi1>, vector<400x128xf32>
    %lt3A_246 = arith.cmpf olt, %max3A_243, %min3A_226 : vector<400x128xf32>
    %min3A_247 = arith.minimumf %min3A_226, %max3A_243 : vector<400x128xf32>
    %max3A_248 = arith.maximumf %min3A_226, %max3A_243 : vector<400x128xf32>
    %select_n3A_249 = arith.select %lt3A_246, %select_n3A_245, %select_n3A_228 : vector<400x128xi1>, vector<400x128xf32>
    %select_n3A_250 = arith.select %lt3A_246, %select_n3A_228, %select_n3A_245 : vector<400x128xi1>, vector<400x128xf32>
    %lt3A_251 = arith.cmpf olt, %max3A_248, %min3A_231 : vector<400x128xf32>
    %min3A_252 = arith.minimumf %min3A_231, %max3A_248 : vector<400x128xf32>
    %max3A_253 = arith.maximumf %min3A_231, %max3A_248 : vector<400x128xf32>
    %select_n3A_254 = arith.select %lt3A_251, %select_n3A_250, %select_n3A_233 : vector<400x128xi1>, vector<400x128xf32>
    %select_n3A_255 = arith.select %lt3A_251, %select_n3A_233, %select_n3A_250 : vector<400x128xi1>, vector<400x128xf32>
    %lt3A_256 = arith.cmpf olt, %max3A_253, %min3A_236 : vector<400x128xf32>
    %min3A_257 = arith.minimumf %min3A_236, %max3A_253 : vector<400x128xf32>
    %select_n3A_258 = arith.select %lt3A_256, %select_n3A_255, %select_n3A_237 : vector<400x128xi1>, vector<400x128xf32>
    %slice3A_259 = vector.extract_strided_slice %sub3A {offsets = [0, 1408], sizes = [400, 128], strides = [1, 1]} : vector<400x10112xf32> to vector<400x128xf32>
    %broadcast_in_dim3A_260 = arith.constant 1.100000e+01 : f32
    %broadcast_in_dim3A_261 = vector.broadcast %broadcast_in_dim3A_260 : f32 to vector<400x128xf32>
    %lt3A_262 = arith.cmpf olt, %slice3A_259, %min3A_242 : vector<400x128xf32>
    %min3A_263 = arith.minimumf %min3A_242, %slice3A_259 : vector<400x128xf32>
    %max3A_264 = arith.maximumf %min3A_242, %slice3A_259 : vector<400x128xf32>
    %select_n3A_265 = arith.select %lt3A_262, %broadcast_in_dim3A_261, %select_n3A_244 : vector<400x128xi1>, vector<400x128xf32>
    %select_n3A_266 = arith.select %lt3A_262, %select_n3A_244, %broadcast_in_dim3A_261 : vector<400x128xi1>, vector<400x128xf32>
    %lt3A_267 = arith.cmpf olt, %max3A_264, %min3A_247 : vector<400x128xf32>
    %min3A_268 = arith.minimumf %min3A_247, %max3A_264 : vector<400x128xf32>
    %max3A_269 = arith.maximumf %min3A_247, %max3A_264 : vector<400x128xf32>
    %select_n3A_270 = arith.select %lt3A_267, %select_n3A_266, %select_n3A_249 : vector<400x128xi1>, vector<400x128xf32>
    %select_n3A_271 = arith.select %lt3A_267, %select_n3A_249, %select_n3A_266 : vector<400x128xi1>, vector<400x128xf32>
    %lt3A_272 = arith.cmpf olt, %max3A_269, %min3A_252 : vector<400x128xf32>
    %min3A_273 = arith.minimumf %min3A_252, %max3A_269 : vector<400x128xf32>
    %max3A_274 = arith.maximumf %min3A_252, %max3A_269 : vector<400x128xf32>
    %select_n3A_275 = arith.select %lt3A_272, %select_n3A_271, %select_n3A_254 : vector<400x128xi1>, vector<400x128xf32>
    %select_n3A_276 = arith.select %lt3A_272, %select_n3A_254, %select_n3A_271 : vector<400x128xi1>, vector<400x128xf32>
    %lt3A_277 = arith.cmpf olt, %max3A_274, %min3A_257 : vector<400x128xf32>
    %min3A_278 = arith.minimumf %min3A_257, %max3A_274 : vector<400x128xf32>
    %select_n3A_279 = arith.select %lt3A_277, %select_n3A_276, %select_n3A_258 : vector<400x128xi1>, vector<400x128xf32>
    %slice3A_280 = vector.extract_strided_slice %sub3A {offsets = [0, 1536], sizes = [400, 128], strides = [1, 1]} : vector<400x10112xf32> to vector<400x128xf32>
    %broadcast_in_dim3A_281 = arith.constant 1.200000e+01 : f32
    %broadcast_in_dim3A_282 = vector.broadcast %broadcast_in_dim3A_281 : f32 to vector<400x128xf32>
    %lt3A_283 = arith.cmpf olt, %slice3A_280, %min3A_263 : vector<400x128xf32>
    %min3A_284 = arith.minimumf %min3A_263, %slice3A_280 : vector<400x128xf32>
    %max3A_285 = arith.maximumf %min3A_263, %slice3A_280 : vector<400x128xf32>
    %select_n3A_286 = arith.select %lt3A_283, %broadcast_in_dim3A_282, %select_n3A_265 : vector<400x128xi1>, vector<400x128xf32>
    %select_n3A_287 = arith.select %lt3A_283, %select_n3A_265, %broadcast_in_dim3A_282 : vector<400x128xi1>, vector<400x128xf32>
    %lt3A_288 = arith.cmpf olt, %max3A_285, %min3A_268 : vector<400x128xf32>
    %min3A_289 = arith.minimumf %min3A_268, %max3A_285 : vector<400x128xf32>
    %max3A_290 = arith.maximumf %min3A_268, %max3A_285 : vector<400x128xf32>
    %select_n3A_291 = arith.select %lt3A_288, %select_n3A_287, %select_n3A_270 : vector<400x128xi1>, vector<400x128xf32>
    %select_n3A_292 = arith.select %lt3A_288, %select_n3A_270, %select_n3A_287 : vector<400x128xi1>, vector<400x128xf32>
    %lt3A_293 = arith.cmpf olt, %max3A_290, %min3A_273 : vector<400x128xf32>
    %min3A_294 = arith.minimumf %min3A_273, %max3A_290 : vector<400x128xf32>
    %max3A_295 = arith.maximumf %min3A_273, %max3A_290 : vector<400x128xf32>
    %select_n3A_296 = arith.select %lt3A_293, %select_n3A_292, %select_n3A_275 : vector<400x128xi1>, vector<400x128xf32>
    %select_n3A_297 = arith.select %lt3A_293, %select_n3A_275, %select_n3A_292 : vector<400x128xi1>, vector<400x128xf32>
    %lt3A_298 = arith.cmpf olt, %max3A_295, %min3A_278 : vector<400x128xf32>
    %min3A_299 = arith.minimumf %min3A_278, %max3A_295 : vector<400x128xf32>
    %select_n3A_300 = arith.select %lt3A_298, %select_n3A_297, %select_n3A_279 : vector<400x128xi1>, vector<400x128xf32>
    %slice3A_301 = vector.extract_strided_slice %sub3A {offsets = [0, 1664], sizes = [400, 128], strides = [1, 1]} : vector<400x10112xf32> to vector<400x128xf32>
    %broadcast_in_dim3A_302 = arith.constant 1.300000e+01 : f32
    %broadcast_in_dim3A_303 = vector.broadcast %broadcast_in_dim3A_302 : f32 to vector<400x128xf32>
    %lt3A_304 = arith.cmpf olt, %slice3A_301, %min3A_284 : vector<400x128xf32>
    %min3A_305 = arith.minimumf %min3A_284, %slice3A_301 : vector<400x128xf32>
    %max3A_306 = arith.maximumf %min3A_284, %slice3A_301 : vector<400x128xf32>
    %select_n3A_307 = arith.select %lt3A_304, %broadcast_in_dim3A_303, %select_n3A_286 : vector<400x128xi1>, vector<400x128xf32>
    %select_n3A_308 = arith.select %lt3A_304, %select_n3A_286, %broadcast_in_dim3A_303 : vector<400x128xi1>, vector<400x128xf32>
    %lt3A_309 = arith.cmpf olt, %max3A_306, %min3A_289 : vector<400x128xf32>
    %min3A_310 = arith.minimumf %min3A_289, %max3A_306 : vector<400x128xf32>
    %max3A_311 = arith.maximumf %min3A_289, %max3A_306 : vector<400x128xf32>
    %select_n3A_312 = arith.select %lt3A_309, %select_n3A_308, %select_n3A_291 : vector<400x128xi1>, vector<400x128xf32>
    %select_n3A_313 = arith.select %lt3A_309, %select_n3A_291, %select_n3A_308 : vector<400x128xi1>, vector<400x128xf32>
    %lt3A_314 = arith.cmpf olt, %max3A_311, %min3A_294 : vector<400x128xf32>
    %min3A_315 = arith.minimumf %min3A_294, %max3A_311 : vector<400x128xf32>
    %max3A_316 = arith.maximumf %min3A_294, %max3A_311 : vector<400x128xf32>
    %select_n3A_317 = arith.select %lt3A_314, %select_n3A_313, %select_n3A_296 : vector<400x128xi1>, vector<400x128xf32>
    %select_n3A_318 = arith.select %lt3A_314, %select_n3A_296, %select_n3A_313 : vector<400x128xi1>, vector<400x128xf32>
    %lt3A_319 = arith.cmpf olt, %max3A_316, %min3A_299 : vector<400x128xf32>
    %min3A_320 = arith.minimumf %min3A_299, %max3A_316 : vector<400x128xf32>
    %select_n3A_321 = arith.select %lt3A_319, %select_n3A_318, %select_n3A_300 : vector<400x128xi1>, vector<400x128xf32>
    %slice3A_322 = vector.extract_strided_slice %sub3A {offsets = [0, 1792], sizes = [400, 128], strides = [1, 1]} : vector<400x10112xf32> to vector<400x128xf32>
    %broadcast_in_dim3A_323 = arith.constant 1.400000e+01 : f32
    %broadcast_in_dim3A_324 = vector.broadcast %broadcast_in_dim3A_323 : f32 to vector<400x128xf32>
    %lt3A_325 = arith.cmpf olt, %slice3A_322, %min3A_305 : vector<400x128xf32>
    %min3A_326 = arith.minimumf %min3A_305, %slice3A_322 : vector<400x128xf32>
    %max3A_327 = arith.maximumf %min3A_305, %slice3A_322 : vector<400x128xf32>
    %select_n3A_328 = arith.select %lt3A_325, %broadcast_in_dim3A_324, %select_n3A_307 : vector<400x128xi1>, vector<400x128xf32>
    %select_n3A_329 = arith.select %lt3A_325, %select_n3A_307, %broadcast_in_dim3A_324 : vector<400x128xi1>, vector<400x128xf32>
    %lt3A_330 = arith.cmpf olt, %max3A_327, %min3A_310 : vector<400x128xf32>
    %min3A_331 = arith.minimumf %min3A_310, %max3A_327 : vector<400x128xf32>
    %max3A_332 = arith.maximumf %min3A_310, %max3A_327 : vector<400x128xf32>
    %select_n3A_333 = arith.select %lt3A_330, %select_n3A_329, %select_n3A_312 : vector<400x128xi1>, vector<400x128xf32>
    %select_n3A_334 = arith.select %lt3A_330, %select_n3A_312, %select_n3A_329 : vector<400x128xi1>, vector<400x128xf32>
    %lt3A_335 = arith.cmpf olt, %max3A_332, %min3A_315 : vector<400x128xf32>
    %min3A_336 = arith.minimumf %min3A_315, %max3A_332 : vector<400x128xf32>
    %max3A_337 = arith.maximumf %min3A_315, %max3A_332 : vector<400x128xf32>
    %select_n3A_338 = arith.select %lt3A_335, %select_n3A_334, %select_n3A_317 : vector<400x128xi1>, vector<400x128xf32>
    %select_n3A_339 = arith.select %lt3A_335, %select_n3A_317, %select_n3A_334 : vector<400x128xi1>, vector<400x128xf32>
    %lt3A_340 = arith.cmpf olt, %max3A_337, %min3A_320 : vector<400x128xf32>
    %min3A_341 = arith.minimumf %min3A_320, %max3A_337 : vector<400x128xf32>
    %select_n3A_342 = arith.select %lt3A_340, %select_n3A_339, %select_n3A_321 : vector<400x128xi1>, vector<400x128xf32>
    %slice3A_343 = vector.extract_strided_slice %sub3A {offsets = [0, 1920], sizes = [400, 128], strides = [1, 1]} : vector<400x10112xf32> to vector<400x128xf32>
    %broadcast_in_dim3A_344 = arith.constant 1.500000e+01 : f32
    %broadcast_in_dim3A_345 = vector.broadcast %broadcast_in_dim3A_344 : f32 to vector<400x128xf32>
    %lt3A_346 = arith.cmpf olt, %slice3A_343, %min3A_326 : vector<400x128xf32>
    %min3A_347 = arith.minimumf %min3A_326, %slice3A_343 : vector<400x128xf32>
    %max3A_348 = arith.maximumf %min3A_326, %slice3A_343 : vector<400x128xf32>
    %select_n3A_349 = arith.select %lt3A_346, %broadcast_in_dim3A_345, %select_n3A_328 : vector<400x128xi1>, vector<400x128xf32>
    %select_n3A_350 = arith.select %lt3A_346, %select_n3A_328, %broadcast_in_dim3A_345 : vector<400x128xi1>, vector<400x128xf32>
    %lt3A_351 = arith.cmpf olt, %max3A_348, %min3A_331 : vector<400x128xf32>
    %min3A_352 = arith.minimumf %min3A_331, %max3A_348 : vector<400x128xf32>
    %max3A_353 = arith.maximumf %min3A_331, %max3A_348 : vector<400x128xf32>
    %select_n3A_354 = arith.select %lt3A_351, %select_n3A_350, %select_n3A_333 : vector<400x128xi1>, vector<400x128xf32>
    %select_n3A_355 = arith.select %lt3A_351, %select_n3A_333, %select_n3A_350 : vector<400x128xi1>, vector<400x128xf32>
    %lt3A_356 = arith.cmpf olt, %max3A_353, %min3A_336 : vector<400x128xf32>
    %min3A_357 = arith.minimumf %min3A_336, %max3A_353 : vector<400x128xf32>
    %max3A_358 = arith.maximumf %min3A_336, %max3A_353 : vector<400x128xf32>
    %select_n3A_359 = arith.select %lt3A_356, %select_n3A_355, %select_n3A_338 : vector<400x128xi1>, vector<400x128xf32>
    %select_n3A_360 = arith.select %lt3A_356, %select_n3A_338, %select_n3A_355 : vector<400x128xi1>, vector<400x128xf32>
    %lt3A_361 = arith.cmpf olt, %max3A_358, %min3A_341 : vector<400x128xf32>
    %min3A_362 = arith.minimumf %min3A_341, %max3A_358 : vector<400x128xf32>
    %select_n3A_363 = arith.select %lt3A_361, %select_n3A_360, %select_n3A_342 : vector<400x128xi1>, vector<400x128xf32>
    %slice3A_364 = vector.extract_strided_slice %sub3A {offsets = [0, 2048], sizes = [400, 128], strides = [1, 1]} : vector<400x10112xf32> to vector<400x128xf32>
    %broadcast_in_dim3A_365 = arith.constant 1.600000e+01 : f32
    %broadcast_in_dim3A_366 = vector.broadcast %broadcast_in_dim3A_365 : f32 to vector<400x128xf32>
    %lt3A_367 = arith.cmpf olt, %slice3A_364, %min3A_347 : vector<400x128xf32>
    %min3A_368 = arith.minimumf %min3A_347, %slice3A_364 : vector<400x128xf32>
    %max3A_369 = arith.maximumf %min3A_347, %slice3A_364 : vector<400x128xf32>
    %select_n3A_370 = arith.select %lt3A_367, %broadcast_in_dim3A_366, %select_n3A_349 : vector<400x128xi1>, vector<400x128xf32>
    %select_n3A_371 = arith.select %lt3A_367, %select_n3A_349, %broadcast_in_dim3A_366 : vector<400x128xi1>, vector<400x128xf32>
    %lt3A_372 = arith.cmpf olt, %max3A_369, %min3A_352 : vector<400x128xf32>
    %min3A_373 = arith.minimumf %min3A_352, %max3A_369 : vector<400x128xf32>
    %max3A_374 = arith.maximumf %min3A_352, %max3A_369 : vector<400x128xf32>
    %select_n3A_375 = arith.select %lt3A_372, %select_n3A_371, %select_n3A_354 : vector<400x128xi1>, vector<400x128xf32>
    %select_n3A_376 = arith.select %lt3A_372, %select_n3A_354, %select_n3A_371 : vector<400x128xi1>, vector<400x128xf32>
    %lt3A_377 = arith.cmpf olt, %max3A_374, %min3A_357 : vector<400x128xf32>
    %min3A_378 = arith.minimumf %min3A_357, %max3A_374 : vector<400x128xf32>
    %max3A_379 = arith.maximumf %min3A_357, %max3A_374 : vector<400x128xf32>
    %select_n3A_380 = arith.select %lt3A_377, %select_n3A_376, %select_n3A_359 : vector<400x128xi1>, vector<400x128xf32>
    %select_n3A_381 = arith.select %lt3A_377, %select_n3A_359, %select_n3A_376 : vector<400x128xi1>, vector<400x128xf32>
    %lt3A_382 = arith.cmpf olt, %max3A_379, %min3A_362 : vector<400x128xf32>
    %min3A_383 = arith.minimumf %min3A_362, %max3A_379 : vector<400x128xf32>
    %select_n3A_384 = arith.select %lt3A_382, %select_n3A_381, %select_n3A_363 : vector<400x128xi1>, vector<400x128xf32>
    %slice3A_385 = vector.extract_strided_slice %sub3A {offsets = [0, 2176], sizes = [400, 128], strides = [1, 1]} : vector<400x10112xf32> to vector<400x128xf32>
    %broadcast_in_dim3A_386 = arith.constant 1.700000e+01 : f32
    %broadcast_in_dim3A_387 = vector.broadcast %broadcast_in_dim3A_386 : f32 to vector<400x128xf32>
    %lt3A_388 = arith.cmpf olt, %slice3A_385, %min3A_368 : vector<400x128xf32>
    %min3A_389 = arith.minimumf %min3A_368, %slice3A_385 : vector<400x128xf32>
    %max3A_390 = arith.maximumf %min3A_368, %slice3A_385 : vector<400x128xf32>
    %select_n3A_391 = arith.select %lt3A_388, %broadcast_in_dim3A_387, %select_n3A_370 : vector<400x128xi1>, vector<400x128xf32>
    %select_n3A_392 = arith.select %lt3A_388, %select_n3A_370, %broadcast_in_dim3A_387 : vector<400x128xi1>, vector<400x128xf32>
    %lt3A_393 = arith.cmpf olt, %max3A_390, %min3A_373 : vector<400x128xf32>
    %min3A_394 = arith.minimumf %min3A_373, %max3A_390 : vector<400x128xf32>
    %max3A_395 = arith.maximumf %min3A_373, %max3A_390 : vector<400x128xf32>
    %select_n3A_396 = arith.select %lt3A_393, %select_n3A_392, %select_n3A_375 : vector<400x128xi1>, vector<400x128xf32>
    %select_n3A_397 = arith.select %lt3A_393, %select_n3A_375, %select_n3A_392 : vector<400x128xi1>, vector<400x128xf32>
    %lt3A_398 = arith.cmpf olt, %max3A_395, %min3A_378 : vector<400x128xf32>
    %min3A_399 = arith.minimumf %min3A_378, %max3A_395 : vector<400x128xf32>
    %max3A_400 = arith.maximumf %min3A_378, %max3A_395 : vector<400x128xf32>
    %select_n3A_401 = arith.select %lt3A_398, %select_n3A_397, %select_n3A_380 : vector<400x128xi1>, vector<400x128xf32>
    %select_n3A_402 = arith.select %lt3A_398, %select_n3A_380, %select_n3A_397 : vector<400x128xi1>, vector<400x128xf32>
    %lt3A_403 = arith.cmpf olt, %max3A_400, %min3A_383 : vector<400x128xf32>
    %min3A_404 = arith.minimumf %min3A_383, %max3A_400 : vector<400x128xf32>
    %select_n3A_405 = arith.select %lt3A_403, %select_n3A_402, %select_n3A_384 : vector<400x128xi1>, vector<400x128xf32>
    %slice3A_406 = vector.extract_strided_slice %sub3A {offsets = [0, 2304], sizes = [400, 128], strides = [1, 1]} : vector<400x10112xf32> to vector<400x128xf32>
    %broadcast_in_dim3A_407 = arith.constant 1.800000e+01 : f32
    %broadcast_in_dim3A_408 = vector.broadcast %broadcast_in_dim3A_407 : f32 to vector<400x128xf32>
    %lt3A_409 = arith.cmpf olt, %slice3A_406, %min3A_389 : vector<400x128xf32>
    %min3A_410 = arith.minimumf %min3A_389, %slice3A_406 : vector<400x128xf32>
    %max3A_411 = arith.maximumf %min3A_389, %slice3A_406 : vector<400x128xf32>
    %select_n3A_412 = arith.select %lt3A_409, %broadcast_in_dim3A_408, %select_n3A_391 : vector<400x128xi1>, vector<400x128xf32>
    %select_n3A_413 = arith.select %lt3A_409, %select_n3A_391, %broadcast_in_dim3A_408 : vector<400x128xi1>, vector<400x128xf32>
    %lt3A_414 = arith.cmpf olt, %max3A_411, %min3A_394 : vector<400x128xf32>
    %min3A_415 = arith.minimumf %min3A_394, %max3A_411 : vector<400x128xf32>
    %max3A_416 = arith.maximumf %min3A_394, %max3A_411 : vector<400x128xf32>
    %select_n3A_417 = arith.select %lt3A_414, %select_n3A_413, %select_n3A_396 : vector<400x128xi1>, vector<400x128xf32>
    %select_n3A_418 = arith.select %lt3A_414, %select_n3A_396, %select_n3A_413 : vector<400x128xi1>, vector<400x128xf32>
    %lt3A_419 = arith.cmpf olt, %max3A_416, %min3A_399 : vector<400x128xf32>
    %min3A_420 = arith.minimumf %min3A_399, %max3A_416 : vector<400x128xf32>
    %max3A_421 = arith.maximumf %min3A_399, %max3A_416 : vector<400x128xf32>
    %select_n3A_422 = arith.select %lt3A_419, %select_n3A_418, %select_n3A_401 : vector<400x128xi1>, vector<400x128xf32>
    %select_n3A_423 = arith.select %lt3A_419, %select_n3A_401, %select_n3A_418 : vector<400x128xi1>, vector<400x128xf32>
    %lt3A_424 = arith.cmpf olt, %max3A_421, %min3A_404 : vector<400x128xf32>
    %min3A_425 = arith.minimumf %min3A_404, %max3A_421 : vector<400x128xf32>
    %select_n3A_426 = arith.select %lt3A_424, %select_n3A_423, %select_n3A_405 : vector<400x128xi1>, vector<400x128xf32>
    %slice3A_427 = vector.extract_strided_slice %sub3A {offsets = [0, 2432], sizes = [400, 128], strides = [1, 1]} : vector<400x10112xf32> to vector<400x128xf32>
    %broadcast_in_dim3A_428 = arith.constant 1.900000e+01 : f32
    %broadcast_in_dim3A_429 = vector.broadcast %broadcast_in_dim3A_428 : f32 to vector<400x128xf32>
    %lt3A_430 = arith.cmpf olt, %slice3A_427, %min3A_410 : vector<400x128xf32>
    %min3A_431 = arith.minimumf %min3A_410, %slice3A_427 : vector<400x128xf32>
    %max3A_432 = arith.maximumf %min3A_410, %slice3A_427 : vector<400x128xf32>
    %select_n3A_433 = arith.select %lt3A_430, %broadcast_in_dim3A_429, %select_n3A_412 : vector<400x128xi1>, vector<400x128xf32>
    %select_n3A_434 = arith.select %lt3A_430, %select_n3A_412, %broadcast_in_dim3A_429 : vector<400x128xi1>, vector<400x128xf32>
    %lt3A_435 = arith.cmpf olt, %max3A_432, %min3A_415 : vector<400x128xf32>
    %min3A_436 = arith.minimumf %min3A_415, %max3A_432 : vector<400x128xf32>
    %max3A_437 = arith.maximumf %min3A_415, %max3A_432 : vector<400x128xf32>
    %select_n3A_438 = arith.select %lt3A_435, %select_n3A_434, %select_n3A_417 : vector<400x128xi1>, vector<400x128xf32>
    %select_n3A_439 = arith.select %lt3A_435, %select_n3A_417, %select_n3A_434 : vector<400x128xi1>, vector<400x128xf32>
    %lt3A_440 = arith.cmpf olt, %max3A_437, %min3A_420 : vector<400x128xf32>
    %min3A_441 = arith.minimumf %min3A_420, %max3A_437 : vector<400x128xf32>
    %max3A_442 = arith.maximumf %min3A_420, %max3A_437 : vector<400x128xf32>
    %select_n3A_443 = arith.select %lt3A_440, %select_n3A_439, %select_n3A_422 : vector<400x128xi1>, vector<400x128xf32>
    %select_n3A_444 = arith.select %lt3A_440, %select_n3A_422, %select_n3A_439 : vector<400x128xi1>, vector<400x128xf32>
    %lt3A_445 = arith.cmpf olt, %max3A_442, %min3A_425 : vector<400x128xf32>
    %min3A_446 = arith.minimumf %min3A_425, %max3A_442 : vector<400x128xf32>
    %select_n3A_447 = arith.select %lt3A_445, %select_n3A_444, %select_n3A_426 : vector<400x128xi1>, vector<400x128xf32>
    %slice3A_448 = vector.extract_strided_slice %sub3A {offsets = [0, 2560], sizes = [400, 128], strides = [1, 1]} : vector<400x10112xf32> to vector<400x128xf32>
    %broadcast_in_dim3A_449 = arith.constant 2.000000e+01 : f32
    %broadcast_in_dim3A_450 = vector.broadcast %broadcast_in_dim3A_449 : f32 to vector<400x128xf32>
    %lt3A_451 = arith.cmpf olt, %slice3A_448, %min3A_431 : vector<400x128xf32>
    %min3A_452 = arith.minimumf %min3A_431, %slice3A_448 : vector<400x128xf32>
    %max3A_453 = arith.maximumf %min3A_431, %slice3A_448 : vector<400x128xf32>
    %select_n3A_454 = arith.select %lt3A_451, %broadcast_in_dim3A_450, %select_n3A_433 : vector<400x128xi1>, vector<400x128xf32>
    %select_n3A_455 = arith.select %lt3A_451, %select_n3A_433, %broadcast_in_dim3A_450 : vector<400x128xi1>, vector<400x128xf32>
    %lt3A_456 = arith.cmpf olt, %max3A_453, %min3A_436 : vector<400x128xf32>
    %min3A_457 = arith.minimumf %min3A_436, %max3A_453 : vector<400x128xf32>
    %max3A_458 = arith.maximumf %min3A_436, %max3A_453 : vector<400x128xf32>
    %select_n3A_459 = arith.select %lt3A_456, %select_n3A_455, %select_n3A_438 : vector<400x128xi1>, vector<400x128xf32>
    %select_n3A_460 = arith.select %lt3A_456, %select_n3A_438, %select_n3A_455 : vector<400x128xi1>, vector<400x128xf32>
    %lt3A_461 = arith.cmpf olt, %max3A_458, %min3A_441 : vector<400x128xf32>
    %min3A_462 = arith.minimumf %min3A_441, %max3A_458 : vector<400x128xf32>
    %max3A_463 = arith.maximumf %min3A_441, %max3A_458 : vector<400x128xf32>
    %select_n3A_464 = arith.select %lt3A_461, %select_n3A_460, %select_n3A_443 : vector<400x128xi1>, vector<400x128xf32>
    %select_n3A_465 = arith.select %lt3A_461, %select_n3A_443, %select_n3A_460 : vector<400x128xi1>, vector<400x128xf32>
    %lt3A_466 = arith.cmpf olt, %max3A_463, %min3A_446 : vector<400x128xf32>
    %min3A_467 = arith.minimumf %min3A_446, %max3A_463 : vector<400x128xf32>
    %select_n3A_468 = arith.select %lt3A_466, %select_n3A_465, %select_n3A_447 : vector<400x128xi1>, vector<400x128xf32>
    %slice3A_469 = vector.extract_strided_slice %sub3A {offsets = [0, 2688], sizes = [400, 128], strides = [1, 1]} : vector<400x10112xf32> to vector<400x128xf32>
    %broadcast_in_dim3A_470 = arith.constant 2.100000e+01 : f32
    %broadcast_in_dim3A_471 = vector.broadcast %broadcast_in_dim3A_470 : f32 to vector<400x128xf32>
    %lt3A_472 = arith.cmpf olt, %slice3A_469, %min3A_452 : vector<400x128xf32>
    %min3A_473 = arith.minimumf %min3A_452, %slice3A_469 : vector<400x128xf32>
    %max3A_474 = arith.maximumf %min3A_452, %slice3A_469 : vector<400x128xf32>
    %select_n3A_475 = arith.select %lt3A_472, %broadcast_in_dim3A_471, %select_n3A_454 : vector<400x128xi1>, vector<400x128xf32>
    %select_n3A_476 = arith.select %lt3A_472, %select_n3A_454, %broadcast_in_dim3A_471 : vector<400x128xi1>, vector<400x128xf32>
    %lt3A_477 = arith.cmpf olt, %max3A_474, %min3A_457 : vector<400x128xf32>
    %min3A_478 = arith.minimumf %min3A_457, %max3A_474 : vector<400x128xf32>
    %max3A_479 = arith.maximumf %min3A_457, %max3A_474 : vector<400x128xf32>
    %select_n3A_480 = arith.select %lt3A_477, %select_n3A_476, %select_n3A_459 : vector<400x128xi1>, vector<400x128xf32>
    %select_n3A_481 = arith.select %lt3A_477, %select_n3A_459, %select_n3A_476 : vector<400x128xi1>, vector<400x128xf32>
    %lt3A_482 = arith.cmpf olt, %max3A_479, %min3A_462 : vector<400x128xf32>
    %min3A_483 = arith.minimumf %min3A_462, %max3A_479 : vector<400x128xf32>
    %max3A_484 = arith.maximumf %min3A_462, %max3A_479 : vector<400x128xf32>
    %select_n3A_485 = arith.select %lt3A_482, %select_n3A_481, %select_n3A_464 : vector<400x128xi1>, vector<400x128xf32>
    %select_n3A_486 = arith.select %lt3A_482, %select_n3A_464, %select_n3A_481 : vector<400x128xi1>, vector<400x128xf32>
    %lt3A_487 = arith.cmpf olt, %max3A_484, %min3A_467 : vector<400x128xf32>
    %min3A_488 = arith.minimumf %min3A_467, %max3A_484 : vector<400x128xf32>
    %select_n3A_489 = arith.select %lt3A_487, %select_n3A_486, %select_n3A_468 : vector<400x128xi1>, vector<400x128xf32>
    %slice3A_490 = vector.extract_strided_slice %sub3A {offsets = [0, 2816], sizes = [400, 128], strides = [1, 1]} : vector<400x10112xf32> to vector<400x128xf32>
    %broadcast_in_dim3A_491 = arith.constant 2.200000e+01 : f32
    %broadcast_in_dim3A_492 = vector.broadcast %broadcast_in_dim3A_491 : f32 to vector<400x128xf32>
    %lt3A_493 = arith.cmpf olt, %slice3A_490, %min3A_473 : vector<400x128xf32>
    %min3A_494 = arith.minimumf %min3A_473, %slice3A_490 : vector<400x128xf32>
    %max3A_495 = arith.maximumf %min3A_473, %slice3A_490 : vector<400x128xf32>
    %select_n3A_496 = arith.select %lt3A_493, %broadcast_in_dim3A_492, %select_n3A_475 : vector<400x128xi1>, vector<400x128xf32>
    %select_n3A_497 = arith.select %lt3A_493, %select_n3A_475, %broadcast_in_dim3A_492 : vector<400x128xi1>, vector<400x128xf32>
    %lt3A_498 = arith.cmpf olt, %max3A_495, %min3A_478 : vector<400x128xf32>
    %min3A_499 = arith.minimumf %min3A_478, %max3A_495 : vector<400x128xf32>
    %max3A_500 = arith.maximumf %min3A_478, %max3A_495 : vector<400x128xf32>
    %select_n3A_501 = arith.select %lt3A_498, %select_n3A_497, %select_n3A_480 : vector<400x128xi1>, vector<400x128xf32>
    %select_n3A_502 = arith.select %lt3A_498, %select_n3A_480, %select_n3A_497 : vector<400x128xi1>, vector<400x128xf32>
    %lt3A_503 = arith.cmpf olt, %max3A_500, %min3A_483 : vector<400x128xf32>
    %min3A_504 = arith.minimumf %min3A_483, %max3A_500 : vector<400x128xf32>
    %max3A_505 = arith.maximumf %min3A_483, %max3A_500 : vector<400x128xf32>
    %select_n3A_506 = arith.select %lt3A_503, %select_n3A_502, %select_n3A_485 : vector<400x128xi1>, vector<400x128xf32>
    %select_n3A_507 = arith.select %lt3A_503, %select_n3A_485, %select_n3A_502 : vector<400x128xi1>, vector<400x128xf32>
    %lt3A_508 = arith.cmpf olt, %max3A_505, %min3A_488 : vector<400x128xf32>
    %min3A_509 = arith.minimumf %min3A_488, %max3A_505 : vector<400x128xf32>
    %select_n3A_510 = arith.select %lt3A_508, %select_n3A_507, %select_n3A_489 : vector<400x128xi1>, vector<400x128xf32>
    %slice3A_511 = vector.extract_strided_slice %sub3A {offsets = [0, 2944], sizes = [400, 128], strides = [1, 1]} : vector<400x10112xf32> to vector<400x128xf32>
    %broadcast_in_dim3A_512 = arith.constant 2.300000e+01 : f32
    %broadcast_in_dim3A_513 = vector.broadcast %broadcast_in_dim3A_512 : f32 to vector<400x128xf32>
    %lt3A_514 = arith.cmpf olt, %slice3A_511, %min3A_494 : vector<400x128xf32>
    %min3A_515 = arith.minimumf %min3A_494, %slice3A_511 : vector<400x128xf32>
    %max3A_516 = arith.maximumf %min3A_494, %slice3A_511 : vector<400x128xf32>
    %select_n3A_517 = arith.select %lt3A_514, %broadcast_in_dim3A_513, %select_n3A_496 : vector<400x128xi1>, vector<400x128xf32>
    %select_n3A_518 = arith.select %lt3A_514, %select_n3A_496, %broadcast_in_dim3A_513 : vector<400x128xi1>, vector<400x128xf32>
    %lt3A_519 = arith.cmpf olt, %max3A_516, %min3A_499 : vector<400x128xf32>
    %min3A_520 = arith.minimumf %min3A_499, %max3A_516 : vector<400x128xf32>
    %max3A_521 = arith.maximumf %min3A_499, %max3A_516 : vector<400x128xf32>
    %select_n3A_522 = arith.select %lt3A_519, %select_n3A_518, %select_n3A_501 : vector<400x128xi1>, vector<400x128xf32>
    %select_n3A_523 = arith.select %lt3A_519, %select_n3A_501, %select_n3A_518 : vector<400x128xi1>, vector<400x128xf32>
    %lt3A_524 = arith.cmpf olt, %max3A_521, %min3A_504 : vector<400x128xf32>
    %min3A_525 = arith.minimumf %min3A_504, %max3A_521 : vector<400x128xf32>
    %max3A_526 = arith.maximumf %min3A_504, %max3A_521 : vector<400x128xf32>
    %select_n3A_527 = arith.select %lt3A_524, %select_n3A_523, %select_n3A_506 : vector<400x128xi1>, vector<400x128xf32>
    %select_n3A_528 = arith.select %lt3A_524, %select_n3A_506, %select_n3A_523 : vector<400x128xi1>, vector<400x128xf32>
    %lt3A_529 = arith.cmpf olt, %max3A_526, %min3A_509 : vector<400x128xf32>
    %min3A_530 = arith.minimumf %min3A_509, %max3A_526 : vector<400x128xf32>
    %select_n3A_531 = arith.select %lt3A_529, %select_n3A_528, %select_n3A_510 : vector<400x128xi1>, vector<400x128xf32>
    %slice3A_532 = vector.extract_strided_slice %sub3A {offsets = [0, 3072], sizes = [400, 128], strides = [1, 1]} : vector<400x10112xf32> to vector<400x128xf32>
    %broadcast_in_dim3A_533 = arith.constant 2.400000e+01 : f32
    %broadcast_in_dim3A_534 = vector.broadcast %broadcast_in_dim3A_533 : f32 to vector<400x128xf32>
    %lt3A_535 = arith.cmpf olt, %slice3A_532, %min3A_515 : vector<400x128xf32>
    %min3A_536 = arith.minimumf %min3A_515, %slice3A_532 : vector<400x128xf32>
    %max3A_537 = arith.maximumf %min3A_515, %slice3A_532 : vector<400x128xf32>
    %select_n3A_538 = arith.select %lt3A_535, %broadcast_in_dim3A_534, %select_n3A_517 : vector<400x128xi1>, vector<400x128xf32>
    %select_n3A_539 = arith.select %lt3A_535, %select_n3A_517, %broadcast_in_dim3A_534 : vector<400x128xi1>, vector<400x128xf32>
    %lt3A_540 = arith.cmpf olt, %max3A_537, %min3A_520 : vector<400x128xf32>
    %min3A_541 = arith.minimumf %min3A_520, %max3A_537 : vector<400x128xf32>
    %max3A_542 = arith.maximumf %min3A_520, %max3A_537 : vector<400x128xf32>
    %select_n3A_543 = arith.select %lt3A_540, %select_n3A_539, %select_n3A_522 : vector<400x128xi1>, vector<400x128xf32>
    %select_n3A_544 = arith.select %lt3A_540, %select_n3A_522, %select_n3A_539 : vector<400x128xi1>, vector<400x128xf32>
    %lt3A_545 = arith.cmpf olt, %max3A_542, %min3A_525 : vector<400x128xf32>
    %min3A_546 = arith.minimumf %min3A_525, %max3A_542 : vector<400x128xf32>
    %max3A_547 = arith.maximumf %min3A_525, %max3A_542 : vector<400x128xf32>
    %select_n3A_548 = arith.select %lt3A_545, %select_n3A_544, %select_n3A_527 : vector<400x128xi1>, vector<400x128xf32>
    %select_n3A_549 = arith.select %lt3A_545, %select_n3A_527, %select_n3A_544 : vector<400x128xi1>, vector<400x128xf32>
    %lt3A_550 = arith.cmpf olt, %max3A_547, %min3A_530 : vector<400x128xf32>
    %min3A_551 = arith.minimumf %min3A_530, %max3A_547 : vector<400x128xf32>
    %select_n3A_552 = arith.select %lt3A_550, %select_n3A_549, %select_n3A_531 : vector<400x128xi1>, vector<400x128xf32>
    %slice3A_553 = vector.extract_strided_slice %sub3A {offsets = [0, 3200], sizes = [400, 128], strides = [1, 1]} : vector<400x10112xf32> to vector<400x128xf32>
    %broadcast_in_dim3A_554 = arith.constant 2.500000e+01 : f32
    %broadcast_in_dim3A_555 = vector.broadcast %broadcast_in_dim3A_554 : f32 to vector<400x128xf32>
    %lt3A_556 = arith.cmpf olt, %slice3A_553, %min3A_536 : vector<400x128xf32>
    %min3A_557 = arith.minimumf %min3A_536, %slice3A_553 : vector<400x128xf32>
    %max3A_558 = arith.maximumf %min3A_536, %slice3A_553 : vector<400x128xf32>
    %select_n3A_559 = arith.select %lt3A_556, %broadcast_in_dim3A_555, %select_n3A_538 : vector<400x128xi1>, vector<400x128xf32>
    %select_n3A_560 = arith.select %lt3A_556, %select_n3A_538, %broadcast_in_dim3A_555 : vector<400x128xi1>, vector<400x128xf32>
    %lt3A_561 = arith.cmpf olt, %max3A_558, %min3A_541 : vector<400x128xf32>
    %min3A_562 = arith.minimumf %min3A_541, %max3A_558 : vector<400x128xf32>
    %max3A_563 = arith.maximumf %min3A_541, %max3A_558 : vector<400x128xf32>
    %select_n3A_564 = arith.select %lt3A_561, %select_n3A_560, %select_n3A_543 : vector<400x128xi1>, vector<400x128xf32>
    %select_n3A_565 = arith.select %lt3A_561, %select_n3A_543, %select_n3A_560 : vector<400x128xi1>, vector<400x128xf32>
    %lt3A_566 = arith.cmpf olt, %max3A_563, %min3A_546 : vector<400x128xf32>
    %min3A_567 = arith.minimumf %min3A_546, %max3A_563 : vector<400x128xf32>
    %max3A_568 = arith.maximumf %min3A_546, %max3A_563 : vector<400x128xf32>
    %select_n3A_569 = arith.select %lt3A_566, %select_n3A_565, %select_n3A_548 : vector<400x128xi1>, vector<400x128xf32>
    %select_n3A_570 = arith.select %lt3A_566, %select_n3A_548, %select_n3A_565 : vector<400x128xi1>, vector<400x128xf32>
    %lt3A_571 = arith.cmpf olt, %max3A_568, %min3A_551 : vector<400x128xf32>
    %min3A_572 = arith.minimumf %min3A_551, %max3A_568 : vector<400x128xf32>
    %select_n3A_573 = arith.select %lt3A_571, %select_n3A_570, %select_n3A_552 : vector<400x128xi1>, vector<400x128xf32>
    %slice3A_574 = vector.extract_strided_slice %sub3A {offsets = [0, 3328], sizes = [400, 128], strides = [1, 1]} : vector<400x10112xf32> to vector<400x128xf32>
    %broadcast_in_dim3A_575 = arith.constant 2.600000e+01 : f32
    %broadcast_in_dim3A_576 = vector.broadcast %broadcast_in_dim3A_575 : f32 to vector<400x128xf32>
    %lt3A_577 = arith.cmpf olt, %slice3A_574, %min3A_557 : vector<400x128xf32>
    %min3A_578 = arith.minimumf %min3A_557, %slice3A_574 : vector<400x128xf32>
    %max3A_579 = arith.maximumf %min3A_557, %slice3A_574 : vector<400x128xf32>
    %select_n3A_580 = arith.select %lt3A_577, %broadcast_in_dim3A_576, %select_n3A_559 : vector<400x128xi1>, vector<400x128xf32>
    %select_n3A_581 = arith.select %lt3A_577, %select_n3A_559, %broadcast_in_dim3A_576 : vector<400x128xi1>, vector<400x128xf32>
    %lt3A_582 = arith.cmpf olt, %max3A_579, %min3A_562 : vector<400x128xf32>
    %min3A_583 = arith.minimumf %min3A_562, %max3A_579 : vector<400x128xf32>
    %max3A_584 = arith.maximumf %min3A_562, %max3A_579 : vector<400x128xf32>
    %select_n3A_585 = arith.select %lt3A_582, %select_n3A_581, %select_n3A_564 : vector<400x128xi1>, vector<400x128xf32>
    %select_n3A_586 = arith.select %lt3A_582, %select_n3A_564, %select_n3A_581 : vector<400x128xi1>, vector<400x128xf32>
    %lt3A_587 = arith.cmpf olt, %max3A_584, %min3A_567 : vector<400x128xf32>
    %min3A_588 = arith.minimumf %min3A_567, %max3A_584 : vector<400x128xf32>
    %max3A_589 = arith.maximumf %min3A_567, %max3A_584 : vector<400x128xf32>
    %select_n3A_590 = arith.select %lt3A_587, %select_n3A_586, %select_n3A_569 : vector<400x128xi1>, vector<400x128xf32>
    %select_n3A_591 = arith.select %lt3A_587, %select_n3A_569, %select_n3A_586 : vector<400x128xi1>, vector<400x128xf32>
    %lt3A_592 = arith.cmpf olt, %max3A_589, %min3A_572 : vector<400x128xf32>
    %min3A_593 = arith.minimumf %min3A_572, %max3A_589 : vector<400x128xf32>
    %select_n3A_594 = arith.select %lt3A_592, %select_n3A_591, %select_n3A_573 : vector<400x128xi1>, vector<400x128xf32>
    %slice3A_595 = vector.extract_strided_slice %sub3A {offsets = [0, 3456], sizes = [400, 128], strides = [1, 1]} : vector<400x10112xf32> to vector<400x128xf32>
    %broadcast_in_dim3A_596 = arith.constant 2.700000e+01 : f32
    %broadcast_in_dim3A_597 = vector.broadcast %broadcast_in_dim3A_596 : f32 to vector<400x128xf32>
    %lt3A_598 = arith.cmpf olt, %slice3A_595, %min3A_578 : vector<400x128xf32>
    %min3A_599 = arith.minimumf %min3A_578, %slice3A_595 : vector<400x128xf32>
    %max3A_600 = arith.maximumf %min3A_578, %slice3A_595 : vector<400x128xf32>
    %select_n3A_601 = arith.select %lt3A_598, %broadcast_in_dim3A_597, %select_n3A_580 : vector<400x128xi1>, vector<400x128xf32>
    %select_n3A_602 = arith.select %lt3A_598, %select_n3A_580, %broadcast_in_dim3A_597 : vector<400x128xi1>, vector<400x128xf32>
    %lt3A_603 = arith.cmpf olt, %max3A_600, %min3A_583 : vector<400x128xf32>
    %min3A_604 = arith.minimumf %min3A_583, %max3A_600 : vector<400x128xf32>
    %max3A_605 = arith.maximumf %min3A_583, %max3A_600 : vector<400x128xf32>
    %select_n3A_606 = arith.select %lt3A_603, %select_n3A_602, %select_n3A_585 : vector<400x128xi1>, vector<400x128xf32>
    %select_n3A_607 = arith.select %lt3A_603, %select_n3A_585, %select_n3A_602 : vector<400x128xi1>, vector<400x128xf32>
    %lt3A_608 = arith.cmpf olt, %max3A_605, %min3A_588 : vector<400x128xf32>
    %min3A_609 = arith.minimumf %min3A_588, %max3A_605 : vector<400x128xf32>
    %max3A_610 = arith.maximumf %min3A_588, %max3A_605 : vector<400x128xf32>
    %select_n3A_611 = arith.select %lt3A_608, %select_n3A_607, %select_n3A_590 : vector<400x128xi1>, vector<400x128xf32>
    %select_n3A_612 = arith.select %lt3A_608, %select_n3A_590, %select_n3A_607 : vector<400x128xi1>, vector<400x128xf32>
    %lt3A_613 = arith.cmpf olt, %max3A_610, %min3A_593 : vector<400x128xf32>
    %min3A_614 = arith.minimumf %min3A_593, %max3A_610 : vector<400x128xf32>
    %select_n3A_615 = arith.select %lt3A_613, %select_n3A_612, %select_n3A_594 : vector<400x128xi1>, vector<400x128xf32>
    %slice3A_616 = vector.extract_strided_slice %sub3A {offsets = [0, 3584], sizes = [400, 128], strides = [1, 1]} : vector<400x10112xf32> to vector<400x128xf32>
    %broadcast_in_dim3A_617 = arith.constant 2.800000e+01 : f32
    %broadcast_in_dim3A_618 = vector.broadcast %broadcast_in_dim3A_617 : f32 to vector<400x128xf32>
    %lt3A_619 = arith.cmpf olt, %slice3A_616, %min3A_599 : vector<400x128xf32>
    %min3A_620 = arith.minimumf %min3A_599, %slice3A_616 : vector<400x128xf32>
    %max3A_621 = arith.maximumf %min3A_599, %slice3A_616 : vector<400x128xf32>
    %select_n3A_622 = arith.select %lt3A_619, %broadcast_in_dim3A_618, %select_n3A_601 : vector<400x128xi1>, vector<400x128xf32>
    %select_n3A_623 = arith.select %lt3A_619, %select_n3A_601, %broadcast_in_dim3A_618 : vector<400x128xi1>, vector<400x128xf32>
    %lt3A_624 = arith.cmpf olt, %max3A_621, %min3A_604 : vector<400x128xf32>
    %min3A_625 = arith.minimumf %min3A_604, %max3A_621 : vector<400x128xf32>
    %max3A_626 = arith.maximumf %min3A_604, %max3A_621 : vector<400x128xf32>
    %select_n3A_627 = arith.select %lt3A_624, %select_n3A_623, %select_n3A_606 : vector<400x128xi1>, vector<400x128xf32>
    %select_n3A_628 = arith.select %lt3A_624, %select_n3A_606, %select_n3A_623 : vector<400x128xi1>, vector<400x128xf32>
    %lt3A_629 = arith.cmpf olt, %max3A_626, %min3A_609 : vector<400x128xf32>
    %min3A_630 = arith.minimumf %min3A_609, %max3A_626 : vector<400x128xf32>
    %max3A_631 = arith.maximumf %min3A_609, %max3A_626 : vector<400x128xf32>
    %select_n3A_632 = arith.select %lt3A_629, %select_n3A_628, %select_n3A_611 : vector<400x128xi1>, vector<400x128xf32>
    %select_n3A_633 = arith.select %lt3A_629, %select_n3A_611, %select_n3A_628 : vector<400x128xi1>, vector<400x128xf32>
    %lt3A_634 = arith.cmpf olt, %max3A_631, %min3A_614 : vector<400x128xf32>
    %min3A_635 = arith.minimumf %min3A_614, %max3A_631 : vector<400x128xf32>
    %select_n3A_636 = arith.select %lt3A_634, %select_n3A_633, %select_n3A_615 : vector<400x128xi1>, vector<400x128xf32>
    %slice3A_637 = vector.extract_strided_slice %sub3A {offsets = [0, 3712], sizes = [400, 128], strides = [1, 1]} : vector<400x10112xf32> to vector<400x128xf32>
    %broadcast_in_dim3A_638 = arith.constant 2.900000e+01 : f32
    %broadcast_in_dim3A_639 = vector.broadcast %broadcast_in_dim3A_638 : f32 to vector<400x128xf32>
    %lt3A_640 = arith.cmpf olt, %slice3A_637, %min3A_620 : vector<400x128xf32>
    %min3A_641 = arith.minimumf %min3A_620, %slice3A_637 : vector<400x128xf32>
    %max3A_642 = arith.maximumf %min3A_620, %slice3A_637 : vector<400x128xf32>
    %select_n3A_643 = arith.select %lt3A_640, %broadcast_in_dim3A_639, %select_n3A_622 : vector<400x128xi1>, vector<400x128xf32>
    %select_n3A_644 = arith.select %lt3A_640, %select_n3A_622, %broadcast_in_dim3A_639 : vector<400x128xi1>, vector<400x128xf32>
    %lt3A_645 = arith.cmpf olt, %max3A_642, %min3A_625 : vector<400x128xf32>
    %min3A_646 = arith.minimumf %min3A_625, %max3A_642 : vector<400x128xf32>
    %max3A_647 = arith.maximumf %min3A_625, %max3A_642 : vector<400x128xf32>
    %select_n3A_648 = arith.select %lt3A_645, %select_n3A_644, %select_n3A_627 : vector<400x128xi1>, vector<400x128xf32>
    %select_n3A_649 = arith.select %lt3A_645, %select_n3A_627, %select_n3A_644 : vector<400x128xi1>, vector<400x128xf32>
    %lt3A_650 = arith.cmpf olt, %max3A_647, %min3A_630 : vector<400x128xf32>
    %min3A_651 = arith.minimumf %min3A_630, %max3A_647 : vector<400x128xf32>
    %max3A_652 = arith.maximumf %min3A_630, %max3A_647 : vector<400x128xf32>
    %select_n3A_653 = arith.select %lt3A_650, %select_n3A_649, %select_n3A_632 : vector<400x128xi1>, vector<400x128xf32>
    %select_n3A_654 = arith.select %lt3A_650, %select_n3A_632, %select_n3A_649 : vector<400x128xi1>, vector<400x128xf32>
    %lt3A_655 = arith.cmpf olt, %max3A_652, %min3A_635 : vector<400x128xf32>
    %min3A_656 = arith.minimumf %min3A_635, %max3A_652 : vector<400x128xf32>
    %select_n3A_657 = arith.select %lt3A_655, %select_n3A_654, %select_n3A_636 : vector<400x128xi1>, vector<400x128xf32>
    %slice3A_658 = vector.extract_strided_slice %sub3A {offsets = [0, 3840], sizes = [400, 128], strides = [1, 1]} : vector<400x10112xf32> to vector<400x128xf32>
    %broadcast_in_dim3A_659 = arith.constant 3.000000e+01 : f32
    %broadcast_in_dim3A_660 = vector.broadcast %broadcast_in_dim3A_659 : f32 to vector<400x128xf32>
    %lt3A_661 = arith.cmpf olt, %slice3A_658, %min3A_641 : vector<400x128xf32>
    %min3A_662 = arith.minimumf %min3A_641, %slice3A_658 : vector<400x128xf32>
    %max3A_663 = arith.maximumf %min3A_641, %slice3A_658 : vector<400x128xf32>
    %select_n3A_664 = arith.select %lt3A_661, %broadcast_in_dim3A_660, %select_n3A_643 : vector<400x128xi1>, vector<400x128xf32>
    %select_n3A_665 = arith.select %lt3A_661, %select_n3A_643, %broadcast_in_dim3A_660 : vector<400x128xi1>, vector<400x128xf32>
    %lt3A_666 = arith.cmpf olt, %max3A_663, %min3A_646 : vector<400x128xf32>
    %min3A_667 = arith.minimumf %min3A_646, %max3A_663 : vector<400x128xf32>
    %max3A_668 = arith.maximumf %min3A_646, %max3A_663 : vector<400x128xf32>
    %select_n3A_669 = arith.select %lt3A_666, %select_n3A_665, %select_n3A_648 : vector<400x128xi1>, vector<400x128xf32>
    %select_n3A_670 = arith.select %lt3A_666, %select_n3A_648, %select_n3A_665 : vector<400x128xi1>, vector<400x128xf32>
    %lt3A_671 = arith.cmpf olt, %max3A_668, %min3A_651 : vector<400x128xf32>
    %min3A_672 = arith.minimumf %min3A_651, %max3A_668 : vector<400x128xf32>
    %max3A_673 = arith.maximumf %min3A_651, %max3A_668 : vector<400x128xf32>
    %select_n3A_674 = arith.select %lt3A_671, %select_n3A_670, %select_n3A_653 : vector<400x128xi1>, vector<400x128xf32>
    %select_n3A_675 = arith.select %lt3A_671, %select_n3A_653, %select_n3A_670 : vector<400x128xi1>, vector<400x128xf32>
    %lt3A_676 = arith.cmpf olt, %max3A_673, %min3A_656 : vector<400x128xf32>
    %min3A_677 = arith.minimumf %min3A_656, %max3A_673 : vector<400x128xf32>
    %select_n3A_678 = arith.select %lt3A_676, %select_n3A_675, %select_n3A_657 : vector<400x128xi1>, vector<400x128xf32>
    %slice3A_679 = vector.extract_strided_slice %sub3A {offsets = [0, 3968], sizes = [400, 128], strides = [1, 1]} : vector<400x10112xf32> to vector<400x128xf32>
    %broadcast_in_dim3A_680 = arith.constant 3.100000e+01 : f32
    %broadcast_in_dim3A_681 = vector.broadcast %broadcast_in_dim3A_680 : f32 to vector<400x128xf32>
    %lt3A_682 = arith.cmpf olt, %slice3A_679, %min3A_662 : vector<400x128xf32>
    %min3A_683 = arith.minimumf %min3A_662, %slice3A_679 : vector<400x128xf32>
    %max3A_684 = arith.maximumf %min3A_662, %slice3A_679 : vector<400x128xf32>
    %select_n3A_685 = arith.select %lt3A_682, %broadcast_in_dim3A_681, %select_n3A_664 : vector<400x128xi1>, vector<400x128xf32>
    %select_n3A_686 = arith.select %lt3A_682, %select_n3A_664, %broadcast_in_dim3A_681 : vector<400x128xi1>, vector<400x128xf32>
    %lt3A_687 = arith.cmpf olt, %max3A_684, %min3A_667 : vector<400x128xf32>
    %min3A_688 = arith.minimumf %min3A_667, %max3A_684 : vector<400x128xf32>
    %max3A_689 = arith.maximumf %min3A_667, %max3A_684 : vector<400x128xf32>
    %select_n3A_690 = arith.select %lt3A_687, %select_n3A_686, %select_n3A_669 : vector<400x128xi1>, vector<400x128xf32>
    %select_n3A_691 = arith.select %lt3A_687, %select_n3A_669, %select_n3A_686 : vector<400x128xi1>, vector<400x128xf32>
    %lt3A_692 = arith.cmpf olt, %max3A_689, %min3A_672 : vector<400x128xf32>
    %min3A_693 = arith.minimumf %min3A_672, %max3A_689 : vector<400x128xf32>
    %max3A_694 = arith.maximumf %min3A_672, %max3A_689 : vector<400x128xf32>
    %select_n3A_695 = arith.select %lt3A_692, %select_n3A_691, %select_n3A_674 : vector<400x128xi1>, vector<400x128xf32>
    %select_n3A_696 = arith.select %lt3A_692, %select_n3A_674, %select_n3A_691 : vector<400x128xi1>, vector<400x128xf32>
    %lt3A_697 = arith.cmpf olt, %max3A_694, %min3A_677 : vector<400x128xf32>
    %min3A_698 = arith.minimumf %min3A_677, %max3A_694 : vector<400x128xf32>
    %select_n3A_699 = arith.select %lt3A_697, %select_n3A_696, %select_n3A_678 : vector<400x128xi1>, vector<400x128xf32>
    %slice3A_700 = vector.extract_strided_slice %sub3A {offsets = [0, 4096], sizes = [400, 128], strides = [1, 1]} : vector<400x10112xf32> to vector<400x128xf32>
    %broadcast_in_dim3A_701 = arith.constant 3.200000e+01 : f32
    %broadcast_in_dim3A_702 = vector.broadcast %broadcast_in_dim3A_701 : f32 to vector<400x128xf32>
    %lt3A_703 = arith.cmpf olt, %slice3A_700, %min3A_683 : vector<400x128xf32>
    %min3A_704 = arith.minimumf %min3A_683, %slice3A_700 : vector<400x128xf32>
    %max3A_705 = arith.maximumf %min3A_683, %slice3A_700 : vector<400x128xf32>
    %select_n3A_706 = arith.select %lt3A_703, %broadcast_in_dim3A_702, %select_n3A_685 : vector<400x128xi1>, vector<400x128xf32>
    %select_n3A_707 = arith.select %lt3A_703, %select_n3A_685, %broadcast_in_dim3A_702 : vector<400x128xi1>, vector<400x128xf32>
    %lt3A_708 = arith.cmpf olt, %max3A_705, %min3A_688 : vector<400x128xf32>
    %min3A_709 = arith.minimumf %min3A_688, %max3A_705 : vector<400x128xf32>
    %max3A_710 = arith.maximumf %min3A_688, %max3A_705 : vector<400x128xf32>
    %select_n3A_711 = arith.select %lt3A_708, %select_n3A_707, %select_n3A_690 : vector<400x128xi1>, vector<400x128xf32>
    %select_n3A_712 = arith.select %lt3A_708, %select_n3A_690, %select_n3A_707 : vector<400x128xi1>, vector<400x128xf32>
    %lt3A_713 = arith.cmpf olt, %max3A_710, %min3A_693 : vector<400x128xf32>
    %min3A_714 = arith.minimumf %min3A_693, %max3A_710 : vector<400x128xf32>
    %max3A_715 = arith.maximumf %min3A_693, %max3A_710 : vector<400x128xf32>
    %select_n3A_716 = arith.select %lt3A_713, %select_n3A_712, %select_n3A_695 : vector<400x128xi1>, vector<400x128xf32>
    %select_n3A_717 = arith.select %lt3A_713, %select_n3A_695, %select_n3A_712 : vector<400x128xi1>, vector<400x128xf32>
    %lt3A_718 = arith.cmpf olt, %max3A_715, %min3A_698 : vector<400x128xf32>
    %min3A_719 = arith.minimumf %min3A_698, %max3A_715 : vector<400x128xf32>
    %select_n3A_720 = arith.select %lt3A_718, %select_n3A_717, %select_n3A_699 : vector<400x128xi1>, vector<400x128xf32>
    %slice3A_721 = vector.extract_strided_slice %sub3A {offsets = [0, 4224], sizes = [400, 128], strides = [1, 1]} : vector<400x10112xf32> to vector<400x128xf32>
    %broadcast_in_dim3A_722 = arith.constant 3.300000e+01 : f32
    %broadcast_in_dim3A_723 = vector.broadcast %broadcast_in_dim3A_722 : f32 to vector<400x128xf32>
    %lt3A_724 = arith.cmpf olt, %slice3A_721, %min3A_704 : vector<400x128xf32>
    %min3A_725 = arith.minimumf %min3A_704, %slice3A_721 : vector<400x128xf32>
    %max3A_726 = arith.maximumf %min3A_704, %slice3A_721 : vector<400x128xf32>
    %select_n3A_727 = arith.select %lt3A_724, %broadcast_in_dim3A_723, %select_n3A_706 : vector<400x128xi1>, vector<400x128xf32>
    %select_n3A_728 = arith.select %lt3A_724, %select_n3A_706, %broadcast_in_dim3A_723 : vector<400x128xi1>, vector<400x128xf32>
    %lt3A_729 = arith.cmpf olt, %max3A_726, %min3A_709 : vector<400x128xf32>
    %min3A_730 = arith.minimumf %min3A_709, %max3A_726 : vector<400x128xf32>
    %max3A_731 = arith.maximumf %min3A_709, %max3A_726 : vector<400x128xf32>
    %select_n3A_732 = arith.select %lt3A_729, %select_n3A_728, %select_n3A_711 : vector<400x128xi1>, vector<400x128xf32>
    %select_n3A_733 = arith.select %lt3A_729, %select_n3A_711, %select_n3A_728 : vector<400x128xi1>, vector<400x128xf32>
    %lt3A_734 = arith.cmpf olt, %max3A_731, %min3A_714 : vector<400x128xf32>
    %min3A_735 = arith.minimumf %min3A_714, %max3A_731 : vector<400x128xf32>
    %max3A_736 = arith.maximumf %min3A_714, %max3A_731 : vector<400x128xf32>
    %select_n3A_737 = arith.select %lt3A_734, %select_n3A_733, %select_n3A_716 : vector<400x128xi1>, vector<400x128xf32>
    %select_n3A_738 = arith.select %lt3A_734, %select_n3A_716, %select_n3A_733 : vector<400x128xi1>, vector<400x128xf32>
    %lt3A_739 = arith.cmpf olt, %max3A_736, %min3A_719 : vector<400x128xf32>
    %min3A_740 = arith.minimumf %min3A_719, %max3A_736 : vector<400x128xf32>
    %select_n3A_741 = arith.select %lt3A_739, %select_n3A_738, %select_n3A_720 : vector<400x128xi1>, vector<400x128xf32>
    %slice3A_742 = vector.extract_strided_slice %sub3A {offsets = [0, 4352], sizes = [400, 128], strides = [1, 1]} : vector<400x10112xf32> to vector<400x128xf32>
    %broadcast_in_dim3A_743 = arith.constant 3.400000e+01 : f32
    %broadcast_in_dim3A_744 = vector.broadcast %broadcast_in_dim3A_743 : f32 to vector<400x128xf32>
    %lt3A_745 = arith.cmpf olt, %slice3A_742, %min3A_725 : vector<400x128xf32>
    %min3A_746 = arith.minimumf %min3A_725, %slice3A_742 : vector<400x128xf32>
    %max3A_747 = arith.maximumf %min3A_725, %slice3A_742 : vector<400x128xf32>
    %select_n3A_748 = arith.select %lt3A_745, %broadcast_in_dim3A_744, %select_n3A_727 : vector<400x128xi1>, vector<400x128xf32>
    %select_n3A_749 = arith.select %lt3A_745, %select_n3A_727, %broadcast_in_dim3A_744 : vector<400x128xi1>, vector<400x128xf32>
    %lt3A_750 = arith.cmpf olt, %max3A_747, %min3A_730 : vector<400x128xf32>
    %min3A_751 = arith.minimumf %min3A_730, %max3A_747 : vector<400x128xf32>
    %max3A_752 = arith.maximumf %min3A_730, %max3A_747 : vector<400x128xf32>
    %select_n3A_753 = arith.select %lt3A_750, %select_n3A_749, %select_n3A_732 : vector<400x128xi1>, vector<400x128xf32>
    %select_n3A_754 = arith.select %lt3A_750, %select_n3A_732, %select_n3A_749 : vector<400x128xi1>, vector<400x128xf32>
    %lt3A_755 = arith.cmpf olt, %max3A_752, %min3A_735 : vector<400x128xf32>
    %min3A_756 = arith.minimumf %min3A_735, %max3A_752 : vector<400x128xf32>
    %max3A_757 = arith.maximumf %min3A_735, %max3A_752 : vector<400x128xf32>
    %select_n3A_758 = arith.select %lt3A_755, %select_n3A_754, %select_n3A_737 : vector<400x128xi1>, vector<400x128xf32>
    %select_n3A_759 = arith.select %lt3A_755, %select_n3A_737, %select_n3A_754 : vector<400x128xi1>, vector<400x128xf32>
    %lt3A_760 = arith.cmpf olt, %max3A_757, %min3A_740 : vector<400x128xf32>
    %min3A_761 = arith.minimumf %min3A_740, %max3A_757 : vector<400x128xf32>
    %select_n3A_762 = arith.select %lt3A_760, %select_n3A_759, %select_n3A_741 : vector<400x128xi1>, vector<400x128xf32>
    %slice3A_763 = vector.extract_strided_slice %sub3A {offsets = [0, 4480], sizes = [400, 128], strides = [1, 1]} : vector<400x10112xf32> to vector<400x128xf32>
    %broadcast_in_dim3A_764 = arith.constant 3.500000e+01 : f32
    %broadcast_in_dim3A_765 = vector.broadcast %broadcast_in_dim3A_764 : f32 to vector<400x128xf32>
    %lt3A_766 = arith.cmpf olt, %slice3A_763, %min3A_746 : vector<400x128xf32>
    %min3A_767 = arith.minimumf %min3A_746, %slice3A_763 : vector<400x128xf32>
    %max3A_768 = arith.maximumf %min3A_746, %slice3A_763 : vector<400x128xf32>
    %select_n3A_769 = arith.select %lt3A_766, %broadcast_in_dim3A_765, %select_n3A_748 : vector<400x128xi1>, vector<400x128xf32>
    %select_n3A_770 = arith.select %lt3A_766, %select_n3A_748, %broadcast_in_dim3A_765 : vector<400x128xi1>, vector<400x128xf32>
    %lt3A_771 = arith.cmpf olt, %max3A_768, %min3A_751 : vector<400x128xf32>
    %min3A_772 = arith.minimumf %min3A_751, %max3A_768 : vector<400x128xf32>
    %max3A_773 = arith.maximumf %min3A_751, %max3A_768 : vector<400x128xf32>
    %select_n3A_774 = arith.select %lt3A_771, %select_n3A_770, %select_n3A_753 : vector<400x128xi1>, vector<400x128xf32>
    %select_n3A_775 = arith.select %lt3A_771, %select_n3A_753, %select_n3A_770 : vector<400x128xi1>, vector<400x128xf32>
    %lt3A_776 = arith.cmpf olt, %max3A_773, %min3A_756 : vector<400x128xf32>
    %min3A_777 = arith.minimumf %min3A_756, %max3A_773 : vector<400x128xf32>
    %max3A_778 = arith.maximumf %min3A_756, %max3A_773 : vector<400x128xf32>
    %select_n3A_779 = arith.select %lt3A_776, %select_n3A_775, %select_n3A_758 : vector<400x128xi1>, vector<400x128xf32>
    %select_n3A_780 = arith.select %lt3A_776, %select_n3A_758, %select_n3A_775 : vector<400x128xi1>, vector<400x128xf32>
    %lt3A_781 = arith.cmpf olt, %max3A_778, %min3A_761 : vector<400x128xf32>
    %min3A_782 = arith.minimumf %min3A_761, %max3A_778 : vector<400x128xf32>
    %select_n3A_783 = arith.select %lt3A_781, %select_n3A_780, %select_n3A_762 : vector<400x128xi1>, vector<400x128xf32>
    %slice3A_784 = vector.extract_strided_slice %sub3A {offsets = [0, 4608], sizes = [400, 128], strides = [1, 1]} : vector<400x10112xf32> to vector<400x128xf32>
    %broadcast_in_dim3A_785 = arith.constant 3.600000e+01 : f32
    %broadcast_in_dim3A_786 = vector.broadcast %broadcast_in_dim3A_785 : f32 to vector<400x128xf32>
    %lt3A_787 = arith.cmpf olt, %slice3A_784, %min3A_767 : vector<400x128xf32>
    %min3A_788 = arith.minimumf %min3A_767, %slice3A_784 : vector<400x128xf32>
    %max3A_789 = arith.maximumf %min3A_767, %slice3A_784 : vector<400x128xf32>
    %select_n3A_790 = arith.select %lt3A_787, %broadcast_in_dim3A_786, %select_n3A_769 : vector<400x128xi1>, vector<400x128xf32>
    %select_n3A_791 = arith.select %lt3A_787, %select_n3A_769, %broadcast_in_dim3A_786 : vector<400x128xi1>, vector<400x128xf32>
    %lt3A_792 = arith.cmpf olt, %max3A_789, %min3A_772 : vector<400x128xf32>
    %min3A_793 = arith.minimumf %min3A_772, %max3A_789 : vector<400x128xf32>
    %max3A_794 = arith.maximumf %min3A_772, %max3A_789 : vector<400x128xf32>
    %select_n3A_795 = arith.select %lt3A_792, %select_n3A_791, %select_n3A_774 : vector<400x128xi1>, vector<400x128xf32>
    %select_n3A_796 = arith.select %lt3A_792, %select_n3A_774, %select_n3A_791 : vector<400x128xi1>, vector<400x128xf32>
    %lt3A_797 = arith.cmpf olt, %max3A_794, %min3A_777 : vector<400x128xf32>
    %min3A_798 = arith.minimumf %min3A_777, %max3A_794 : vector<400x128xf32>
    %max3A_799 = arith.maximumf %min3A_777, %max3A_794 : vector<400x128xf32>
    %select_n3A_800 = arith.select %lt3A_797, %select_n3A_796, %select_n3A_779 : vector<400x128xi1>, vector<400x128xf32>
    %select_n3A_801 = arith.select %lt3A_797, %select_n3A_779, %select_n3A_796 : vector<400x128xi1>, vector<400x128xf32>
    %lt3A_802 = arith.cmpf olt, %max3A_799, %min3A_782 : vector<400x128xf32>
    %min3A_803 = arith.minimumf %min3A_782, %max3A_799 : vector<400x128xf32>
    %select_n3A_804 = arith.select %lt3A_802, %select_n3A_801, %select_n3A_783 : vector<400x128xi1>, vector<400x128xf32>
    %slice3A_805 = vector.extract_strided_slice %sub3A {offsets = [0, 4736], sizes = [400, 128], strides = [1, 1]} : vector<400x10112xf32> to vector<400x128xf32>
    %broadcast_in_dim3A_806 = arith.constant 3.700000e+01 : f32
    %broadcast_in_dim3A_807 = vector.broadcast %broadcast_in_dim3A_806 : f32 to vector<400x128xf32>
    %lt3A_808 = arith.cmpf olt, %slice3A_805, %min3A_788 : vector<400x128xf32>
    %min3A_809 = arith.minimumf %min3A_788, %slice3A_805 : vector<400x128xf32>
    %max3A_810 = arith.maximumf %min3A_788, %slice3A_805 : vector<400x128xf32>
    %select_n3A_811 = arith.select %lt3A_808, %broadcast_in_dim3A_807, %select_n3A_790 : vector<400x128xi1>, vector<400x128xf32>
    %select_n3A_812 = arith.select %lt3A_808, %select_n3A_790, %broadcast_in_dim3A_807 : vector<400x128xi1>, vector<400x128xf32>
    %lt3A_813 = arith.cmpf olt, %max3A_810, %min3A_793 : vector<400x128xf32>
    %min3A_814 = arith.minimumf %min3A_793, %max3A_810 : vector<400x128xf32>
    %max3A_815 = arith.maximumf %min3A_793, %max3A_810 : vector<400x128xf32>
    %select_n3A_816 = arith.select %lt3A_813, %select_n3A_812, %select_n3A_795 : vector<400x128xi1>, vector<400x128xf32>
    %select_n3A_817 = arith.select %lt3A_813, %select_n3A_795, %select_n3A_812 : vector<400x128xi1>, vector<400x128xf32>
    %lt3A_818 = arith.cmpf olt, %max3A_815, %min3A_798 : vector<400x128xf32>
    %min3A_819 = arith.minimumf %min3A_798, %max3A_815 : vector<400x128xf32>
    %max3A_820 = arith.maximumf %min3A_798, %max3A_815 : vector<400x128xf32>
    %select_n3A_821 = arith.select %lt3A_818, %select_n3A_817, %select_n3A_800 : vector<400x128xi1>, vector<400x128xf32>
    %select_n3A_822 = arith.select %lt3A_818, %select_n3A_800, %select_n3A_817 : vector<400x128xi1>, vector<400x128xf32>
    %lt3A_823 = arith.cmpf olt, %max3A_820, %min3A_803 : vector<400x128xf32>
    %min3A_824 = arith.minimumf %min3A_803, %max3A_820 : vector<400x128xf32>
    %select_n3A_825 = arith.select %lt3A_823, %select_n3A_822, %select_n3A_804 : vector<400x128xi1>, vector<400x128xf32>
    %slice3A_826 = vector.extract_strided_slice %sub3A {offsets = [0, 4864], sizes = [400, 128], strides = [1, 1]} : vector<400x10112xf32> to vector<400x128xf32>
    %broadcast_in_dim3A_827 = arith.constant 3.800000e+01 : f32
    %broadcast_in_dim3A_828 = vector.broadcast %broadcast_in_dim3A_827 : f32 to vector<400x128xf32>
    %lt3A_829 = arith.cmpf olt, %slice3A_826, %min3A_809 : vector<400x128xf32>
    %min3A_830 = arith.minimumf %min3A_809, %slice3A_826 : vector<400x128xf32>
    %max3A_831 = arith.maximumf %min3A_809, %slice3A_826 : vector<400x128xf32>
    %select_n3A_832 = arith.select %lt3A_829, %broadcast_in_dim3A_828, %select_n3A_811 : vector<400x128xi1>, vector<400x128xf32>
    %select_n3A_833 = arith.select %lt3A_829, %select_n3A_811, %broadcast_in_dim3A_828 : vector<400x128xi1>, vector<400x128xf32>
    %lt3A_834 = arith.cmpf olt, %max3A_831, %min3A_814 : vector<400x128xf32>
    %min3A_835 = arith.minimumf %min3A_814, %max3A_831 : vector<400x128xf32>
    %max3A_836 = arith.maximumf %min3A_814, %max3A_831 : vector<400x128xf32>
    %select_n3A_837 = arith.select %lt3A_834, %select_n3A_833, %select_n3A_816 : vector<400x128xi1>, vector<400x128xf32>
    %select_n3A_838 = arith.select %lt3A_834, %select_n3A_816, %select_n3A_833 : vector<400x128xi1>, vector<400x128xf32>
    %lt3A_839 = arith.cmpf olt, %max3A_836, %min3A_819 : vector<400x128xf32>
    %min3A_840 = arith.minimumf %min3A_819, %max3A_836 : vector<400x128xf32>
    %max3A_841 = arith.maximumf %min3A_819, %max3A_836 : vector<400x128xf32>
    %select_n3A_842 = arith.select %lt3A_839, %select_n3A_838, %select_n3A_821 : vector<400x128xi1>, vector<400x128xf32>
    %select_n3A_843 = arith.select %lt3A_839, %select_n3A_821, %select_n3A_838 : vector<400x128xi1>, vector<400x128xf32>
    %lt3A_844 = arith.cmpf olt, %max3A_841, %min3A_824 : vector<400x128xf32>
    %min3A_845 = arith.minimumf %min3A_824, %max3A_841 : vector<400x128xf32>
    %select_n3A_846 = arith.select %lt3A_844, %select_n3A_843, %select_n3A_825 : vector<400x128xi1>, vector<400x128xf32>
    %slice3A_847 = vector.extract_strided_slice %sub3A {offsets = [0, 4992], sizes = [400, 128], strides = [1, 1]} : vector<400x10112xf32> to vector<400x128xf32>
    %broadcast_in_dim3A_848 = arith.constant 3.900000e+01 : f32
    %broadcast_in_dim3A_849 = vector.broadcast %broadcast_in_dim3A_848 : f32 to vector<400x128xf32>
    %lt3A_850 = arith.cmpf olt, %slice3A_847, %min3A_830 : vector<400x128xf32>
    %min3A_851 = arith.minimumf %min3A_830, %slice3A_847 : vector<400x128xf32>
    %max3A_852 = arith.maximumf %min3A_830, %slice3A_847 : vector<400x128xf32>
    %select_n3A_853 = arith.select %lt3A_850, %broadcast_in_dim3A_849, %select_n3A_832 : vector<400x128xi1>, vector<400x128xf32>
    %select_n3A_854 = arith.select %lt3A_850, %select_n3A_832, %broadcast_in_dim3A_849 : vector<400x128xi1>, vector<400x128xf32>
    %lt3A_855 = arith.cmpf olt, %max3A_852, %min3A_835 : vector<400x128xf32>
    %min3A_856 = arith.minimumf %min3A_835, %max3A_852 : vector<400x128xf32>
    %max3A_857 = arith.maximumf %min3A_835, %max3A_852 : vector<400x128xf32>
    %select_n3A_858 = arith.select %lt3A_855, %select_n3A_854, %select_n3A_837 : vector<400x128xi1>, vector<400x128xf32>
    %select_n3A_859 = arith.select %lt3A_855, %select_n3A_837, %select_n3A_854 : vector<400x128xi1>, vector<400x128xf32>
    %lt3A_860 = arith.cmpf olt, %max3A_857, %min3A_840 : vector<400x128xf32>
    %min3A_861 = arith.minimumf %min3A_840, %max3A_857 : vector<400x128xf32>
    %max3A_862 = arith.maximumf %min3A_840, %max3A_857 : vector<400x128xf32>
    %select_n3A_863 = arith.select %lt3A_860, %select_n3A_859, %select_n3A_842 : vector<400x128xi1>, vector<400x128xf32>
    %select_n3A_864 = arith.select %lt3A_860, %select_n3A_842, %select_n3A_859 : vector<400x128xi1>, vector<400x128xf32>
    %lt3A_865 = arith.cmpf olt, %max3A_862, %min3A_845 : vector<400x128xf32>
    %min3A_866 = arith.minimumf %min3A_845, %max3A_862 : vector<400x128xf32>
    %select_n3A_867 = arith.select %lt3A_865, %select_n3A_864, %select_n3A_846 : vector<400x128xi1>, vector<400x128xf32>
    %slice3A_868 = vector.extract_strided_slice %sub3A {offsets = [0, 5120], sizes = [400, 128], strides = [1, 1]} : vector<400x10112xf32> to vector<400x128xf32>
    %broadcast_in_dim3A_869 = arith.constant 4.000000e+01 : f32
    %broadcast_in_dim3A_870 = vector.broadcast %broadcast_in_dim3A_869 : f32 to vector<400x128xf32>
    %lt3A_871 = arith.cmpf olt, %slice3A_868, %min3A_851 : vector<400x128xf32>
    %min3A_872 = arith.minimumf %min3A_851, %slice3A_868 : vector<400x128xf32>
    %max3A_873 = arith.maximumf %min3A_851, %slice3A_868 : vector<400x128xf32>
    %select_n3A_874 = arith.select %lt3A_871, %broadcast_in_dim3A_870, %select_n3A_853 : vector<400x128xi1>, vector<400x128xf32>
    %select_n3A_875 = arith.select %lt3A_871, %select_n3A_853, %broadcast_in_dim3A_870 : vector<400x128xi1>, vector<400x128xf32>
    %lt3A_876 = arith.cmpf olt, %max3A_873, %min3A_856 : vector<400x128xf32>
    %min3A_877 = arith.minimumf %min3A_856, %max3A_873 : vector<400x128xf32>
    %max3A_878 = arith.maximumf %min3A_856, %max3A_873 : vector<400x128xf32>
    %select_n3A_879 = arith.select %lt3A_876, %select_n3A_875, %select_n3A_858 : vector<400x128xi1>, vector<400x128xf32>
    %select_n3A_880 = arith.select %lt3A_876, %select_n3A_858, %select_n3A_875 : vector<400x128xi1>, vector<400x128xf32>
    %lt3A_881 = arith.cmpf olt, %max3A_878, %min3A_861 : vector<400x128xf32>
    %min3A_882 = arith.minimumf %min3A_861, %max3A_878 : vector<400x128xf32>
    %max3A_883 = arith.maximumf %min3A_861, %max3A_878 : vector<400x128xf32>
    %select_n3A_884 = arith.select %lt3A_881, %select_n3A_880, %select_n3A_863 : vector<400x128xi1>, vector<400x128xf32>
    %select_n3A_885 = arith.select %lt3A_881, %select_n3A_863, %select_n3A_880 : vector<400x128xi1>, vector<400x128xf32>
    %lt3A_886 = arith.cmpf olt, %max3A_883, %min3A_866 : vector<400x128xf32>
    %min3A_887 = arith.minimumf %min3A_866, %max3A_883 : vector<400x128xf32>
    %select_n3A_888 = arith.select %lt3A_886, %select_n3A_885, %select_n3A_867 : vector<400x128xi1>, vector<400x128xf32>
    %slice3A_889 = vector.extract_strided_slice %sub3A {offsets = [0, 5248], sizes = [400, 128], strides = [1, 1]} : vector<400x10112xf32> to vector<400x128xf32>
    %broadcast_in_dim3A_890 = arith.constant 4.100000e+01 : f32
    %broadcast_in_dim3A_891 = vector.broadcast %broadcast_in_dim3A_890 : f32 to vector<400x128xf32>
    %lt3A_892 = arith.cmpf olt, %slice3A_889, %min3A_872 : vector<400x128xf32>
    %min3A_893 = arith.minimumf %min3A_872, %slice3A_889 : vector<400x128xf32>
    %max3A_894 = arith.maximumf %min3A_872, %slice3A_889 : vector<400x128xf32>
    %select_n3A_895 = arith.select %lt3A_892, %broadcast_in_dim3A_891, %select_n3A_874 : vector<400x128xi1>, vector<400x128xf32>
    %select_n3A_896 = arith.select %lt3A_892, %select_n3A_874, %broadcast_in_dim3A_891 : vector<400x128xi1>, vector<400x128xf32>
    %lt3A_897 = arith.cmpf olt, %max3A_894, %min3A_877 : vector<400x128xf32>
    %min3A_898 = arith.minimumf %min3A_877, %max3A_894 : vector<400x128xf32>
    %max3A_899 = arith.maximumf %min3A_877, %max3A_894 : vector<400x128xf32>
    %select_n3A_900 = arith.select %lt3A_897, %select_n3A_896, %select_n3A_879 : vector<400x128xi1>, vector<400x128xf32>
    %select_n3A_901 = arith.select %lt3A_897, %select_n3A_879, %select_n3A_896 : vector<400x128xi1>, vector<400x128xf32>
    %lt3A_902 = arith.cmpf olt, %max3A_899, %min3A_882 : vector<400x128xf32>
    %min3A_903 = arith.minimumf %min3A_882, %max3A_899 : vector<400x128xf32>
    %max3A_904 = arith.maximumf %min3A_882, %max3A_899 : vector<400x128xf32>
    %select_n3A_905 = arith.select %lt3A_902, %select_n3A_901, %select_n3A_884 : vector<400x128xi1>, vector<400x128xf32>
    %select_n3A_906 = arith.select %lt3A_902, %select_n3A_884, %select_n3A_901 : vector<400x128xi1>, vector<400x128xf32>
    %lt3A_907 = arith.cmpf olt, %max3A_904, %min3A_887 : vector<400x128xf32>
    %min3A_908 = arith.minimumf %min3A_887, %max3A_904 : vector<400x128xf32>
    %select_n3A_909 = arith.select %lt3A_907, %select_n3A_906, %select_n3A_888 : vector<400x128xi1>, vector<400x128xf32>
    %slice3A_910 = vector.extract_strided_slice %sub3A {offsets = [0, 5376], sizes = [400, 128], strides = [1, 1]} : vector<400x10112xf32> to vector<400x128xf32>
    %broadcast_in_dim3A_911 = arith.constant 4.200000e+01 : f32
    %broadcast_in_dim3A_912 = vector.broadcast %broadcast_in_dim3A_911 : f32 to vector<400x128xf32>
    %lt3A_913 = arith.cmpf olt, %slice3A_910, %min3A_893 : vector<400x128xf32>
    %min3A_914 = arith.minimumf %min3A_893, %slice3A_910 : vector<400x128xf32>
    %max3A_915 = arith.maximumf %min3A_893, %slice3A_910 : vector<400x128xf32>
    %select_n3A_916 = arith.select %lt3A_913, %broadcast_in_dim3A_912, %select_n3A_895 : vector<400x128xi1>, vector<400x128xf32>
    %select_n3A_917 = arith.select %lt3A_913, %select_n3A_895, %broadcast_in_dim3A_912 : vector<400x128xi1>, vector<400x128xf32>
    %lt3A_918 = arith.cmpf olt, %max3A_915, %min3A_898 : vector<400x128xf32>
    %min3A_919 = arith.minimumf %min3A_898, %max3A_915 : vector<400x128xf32>
    %max3A_920 = arith.maximumf %min3A_898, %max3A_915 : vector<400x128xf32>
    %select_n3A_921 = arith.select %lt3A_918, %select_n3A_917, %select_n3A_900 : vector<400x128xi1>, vector<400x128xf32>
    %select_n3A_922 = arith.select %lt3A_918, %select_n3A_900, %select_n3A_917 : vector<400x128xi1>, vector<400x128xf32>
    %lt3A_923 = arith.cmpf olt, %max3A_920, %min3A_903 : vector<400x128xf32>
    %min3A_924 = arith.minimumf %min3A_903, %max3A_920 : vector<400x128xf32>
    %max3A_925 = arith.maximumf %min3A_903, %max3A_920 : vector<400x128xf32>
    %select_n3A_926 = arith.select %lt3A_923, %select_n3A_922, %select_n3A_905 : vector<400x128xi1>, vector<400x128xf32>
    %select_n3A_927 = arith.select %lt3A_923, %select_n3A_905, %select_n3A_922 : vector<400x128xi1>, vector<400x128xf32>
    %lt3A_928 = arith.cmpf olt, %max3A_925, %min3A_908 : vector<400x128xf32>
    %min3A_929 = arith.minimumf %min3A_908, %max3A_925 : vector<400x128xf32>
    %select_n3A_930 = arith.select %lt3A_928, %select_n3A_927, %select_n3A_909 : vector<400x128xi1>, vector<400x128xf32>
    %slice3A_931 = vector.extract_strided_slice %sub3A {offsets = [0, 5504], sizes = [400, 128], strides = [1, 1]} : vector<400x10112xf32> to vector<400x128xf32>
    %broadcast_in_dim3A_932 = arith.constant 4.300000e+01 : f32
    %broadcast_in_dim3A_933 = vector.broadcast %broadcast_in_dim3A_932 : f32 to vector<400x128xf32>
    %lt3A_934 = arith.cmpf olt, %slice3A_931, %min3A_914 : vector<400x128xf32>
    %min3A_935 = arith.minimumf %min3A_914, %slice3A_931 : vector<400x128xf32>
    %max3A_936 = arith.maximumf %min3A_914, %slice3A_931 : vector<400x128xf32>
    %select_n3A_937 = arith.select %lt3A_934, %broadcast_in_dim3A_933, %select_n3A_916 : vector<400x128xi1>, vector<400x128xf32>
    %select_n3A_938 = arith.select %lt3A_934, %select_n3A_916, %broadcast_in_dim3A_933 : vector<400x128xi1>, vector<400x128xf32>
    %lt3A_939 = arith.cmpf olt, %max3A_936, %min3A_919 : vector<400x128xf32>
    %min3A_940 = arith.minimumf %min3A_919, %max3A_936 : vector<400x128xf32>
    %max3A_941 = arith.maximumf %min3A_919, %max3A_936 : vector<400x128xf32>
    %select_n3A_942 = arith.select %lt3A_939, %select_n3A_938, %select_n3A_921 : vector<400x128xi1>, vector<400x128xf32>
    %select_n3A_943 = arith.select %lt3A_939, %select_n3A_921, %select_n3A_938 : vector<400x128xi1>, vector<400x128xf32>
    %lt3A_944 = arith.cmpf olt, %max3A_941, %min3A_924 : vector<400x128xf32>
    %min3A_945 = arith.minimumf %min3A_924, %max3A_941 : vector<400x128xf32>
    %max3A_946 = arith.maximumf %min3A_924, %max3A_941 : vector<400x128xf32>
    %select_n3A_947 = arith.select %lt3A_944, %select_n3A_943, %select_n3A_926 : vector<400x128xi1>, vector<400x128xf32>
    %select_n3A_948 = arith.select %lt3A_944, %select_n3A_926, %select_n3A_943 : vector<400x128xi1>, vector<400x128xf32>
    %lt3A_949 = arith.cmpf olt, %max3A_946, %min3A_929 : vector<400x128xf32>
    %min3A_950 = arith.minimumf %min3A_929, %max3A_946 : vector<400x128xf32>
    %select_n3A_951 = arith.select %lt3A_949, %select_n3A_948, %select_n3A_930 : vector<400x128xi1>, vector<400x128xf32>
    %slice3A_952 = vector.extract_strided_slice %sub3A {offsets = [0, 5632], sizes = [400, 128], strides = [1, 1]} : vector<400x10112xf32> to vector<400x128xf32>
    %broadcast_in_dim3A_953 = arith.constant 4.400000e+01 : f32
    %broadcast_in_dim3A_954 = vector.broadcast %broadcast_in_dim3A_953 : f32 to vector<400x128xf32>
    %lt3A_955 = arith.cmpf olt, %slice3A_952, %min3A_935 : vector<400x128xf32>
    %min3A_956 = arith.minimumf %min3A_935, %slice3A_952 : vector<400x128xf32>
    %max3A_957 = arith.maximumf %min3A_935, %slice3A_952 : vector<400x128xf32>
    %select_n3A_958 = arith.select %lt3A_955, %broadcast_in_dim3A_954, %select_n3A_937 : vector<400x128xi1>, vector<400x128xf32>
    %select_n3A_959 = arith.select %lt3A_955, %select_n3A_937, %broadcast_in_dim3A_954 : vector<400x128xi1>, vector<400x128xf32>
    %lt3A_960 = arith.cmpf olt, %max3A_957, %min3A_940 : vector<400x128xf32>
    %min3A_961 = arith.minimumf %min3A_940, %max3A_957 : vector<400x128xf32>
    %max3A_962 = arith.maximumf %min3A_940, %max3A_957 : vector<400x128xf32>
    %select_n3A_963 = arith.select %lt3A_960, %select_n3A_959, %select_n3A_942 : vector<400x128xi1>, vector<400x128xf32>
    %select_n3A_964 = arith.select %lt3A_960, %select_n3A_942, %select_n3A_959 : vector<400x128xi1>, vector<400x128xf32>
    %lt3A_965 = arith.cmpf olt, %max3A_962, %min3A_945 : vector<400x128xf32>
    %min3A_966 = arith.minimumf %min3A_945, %max3A_962 : vector<400x128xf32>
    %max3A_967 = arith.maximumf %min3A_945, %max3A_962 : vector<400x128xf32>
    %select_n3A_968 = arith.select %lt3A_965, %select_n3A_964, %select_n3A_947 : vector<400x128xi1>, vector<400x128xf32>
    %select_n3A_969 = arith.select %lt3A_965, %select_n3A_947, %select_n3A_964 : vector<400x128xi1>, vector<400x128xf32>
    %lt3A_970 = arith.cmpf olt, %max3A_967, %min3A_950 : vector<400x128xf32>
    %min3A_971 = arith.minimumf %min3A_950, %max3A_967 : vector<400x128xf32>
    %select_n3A_972 = arith.select %lt3A_970, %select_n3A_969, %select_n3A_951 : vector<400x128xi1>, vector<400x128xf32>
    %slice3A_973 = vector.extract_strided_slice %sub3A {offsets = [0, 5760], sizes = [400, 128], strides = [1, 1]} : vector<400x10112xf32> to vector<400x128xf32>
    %broadcast_in_dim3A_974 = arith.constant 4.500000e+01 : f32
    %broadcast_in_dim3A_975 = vector.broadcast %broadcast_in_dim3A_974 : f32 to vector<400x128xf32>
    %lt3A_976 = arith.cmpf olt, %slice3A_973, %min3A_956 : vector<400x128xf32>
    %min3A_977 = arith.minimumf %min3A_956, %slice3A_973 : vector<400x128xf32>
    %max3A_978 = arith.maximumf %min3A_956, %slice3A_973 : vector<400x128xf32>
    %select_n3A_979 = arith.select %lt3A_976, %broadcast_in_dim3A_975, %select_n3A_958 : vector<400x128xi1>, vector<400x128xf32>
    %select_n3A_980 = arith.select %lt3A_976, %select_n3A_958, %broadcast_in_dim3A_975 : vector<400x128xi1>, vector<400x128xf32>
    %lt3A_981 = arith.cmpf olt, %max3A_978, %min3A_961 : vector<400x128xf32>
    %min3A_982 = arith.minimumf %min3A_961, %max3A_978 : vector<400x128xf32>
    %max3A_983 = arith.maximumf %min3A_961, %max3A_978 : vector<400x128xf32>
    %select_n3A_984 = arith.select %lt3A_981, %select_n3A_980, %select_n3A_963 : vector<400x128xi1>, vector<400x128xf32>
    %select_n3A_985 = arith.select %lt3A_981, %select_n3A_963, %select_n3A_980 : vector<400x128xi1>, vector<400x128xf32>
    %lt3A_986 = arith.cmpf olt, %max3A_983, %min3A_966 : vector<400x128xf32>
    %min3A_987 = arith.minimumf %min3A_966, %max3A_983 : vector<400x128xf32>
    %max3A_988 = arith.maximumf %min3A_966, %max3A_983 : vector<400x128xf32>
    %select_n3A_989 = arith.select %lt3A_986, %select_n3A_985, %select_n3A_968 : vector<400x128xi1>, vector<400x128xf32>
    %select_n3A_990 = arith.select %lt3A_986, %select_n3A_968, %select_n3A_985 : vector<400x128xi1>, vector<400x128xf32>
    %lt3A_991 = arith.cmpf olt, %max3A_988, %min3A_971 : vector<400x128xf32>
    %min3A_992 = arith.minimumf %min3A_971, %max3A_988 : vector<400x128xf32>
    %select_n3A_993 = arith.select %lt3A_991, %select_n3A_990, %select_n3A_972 : vector<400x128xi1>, vector<400x128xf32>
    %slice3A_994 = vector.extract_strided_slice %sub3A {offsets = [0, 5888], sizes = [400, 128], strides = [1, 1]} : vector<400x10112xf32> to vector<400x128xf32>
    %broadcast_in_dim3A_995 = arith.constant 4.600000e+01 : f32
    %broadcast_in_dim3A_996 = vector.broadcast %broadcast_in_dim3A_995 : f32 to vector<400x128xf32>
    %lt3A_997 = arith.cmpf olt, %slice3A_994, %min3A_977 : vector<400x128xf32>
    %min3A_998 = arith.minimumf %min3A_977, %slice3A_994 : vector<400x128xf32>
    %max3A_999 = arith.maximumf %min3A_977, %slice3A_994 : vector<400x128xf32>
    %select_n3A_1000 = arith.select %lt3A_997, %broadcast_in_dim3A_996, %select_n3A_979 : vector<400x128xi1>, vector<400x128xf32>
    %select_n3A_1001 = arith.select %lt3A_997, %select_n3A_979, %broadcast_in_dim3A_996 : vector<400x128xi1>, vector<400x128xf32>
    %lt3A_1002 = arith.cmpf olt, %max3A_999, %min3A_982 : vector<400x128xf32>
    %min3A_1003 = arith.minimumf %min3A_982, %max3A_999 : vector<400x128xf32>
    %max3A_1004 = arith.maximumf %min3A_982, %max3A_999 : vector<400x128xf32>
    %select_n3A_1005 = arith.select %lt3A_1002, %select_n3A_1001, %select_n3A_984 : vector<400x128xi1>, vector<400x128xf32>
    %select_n3A_1006 = arith.select %lt3A_1002, %select_n3A_984, %select_n3A_1001 : vector<400x128xi1>, vector<400x128xf32>
    %lt3A_1007 = arith.cmpf olt, %max3A_1004, %min3A_987 : vector<400x128xf32>
    %min3A_1008 = arith.minimumf %min3A_987, %max3A_1004 : vector<400x128xf32>
    %max3A_1009 = arith.maximumf %min3A_987, %max3A_1004 : vector<400x128xf32>
    %select_n3A_1010 = arith.select %lt3A_1007, %select_n3A_1006, %select_n3A_989 : vector<400x128xi1>, vector<400x128xf32>
    %select_n3A_1011 = arith.select %lt3A_1007, %select_n3A_989, %select_n3A_1006 : vector<400x128xi1>, vector<400x128xf32>
    %lt3A_1012 = arith.cmpf olt, %max3A_1009, %min3A_992 : vector<400x128xf32>
    %min3A_1013 = arith.minimumf %min3A_992, %max3A_1009 : vector<400x128xf32>
    %select_n3A_1014 = arith.select %lt3A_1012, %select_n3A_1011, %select_n3A_993 : vector<400x128xi1>, vector<400x128xf32>
    %slice3A_1015 = vector.extract_strided_slice %sub3A {offsets = [0, 6016], sizes = [400, 128], strides = [1, 1]} : vector<400x10112xf32> to vector<400x128xf32>
    %broadcast_in_dim3A_1016 = arith.constant 4.700000e+01 : f32
    %broadcast_in_dim3A_1017 = vector.broadcast %broadcast_in_dim3A_1016 : f32 to vector<400x128xf32>
    %lt3A_1018 = arith.cmpf olt, %slice3A_1015, %min3A_998 : vector<400x128xf32>
    %min3A_1019 = arith.minimumf %min3A_998, %slice3A_1015 : vector<400x128xf32>
    %max3A_1020 = arith.maximumf %min3A_998, %slice3A_1015 : vector<400x128xf32>
    %select_n3A_1021 = arith.select %lt3A_1018, %broadcast_in_dim3A_1017, %select_n3A_1000 : vector<400x128xi1>, vector<400x128xf32>
    %select_n3A_1022 = arith.select %lt3A_1018, %select_n3A_1000, %broadcast_in_dim3A_1017 : vector<400x128xi1>, vector<400x128xf32>
    %lt3A_1023 = arith.cmpf olt, %max3A_1020, %min3A_1003 : vector<400x128xf32>
    %min3A_1024 = arith.minimumf %min3A_1003, %max3A_1020 : vector<400x128xf32>
    %max3A_1025 = arith.maximumf %min3A_1003, %max3A_1020 : vector<400x128xf32>
    %select_n3A_1026 = arith.select %lt3A_1023, %select_n3A_1022, %select_n3A_1005 : vector<400x128xi1>, vector<400x128xf32>
    %select_n3A_1027 = arith.select %lt3A_1023, %select_n3A_1005, %select_n3A_1022 : vector<400x128xi1>, vector<400x128xf32>
    %lt3A_1028 = arith.cmpf olt, %max3A_1025, %min3A_1008 : vector<400x128xf32>
    %min3A_1029 = arith.minimumf %min3A_1008, %max3A_1025 : vector<400x128xf32>
    %max3A_1030 = arith.maximumf %min3A_1008, %max3A_1025 : vector<400x128xf32>
    %select_n3A_1031 = arith.select %lt3A_1028, %select_n3A_1027, %select_n3A_1010 : vector<400x128xi1>, vector<400x128xf32>
    %select_n3A_1032 = arith.select %lt3A_1028, %select_n3A_1010, %select_n3A_1027 : vector<400x128xi1>, vector<400x128xf32>
    %lt3A_1033 = arith.cmpf olt, %max3A_1030, %min3A_1013 : vector<400x128xf32>
    %min3A_1034 = arith.minimumf %min3A_1013, %max3A_1030 : vector<400x128xf32>
    %select_n3A_1035 = arith.select %lt3A_1033, %select_n3A_1032, %select_n3A_1014 : vector<400x128xi1>, vector<400x128xf32>
    %slice3A_1036 = vector.extract_strided_slice %sub3A {offsets = [0, 6144], sizes = [400, 128], strides = [1, 1]} : vector<400x10112xf32> to vector<400x128xf32>
    %broadcast_in_dim3A_1037 = arith.constant 4.800000e+01 : f32
    %broadcast_in_dim3A_1038 = vector.broadcast %broadcast_in_dim3A_1037 : f32 to vector<400x128xf32>
    %lt3A_1039 = arith.cmpf olt, %slice3A_1036, %min3A_1019 : vector<400x128xf32>
    %min3A_1040 = arith.minimumf %min3A_1019, %slice3A_1036 : vector<400x128xf32>
    %max3A_1041 = arith.maximumf %min3A_1019, %slice3A_1036 : vector<400x128xf32>
    %select_n3A_1042 = arith.select %lt3A_1039, %broadcast_in_dim3A_1038, %select_n3A_1021 : vector<400x128xi1>, vector<400x128xf32>
    %select_n3A_1043 = arith.select %lt3A_1039, %select_n3A_1021, %broadcast_in_dim3A_1038 : vector<400x128xi1>, vector<400x128xf32>
    %lt3A_1044 = arith.cmpf olt, %max3A_1041, %min3A_1024 : vector<400x128xf32>
    %min3A_1045 = arith.minimumf %min3A_1024, %max3A_1041 : vector<400x128xf32>
    %max3A_1046 = arith.maximumf %min3A_1024, %max3A_1041 : vector<400x128xf32>
    %select_n3A_1047 = arith.select %lt3A_1044, %select_n3A_1043, %select_n3A_1026 : vector<400x128xi1>, vector<400x128xf32>
    %select_n3A_1048 = arith.select %lt3A_1044, %select_n3A_1026, %select_n3A_1043 : vector<400x128xi1>, vector<400x128xf32>
    %lt3A_1049 = arith.cmpf olt, %max3A_1046, %min3A_1029 : vector<400x128xf32>
    %min3A_1050 = arith.minimumf %min3A_1029, %max3A_1046 : vector<400x128xf32>
    %max3A_1051 = arith.maximumf %min3A_1029, %max3A_1046 : vector<400x128xf32>
    %select_n3A_1052 = arith.select %lt3A_1049, %select_n3A_1048, %select_n3A_1031 : vector<400x128xi1>, vector<400x128xf32>
    %select_n3A_1053 = arith.select %lt3A_1049, %select_n3A_1031, %select_n3A_1048 : vector<400x128xi1>, vector<400x128xf32>
    %lt3A_1054 = arith.cmpf olt, %max3A_1051, %min3A_1034 : vector<400x128xf32>
    %min3A_1055 = arith.minimumf %min3A_1034, %max3A_1051 : vector<400x128xf32>
    %select_n3A_1056 = arith.select %lt3A_1054, %select_n3A_1053, %select_n3A_1035 : vector<400x128xi1>, vector<400x128xf32>
    %slice3A_1057 = vector.extract_strided_slice %sub3A {offsets = [0, 6272], sizes = [400, 128], strides = [1, 1]} : vector<400x10112xf32> to vector<400x128xf32>
    %broadcast_in_dim3A_1058 = arith.constant 4.900000e+01 : f32
    %broadcast_in_dim3A_1059 = vector.broadcast %broadcast_in_dim3A_1058 : f32 to vector<400x128xf32>
    %lt3A_1060 = arith.cmpf olt, %slice3A_1057, %min3A_1040 : vector<400x128xf32>
    %min3A_1061 = arith.minimumf %min3A_1040, %slice3A_1057 : vector<400x128xf32>
    %max3A_1062 = arith.maximumf %min3A_1040, %slice3A_1057 : vector<400x128xf32>
    %select_n3A_1063 = arith.select %lt3A_1060, %broadcast_in_dim3A_1059, %select_n3A_1042 : vector<400x128xi1>, vector<400x128xf32>
    %select_n3A_1064 = arith.select %lt3A_1060, %select_n3A_1042, %broadcast_in_dim3A_1059 : vector<400x128xi1>, vector<400x128xf32>
    %lt3A_1065 = arith.cmpf olt, %max3A_1062, %min3A_1045 : vector<400x128xf32>
    %min3A_1066 = arith.minimumf %min3A_1045, %max3A_1062 : vector<400x128xf32>
    %max3A_1067 = arith.maximumf %min3A_1045, %max3A_1062 : vector<400x128xf32>
    %select_n3A_1068 = arith.select %lt3A_1065, %select_n3A_1064, %select_n3A_1047 : vector<400x128xi1>, vector<400x128xf32>
    %select_n3A_1069 = arith.select %lt3A_1065, %select_n3A_1047, %select_n3A_1064 : vector<400x128xi1>, vector<400x128xf32>
    %lt3A_1070 = arith.cmpf olt, %max3A_1067, %min3A_1050 : vector<400x128xf32>
    %min3A_1071 = arith.minimumf %min3A_1050, %max3A_1067 : vector<400x128xf32>
    %max3A_1072 = arith.maximumf %min3A_1050, %max3A_1067 : vector<400x128xf32>
    %select_n3A_1073 = arith.select %lt3A_1070, %select_n3A_1069, %select_n3A_1052 : vector<400x128xi1>, vector<400x128xf32>
    %select_n3A_1074 = arith.select %lt3A_1070, %select_n3A_1052, %select_n3A_1069 : vector<400x128xi1>, vector<400x128xf32>
    %lt3A_1075 = arith.cmpf olt, %max3A_1072, %min3A_1055 : vector<400x128xf32>
    %min3A_1076 = arith.minimumf %min3A_1055, %max3A_1072 : vector<400x128xf32>
    %select_n3A_1077 = arith.select %lt3A_1075, %select_n3A_1074, %select_n3A_1056 : vector<400x128xi1>, vector<400x128xf32>
    %slice3A_1078 = vector.extract_strided_slice %sub3A {offsets = [0, 6400], sizes = [400, 128], strides = [1, 1]} : vector<400x10112xf32> to vector<400x128xf32>
    %broadcast_in_dim3A_1079 = arith.constant 5.000000e+01 : f32
    %broadcast_in_dim3A_1080 = vector.broadcast %broadcast_in_dim3A_1079 : f32 to vector<400x128xf32>
    %lt3A_1081 = arith.cmpf olt, %slice3A_1078, %min3A_1061 : vector<400x128xf32>
    %min3A_1082 = arith.minimumf %min3A_1061, %slice3A_1078 : vector<400x128xf32>
    %max3A_1083 = arith.maximumf %min3A_1061, %slice3A_1078 : vector<400x128xf32>
    %select_n3A_1084 = arith.select %lt3A_1081, %broadcast_in_dim3A_1080, %select_n3A_1063 : vector<400x128xi1>, vector<400x128xf32>
    %select_n3A_1085 = arith.select %lt3A_1081, %select_n3A_1063, %broadcast_in_dim3A_1080 : vector<400x128xi1>, vector<400x128xf32>
    %lt3A_1086 = arith.cmpf olt, %max3A_1083, %min3A_1066 : vector<400x128xf32>
    %min3A_1087 = arith.minimumf %min3A_1066, %max3A_1083 : vector<400x128xf32>
    %max3A_1088 = arith.maximumf %min3A_1066, %max3A_1083 : vector<400x128xf32>
    %select_n3A_1089 = arith.select %lt3A_1086, %select_n3A_1085, %select_n3A_1068 : vector<400x128xi1>, vector<400x128xf32>
    %select_n3A_1090 = arith.select %lt3A_1086, %select_n3A_1068, %select_n3A_1085 : vector<400x128xi1>, vector<400x128xf32>
    %lt3A_1091 = arith.cmpf olt, %max3A_1088, %min3A_1071 : vector<400x128xf32>
    %min3A_1092 = arith.minimumf %min3A_1071, %max3A_1088 : vector<400x128xf32>
    %max3A_1093 = arith.maximumf %min3A_1071, %max3A_1088 : vector<400x128xf32>
    %select_n3A_1094 = arith.select %lt3A_1091, %select_n3A_1090, %select_n3A_1073 : vector<400x128xi1>, vector<400x128xf32>
    %select_n3A_1095 = arith.select %lt3A_1091, %select_n3A_1073, %select_n3A_1090 : vector<400x128xi1>, vector<400x128xf32>
    %lt3A_1096 = arith.cmpf olt, %max3A_1093, %min3A_1076 : vector<400x128xf32>
    %min3A_1097 = arith.minimumf %min3A_1076, %max3A_1093 : vector<400x128xf32>
    %select_n3A_1098 = arith.select %lt3A_1096, %select_n3A_1095, %select_n3A_1077 : vector<400x128xi1>, vector<400x128xf32>
    %slice3A_1099 = vector.extract_strided_slice %sub3A {offsets = [0, 6528], sizes = [400, 128], strides = [1, 1]} : vector<400x10112xf32> to vector<400x128xf32>
    %broadcast_in_dim3A_1100 = arith.constant 5.100000e+01 : f32
    %broadcast_in_dim3A_1101 = vector.broadcast %broadcast_in_dim3A_1100 : f32 to vector<400x128xf32>
    %lt3A_1102 = arith.cmpf olt, %slice3A_1099, %min3A_1082 : vector<400x128xf32>
    %min3A_1103 = arith.minimumf %min3A_1082, %slice3A_1099 : vector<400x128xf32>
    %max3A_1104 = arith.maximumf %min3A_1082, %slice3A_1099 : vector<400x128xf32>
    %select_n3A_1105 = arith.select %lt3A_1102, %broadcast_in_dim3A_1101, %select_n3A_1084 : vector<400x128xi1>, vector<400x128xf32>
    %select_n3A_1106 = arith.select %lt3A_1102, %select_n3A_1084, %broadcast_in_dim3A_1101 : vector<400x128xi1>, vector<400x128xf32>
    %lt3A_1107 = arith.cmpf olt, %max3A_1104, %min3A_1087 : vector<400x128xf32>
    %min3A_1108 = arith.minimumf %min3A_1087, %max3A_1104 : vector<400x128xf32>
    %max3A_1109 = arith.maximumf %min3A_1087, %max3A_1104 : vector<400x128xf32>
    %select_n3A_1110 = arith.select %lt3A_1107, %select_n3A_1106, %select_n3A_1089 : vector<400x128xi1>, vector<400x128xf32>
    %select_n3A_1111 = arith.select %lt3A_1107, %select_n3A_1089, %select_n3A_1106 : vector<400x128xi1>, vector<400x128xf32>
    %lt3A_1112 = arith.cmpf olt, %max3A_1109, %min3A_1092 : vector<400x128xf32>
    %min3A_1113 = arith.minimumf %min3A_1092, %max3A_1109 : vector<400x128xf32>
    %max3A_1114 = arith.maximumf %min3A_1092, %max3A_1109 : vector<400x128xf32>
    %select_n3A_1115 = arith.select %lt3A_1112, %select_n3A_1111, %select_n3A_1094 : vector<400x128xi1>, vector<400x128xf32>
    %select_n3A_1116 = arith.select %lt3A_1112, %select_n3A_1094, %select_n3A_1111 : vector<400x128xi1>, vector<400x128xf32>
    %lt3A_1117 = arith.cmpf olt, %max3A_1114, %min3A_1097 : vector<400x128xf32>
    %min3A_1118 = arith.minimumf %min3A_1097, %max3A_1114 : vector<400x128xf32>
    %select_n3A_1119 = arith.select %lt3A_1117, %select_n3A_1116, %select_n3A_1098 : vector<400x128xi1>, vector<400x128xf32>
    %slice3A_1120 = vector.extract_strided_slice %sub3A {offsets = [0, 6656], sizes = [400, 128], strides = [1, 1]} : vector<400x10112xf32> to vector<400x128xf32>
    %broadcast_in_dim3A_1121 = arith.constant 5.200000e+01 : f32
    %broadcast_in_dim3A_1122 = vector.broadcast %broadcast_in_dim3A_1121 : f32 to vector<400x128xf32>
    %lt3A_1123 = arith.cmpf olt, %slice3A_1120, %min3A_1103 : vector<400x128xf32>
    %min3A_1124 = arith.minimumf %min3A_1103, %slice3A_1120 : vector<400x128xf32>
    %max3A_1125 = arith.maximumf %min3A_1103, %slice3A_1120 : vector<400x128xf32>
    %select_n3A_1126 = arith.select %lt3A_1123, %broadcast_in_dim3A_1122, %select_n3A_1105 : vector<400x128xi1>, vector<400x128xf32>
    %select_n3A_1127 = arith.select %lt3A_1123, %select_n3A_1105, %broadcast_in_dim3A_1122 : vector<400x128xi1>, vector<400x128xf32>
    %lt3A_1128 = arith.cmpf olt, %max3A_1125, %min3A_1108 : vector<400x128xf32>
    %min3A_1129 = arith.minimumf %min3A_1108, %max3A_1125 : vector<400x128xf32>
    %max3A_1130 = arith.maximumf %min3A_1108, %max3A_1125 : vector<400x128xf32>
    %select_n3A_1131 = arith.select %lt3A_1128, %select_n3A_1127, %select_n3A_1110 : vector<400x128xi1>, vector<400x128xf32>
    %select_n3A_1132 = arith.select %lt3A_1128, %select_n3A_1110, %select_n3A_1127 : vector<400x128xi1>, vector<400x128xf32>
    %lt3A_1133 = arith.cmpf olt, %max3A_1130, %min3A_1113 : vector<400x128xf32>
    %min3A_1134 = arith.minimumf %min3A_1113, %max3A_1130 : vector<400x128xf32>
    %max3A_1135 = arith.maximumf %min3A_1113, %max3A_1130 : vector<400x128xf32>
    %select_n3A_1136 = arith.select %lt3A_1133, %select_n3A_1132, %select_n3A_1115 : vector<400x128xi1>, vector<400x128xf32>
    %select_n3A_1137 = arith.select %lt3A_1133, %select_n3A_1115, %select_n3A_1132 : vector<400x128xi1>, vector<400x128xf32>
    %lt3A_1138 = arith.cmpf olt, %max3A_1135, %min3A_1118 : vector<400x128xf32>
    %min3A_1139 = arith.minimumf %min3A_1118, %max3A_1135 : vector<400x128xf32>
    %select_n3A_1140 = arith.select %lt3A_1138, %select_n3A_1137, %select_n3A_1119 : vector<400x128xi1>, vector<400x128xf32>
    %slice3A_1141 = vector.extract_strided_slice %sub3A {offsets = [0, 6784], sizes = [400, 128], strides = [1, 1]} : vector<400x10112xf32> to vector<400x128xf32>
    %broadcast_in_dim3A_1142 = arith.constant 5.300000e+01 : f32
    %broadcast_in_dim3A_1143 = vector.broadcast %broadcast_in_dim3A_1142 : f32 to vector<400x128xf32>
    %lt3A_1144 = arith.cmpf olt, %slice3A_1141, %min3A_1124 : vector<400x128xf32>
    %min3A_1145 = arith.minimumf %min3A_1124, %slice3A_1141 : vector<400x128xf32>
    %max3A_1146 = arith.maximumf %min3A_1124, %slice3A_1141 : vector<400x128xf32>
    %select_n3A_1147 = arith.select %lt3A_1144, %broadcast_in_dim3A_1143, %select_n3A_1126 : vector<400x128xi1>, vector<400x128xf32>
    %select_n3A_1148 = arith.select %lt3A_1144, %select_n3A_1126, %broadcast_in_dim3A_1143 : vector<400x128xi1>, vector<400x128xf32>
    %lt3A_1149 = arith.cmpf olt, %max3A_1146, %min3A_1129 : vector<400x128xf32>
    %min3A_1150 = arith.minimumf %min3A_1129, %max3A_1146 : vector<400x128xf32>
    %max3A_1151 = arith.maximumf %min3A_1129, %max3A_1146 : vector<400x128xf32>
    %select_n3A_1152 = arith.select %lt3A_1149, %select_n3A_1148, %select_n3A_1131 : vector<400x128xi1>, vector<400x128xf32>
    %select_n3A_1153 = arith.select %lt3A_1149, %select_n3A_1131, %select_n3A_1148 : vector<400x128xi1>, vector<400x128xf32>
    %lt3A_1154 = arith.cmpf olt, %max3A_1151, %min3A_1134 : vector<400x128xf32>
    %min3A_1155 = arith.minimumf %min3A_1134, %max3A_1151 : vector<400x128xf32>
    %max3A_1156 = arith.maximumf %min3A_1134, %max3A_1151 : vector<400x128xf32>
    %select_n3A_1157 = arith.select %lt3A_1154, %select_n3A_1153, %select_n3A_1136 : vector<400x128xi1>, vector<400x128xf32>
    %select_n3A_1158 = arith.select %lt3A_1154, %select_n3A_1136, %select_n3A_1153 : vector<400x128xi1>, vector<400x128xf32>
    %lt3A_1159 = arith.cmpf olt, %max3A_1156, %min3A_1139 : vector<400x128xf32>
    %min3A_1160 = arith.minimumf %min3A_1139, %max3A_1156 : vector<400x128xf32>
    %select_n3A_1161 = arith.select %lt3A_1159, %select_n3A_1158, %select_n3A_1140 : vector<400x128xi1>, vector<400x128xf32>
    %slice3A_1162 = vector.extract_strided_slice %sub3A {offsets = [0, 6912], sizes = [400, 128], strides = [1, 1]} : vector<400x10112xf32> to vector<400x128xf32>
    %broadcast_in_dim3A_1163 = arith.constant 5.400000e+01 : f32
    %broadcast_in_dim3A_1164 = vector.broadcast %broadcast_in_dim3A_1163 : f32 to vector<400x128xf32>
    %lt3A_1165 = arith.cmpf olt, %slice3A_1162, %min3A_1145 : vector<400x128xf32>
    %min3A_1166 = arith.minimumf %min3A_1145, %slice3A_1162 : vector<400x128xf32>
    %max3A_1167 = arith.maximumf %min3A_1145, %slice3A_1162 : vector<400x128xf32>
    %select_n3A_1168 = arith.select %lt3A_1165, %broadcast_in_dim3A_1164, %select_n3A_1147 : vector<400x128xi1>, vector<400x128xf32>
    %select_n3A_1169 = arith.select %lt3A_1165, %select_n3A_1147, %broadcast_in_dim3A_1164 : vector<400x128xi1>, vector<400x128xf32>
    %lt3A_1170 = arith.cmpf olt, %max3A_1167, %min3A_1150 : vector<400x128xf32>
    %min3A_1171 = arith.minimumf %min3A_1150, %max3A_1167 : vector<400x128xf32>
    %max3A_1172 = arith.maximumf %min3A_1150, %max3A_1167 : vector<400x128xf32>
    %select_n3A_1173 = arith.select %lt3A_1170, %select_n3A_1169, %select_n3A_1152 : vector<400x128xi1>, vector<400x128xf32>
    %select_n3A_1174 = arith.select %lt3A_1170, %select_n3A_1152, %select_n3A_1169 : vector<400x128xi1>, vector<400x128xf32>
    %lt3A_1175 = arith.cmpf olt, %max3A_1172, %min3A_1155 : vector<400x128xf32>
    %min3A_1176 = arith.minimumf %min3A_1155, %max3A_1172 : vector<400x128xf32>
    %max3A_1177 = arith.maximumf %min3A_1155, %max3A_1172 : vector<400x128xf32>
    %select_n3A_1178 = arith.select %lt3A_1175, %select_n3A_1174, %select_n3A_1157 : vector<400x128xi1>, vector<400x128xf32>
    %select_n3A_1179 = arith.select %lt3A_1175, %select_n3A_1157, %select_n3A_1174 : vector<400x128xi1>, vector<400x128xf32>
    %lt3A_1180 = arith.cmpf olt, %max3A_1177, %min3A_1160 : vector<400x128xf32>
    %min3A_1181 = arith.minimumf %min3A_1160, %max3A_1177 : vector<400x128xf32>
    %select_n3A_1182 = arith.select %lt3A_1180, %select_n3A_1179, %select_n3A_1161 : vector<400x128xi1>, vector<400x128xf32>
    %slice3A_1183 = vector.extract_strided_slice %sub3A {offsets = [0, 7040], sizes = [400, 128], strides = [1, 1]} : vector<400x10112xf32> to vector<400x128xf32>
    %broadcast_in_dim3A_1184 = arith.constant 5.500000e+01 : f32
    %broadcast_in_dim3A_1185 = vector.broadcast %broadcast_in_dim3A_1184 : f32 to vector<400x128xf32>
    %lt3A_1186 = arith.cmpf olt, %slice3A_1183, %min3A_1166 : vector<400x128xf32>
    %min3A_1187 = arith.minimumf %min3A_1166, %slice3A_1183 : vector<400x128xf32>
    %max3A_1188 = arith.maximumf %min3A_1166, %slice3A_1183 : vector<400x128xf32>
    %select_n3A_1189 = arith.select %lt3A_1186, %broadcast_in_dim3A_1185, %select_n3A_1168 : vector<400x128xi1>, vector<400x128xf32>
    %select_n3A_1190 = arith.select %lt3A_1186, %select_n3A_1168, %broadcast_in_dim3A_1185 : vector<400x128xi1>, vector<400x128xf32>
    %lt3A_1191 = arith.cmpf olt, %max3A_1188, %min3A_1171 : vector<400x128xf32>
    %min3A_1192 = arith.minimumf %min3A_1171, %max3A_1188 : vector<400x128xf32>
    %max3A_1193 = arith.maximumf %min3A_1171, %max3A_1188 : vector<400x128xf32>
    %select_n3A_1194 = arith.select %lt3A_1191, %select_n3A_1190, %select_n3A_1173 : vector<400x128xi1>, vector<400x128xf32>
    %select_n3A_1195 = arith.select %lt3A_1191, %select_n3A_1173, %select_n3A_1190 : vector<400x128xi1>, vector<400x128xf32>
    %lt3A_1196 = arith.cmpf olt, %max3A_1193, %min3A_1176 : vector<400x128xf32>
    %min3A_1197 = arith.minimumf %min3A_1176, %max3A_1193 : vector<400x128xf32>
    %max3A_1198 = arith.maximumf %min3A_1176, %max3A_1193 : vector<400x128xf32>
    %select_n3A_1199 = arith.select %lt3A_1196, %select_n3A_1195, %select_n3A_1178 : vector<400x128xi1>, vector<400x128xf32>
    %select_n3A_1200 = arith.select %lt3A_1196, %select_n3A_1178, %select_n3A_1195 : vector<400x128xi1>, vector<400x128xf32>
    %lt3A_1201 = arith.cmpf olt, %max3A_1198, %min3A_1181 : vector<400x128xf32>
    %min3A_1202 = arith.minimumf %min3A_1181, %max3A_1198 : vector<400x128xf32>
    %select_n3A_1203 = arith.select %lt3A_1201, %select_n3A_1200, %select_n3A_1182 : vector<400x128xi1>, vector<400x128xf32>
    %slice3A_1204 = vector.extract_strided_slice %sub3A {offsets = [0, 7168], sizes = [400, 128], strides = [1, 1]} : vector<400x10112xf32> to vector<400x128xf32>
    %broadcast_in_dim3A_1205 = arith.constant 5.600000e+01 : f32
    %broadcast_in_dim3A_1206 = vector.broadcast %broadcast_in_dim3A_1205 : f32 to vector<400x128xf32>
    %lt3A_1207 = arith.cmpf olt, %slice3A_1204, %min3A_1187 : vector<400x128xf32>
    %min3A_1208 = arith.minimumf %min3A_1187, %slice3A_1204 : vector<400x128xf32>
    %max3A_1209 = arith.maximumf %min3A_1187, %slice3A_1204 : vector<400x128xf32>
    %select_n3A_1210 = arith.select %lt3A_1207, %broadcast_in_dim3A_1206, %select_n3A_1189 : vector<400x128xi1>, vector<400x128xf32>
    %select_n3A_1211 = arith.select %lt3A_1207, %select_n3A_1189, %broadcast_in_dim3A_1206 : vector<400x128xi1>, vector<400x128xf32>
    %lt3A_1212 = arith.cmpf olt, %max3A_1209, %min3A_1192 : vector<400x128xf32>
    %min3A_1213 = arith.minimumf %min3A_1192, %max3A_1209 : vector<400x128xf32>
    %max3A_1214 = arith.maximumf %min3A_1192, %max3A_1209 : vector<400x128xf32>
    %select_n3A_1215 = arith.select %lt3A_1212, %select_n3A_1211, %select_n3A_1194 : vector<400x128xi1>, vector<400x128xf32>
    %select_n3A_1216 = arith.select %lt3A_1212, %select_n3A_1194, %select_n3A_1211 : vector<400x128xi1>, vector<400x128xf32>
    %lt3A_1217 = arith.cmpf olt, %max3A_1214, %min3A_1197 : vector<400x128xf32>
    %min3A_1218 = arith.minimumf %min3A_1197, %max3A_1214 : vector<400x128xf32>
    %max3A_1219 = arith.maximumf %min3A_1197, %max3A_1214 : vector<400x128xf32>
    %select_n3A_1220 = arith.select %lt3A_1217, %select_n3A_1216, %select_n3A_1199 : vector<400x128xi1>, vector<400x128xf32>
    %select_n3A_1221 = arith.select %lt3A_1217, %select_n3A_1199, %select_n3A_1216 : vector<400x128xi1>, vector<400x128xf32>
    %lt3A_1222 = arith.cmpf olt, %max3A_1219, %min3A_1202 : vector<400x128xf32>
    %min3A_1223 = arith.minimumf %min3A_1202, %max3A_1219 : vector<400x128xf32>
    %select_n3A_1224 = arith.select %lt3A_1222, %select_n3A_1221, %select_n3A_1203 : vector<400x128xi1>, vector<400x128xf32>
    %slice3A_1225 = vector.extract_strided_slice %sub3A {offsets = [0, 7296], sizes = [400, 128], strides = [1, 1]} : vector<400x10112xf32> to vector<400x128xf32>
    %broadcast_in_dim3A_1226 = arith.constant 5.700000e+01 : f32
    %broadcast_in_dim3A_1227 = vector.broadcast %broadcast_in_dim3A_1226 : f32 to vector<400x128xf32>
    %lt3A_1228 = arith.cmpf olt, %slice3A_1225, %min3A_1208 : vector<400x128xf32>
    %min3A_1229 = arith.minimumf %min3A_1208, %slice3A_1225 : vector<400x128xf32>
    %max3A_1230 = arith.maximumf %min3A_1208, %slice3A_1225 : vector<400x128xf32>
    %select_n3A_1231 = arith.select %lt3A_1228, %broadcast_in_dim3A_1227, %select_n3A_1210 : vector<400x128xi1>, vector<400x128xf32>
    %select_n3A_1232 = arith.select %lt3A_1228, %select_n3A_1210, %broadcast_in_dim3A_1227 : vector<400x128xi1>, vector<400x128xf32>
    %lt3A_1233 = arith.cmpf olt, %max3A_1230, %min3A_1213 : vector<400x128xf32>
    %min3A_1234 = arith.minimumf %min3A_1213, %max3A_1230 : vector<400x128xf32>
    %max3A_1235 = arith.maximumf %min3A_1213, %max3A_1230 : vector<400x128xf32>
    %select_n3A_1236 = arith.select %lt3A_1233, %select_n3A_1232, %select_n3A_1215 : vector<400x128xi1>, vector<400x128xf32>
    %select_n3A_1237 = arith.select %lt3A_1233, %select_n3A_1215, %select_n3A_1232 : vector<400x128xi1>, vector<400x128xf32>
    %lt3A_1238 = arith.cmpf olt, %max3A_1235, %min3A_1218 : vector<400x128xf32>
    %min3A_1239 = arith.minimumf %min3A_1218, %max3A_1235 : vector<400x128xf32>
    %max3A_1240 = arith.maximumf %min3A_1218, %max3A_1235 : vector<400x128xf32>
    %select_n3A_1241 = arith.select %lt3A_1238, %select_n3A_1237, %select_n3A_1220 : vector<400x128xi1>, vector<400x128xf32>
    %select_n3A_1242 = arith.select %lt3A_1238, %select_n3A_1220, %select_n3A_1237 : vector<400x128xi1>, vector<400x128xf32>
    %lt3A_1243 = arith.cmpf olt, %max3A_1240, %min3A_1223 : vector<400x128xf32>
    %min3A_1244 = arith.minimumf %min3A_1223, %max3A_1240 : vector<400x128xf32>
    %select_n3A_1245 = arith.select %lt3A_1243, %select_n3A_1242, %select_n3A_1224 : vector<400x128xi1>, vector<400x128xf32>
    %slice3A_1246 = vector.extract_strided_slice %sub3A {offsets = [0, 7424], sizes = [400, 128], strides = [1, 1]} : vector<400x10112xf32> to vector<400x128xf32>
    %broadcast_in_dim3A_1247 = arith.constant 5.800000e+01 : f32
    %broadcast_in_dim3A_1248 = vector.broadcast %broadcast_in_dim3A_1247 : f32 to vector<400x128xf32>
    %lt3A_1249 = arith.cmpf olt, %slice3A_1246, %min3A_1229 : vector<400x128xf32>
    %min3A_1250 = arith.minimumf %min3A_1229, %slice3A_1246 : vector<400x128xf32>
    %max3A_1251 = arith.maximumf %min3A_1229, %slice3A_1246 : vector<400x128xf32>
    %select_n3A_1252 = arith.select %lt3A_1249, %broadcast_in_dim3A_1248, %select_n3A_1231 : vector<400x128xi1>, vector<400x128xf32>
    %select_n3A_1253 = arith.select %lt3A_1249, %select_n3A_1231, %broadcast_in_dim3A_1248 : vector<400x128xi1>, vector<400x128xf32>
    %lt3A_1254 = arith.cmpf olt, %max3A_1251, %min3A_1234 : vector<400x128xf32>
    %min3A_1255 = arith.minimumf %min3A_1234, %max3A_1251 : vector<400x128xf32>
    %max3A_1256 = arith.maximumf %min3A_1234, %max3A_1251 : vector<400x128xf32>
    %select_n3A_1257 = arith.select %lt3A_1254, %select_n3A_1253, %select_n3A_1236 : vector<400x128xi1>, vector<400x128xf32>
    %select_n3A_1258 = arith.select %lt3A_1254, %select_n3A_1236, %select_n3A_1253 : vector<400x128xi1>, vector<400x128xf32>
    %lt3A_1259 = arith.cmpf olt, %max3A_1256, %min3A_1239 : vector<400x128xf32>
    %min3A_1260 = arith.minimumf %min3A_1239, %max3A_1256 : vector<400x128xf32>
    %max3A_1261 = arith.maximumf %min3A_1239, %max3A_1256 : vector<400x128xf32>
    %select_n3A_1262 = arith.select %lt3A_1259, %select_n3A_1258, %select_n3A_1241 : vector<400x128xi1>, vector<400x128xf32>
    %select_n3A_1263 = arith.select %lt3A_1259, %select_n3A_1241, %select_n3A_1258 : vector<400x128xi1>, vector<400x128xf32>
    %lt3A_1264 = arith.cmpf olt, %max3A_1261, %min3A_1244 : vector<400x128xf32>
    %min3A_1265 = arith.minimumf %min3A_1244, %max3A_1261 : vector<400x128xf32>
    %select_n3A_1266 = arith.select %lt3A_1264, %select_n3A_1263, %select_n3A_1245 : vector<400x128xi1>, vector<400x128xf32>
    %slice3A_1267 = vector.extract_strided_slice %sub3A {offsets = [0, 7552], sizes = [400, 128], strides = [1, 1]} : vector<400x10112xf32> to vector<400x128xf32>
    %broadcast_in_dim3A_1268 = arith.constant 5.900000e+01 : f32
    %broadcast_in_dim3A_1269 = vector.broadcast %broadcast_in_dim3A_1268 : f32 to vector<400x128xf32>
    %lt3A_1270 = arith.cmpf olt, %slice3A_1267, %min3A_1250 : vector<400x128xf32>
    %min3A_1271 = arith.minimumf %min3A_1250, %slice3A_1267 : vector<400x128xf32>
    %max3A_1272 = arith.maximumf %min3A_1250, %slice3A_1267 : vector<400x128xf32>
    %select_n3A_1273 = arith.select %lt3A_1270, %broadcast_in_dim3A_1269, %select_n3A_1252 : vector<400x128xi1>, vector<400x128xf32>
    %select_n3A_1274 = arith.select %lt3A_1270, %select_n3A_1252, %broadcast_in_dim3A_1269 : vector<400x128xi1>, vector<400x128xf32>
    %lt3A_1275 = arith.cmpf olt, %max3A_1272, %min3A_1255 : vector<400x128xf32>
    %min3A_1276 = arith.minimumf %min3A_1255, %max3A_1272 : vector<400x128xf32>
    %max3A_1277 = arith.maximumf %min3A_1255, %max3A_1272 : vector<400x128xf32>
    %select_n3A_1278 = arith.select %lt3A_1275, %select_n3A_1274, %select_n3A_1257 : vector<400x128xi1>, vector<400x128xf32>
    %select_n3A_1279 = arith.select %lt3A_1275, %select_n3A_1257, %select_n3A_1274 : vector<400x128xi1>, vector<400x128xf32>
    %lt3A_1280 = arith.cmpf olt, %max3A_1277, %min3A_1260 : vector<400x128xf32>
    %min3A_1281 = arith.minimumf %min3A_1260, %max3A_1277 : vector<400x128xf32>
    %max3A_1282 = arith.maximumf %min3A_1260, %max3A_1277 : vector<400x128xf32>
    %select_n3A_1283 = arith.select %lt3A_1280, %select_n3A_1279, %select_n3A_1262 : vector<400x128xi1>, vector<400x128xf32>
    %select_n3A_1284 = arith.select %lt3A_1280, %select_n3A_1262, %select_n3A_1279 : vector<400x128xi1>, vector<400x128xf32>
    %lt3A_1285 = arith.cmpf olt, %max3A_1282, %min3A_1265 : vector<400x128xf32>
    %min3A_1286 = arith.minimumf %min3A_1265, %max3A_1282 : vector<400x128xf32>
    %select_n3A_1287 = arith.select %lt3A_1285, %select_n3A_1284, %select_n3A_1266 : vector<400x128xi1>, vector<400x128xf32>
    %slice3A_1288 = vector.extract_strided_slice %sub3A {offsets = [0, 7680], sizes = [400, 128], strides = [1, 1]} : vector<400x10112xf32> to vector<400x128xf32>
    %broadcast_in_dim3A_1289 = arith.constant 6.000000e+01 : f32
    %broadcast_in_dim3A_1290 = vector.broadcast %broadcast_in_dim3A_1289 : f32 to vector<400x128xf32>
    %lt3A_1291 = arith.cmpf olt, %slice3A_1288, %min3A_1271 : vector<400x128xf32>
    %min3A_1292 = arith.minimumf %min3A_1271, %slice3A_1288 : vector<400x128xf32>
    %max3A_1293 = arith.maximumf %min3A_1271, %slice3A_1288 : vector<400x128xf32>
    %select_n3A_1294 = arith.select %lt3A_1291, %broadcast_in_dim3A_1290, %select_n3A_1273 : vector<400x128xi1>, vector<400x128xf32>
    %select_n3A_1295 = arith.select %lt3A_1291, %select_n3A_1273, %broadcast_in_dim3A_1290 : vector<400x128xi1>, vector<400x128xf32>
    %lt3A_1296 = arith.cmpf olt, %max3A_1293, %min3A_1276 : vector<400x128xf32>
    %min3A_1297 = arith.minimumf %min3A_1276, %max3A_1293 : vector<400x128xf32>
    %max3A_1298 = arith.maximumf %min3A_1276, %max3A_1293 : vector<400x128xf32>
    %select_n3A_1299 = arith.select %lt3A_1296, %select_n3A_1295, %select_n3A_1278 : vector<400x128xi1>, vector<400x128xf32>
    %select_n3A_1300 = arith.select %lt3A_1296, %select_n3A_1278, %select_n3A_1295 : vector<400x128xi1>, vector<400x128xf32>
    %lt3A_1301 = arith.cmpf olt, %max3A_1298, %min3A_1281 : vector<400x128xf32>
    %min3A_1302 = arith.minimumf %min3A_1281, %max3A_1298 : vector<400x128xf32>
    %max3A_1303 = arith.maximumf %min3A_1281, %max3A_1298 : vector<400x128xf32>
    %select_n3A_1304 = arith.select %lt3A_1301, %select_n3A_1300, %select_n3A_1283 : vector<400x128xi1>, vector<400x128xf32>
    %select_n3A_1305 = arith.select %lt3A_1301, %select_n3A_1283, %select_n3A_1300 : vector<400x128xi1>, vector<400x128xf32>
    %lt3A_1306 = arith.cmpf olt, %max3A_1303, %min3A_1286 : vector<400x128xf32>
    %min3A_1307 = arith.minimumf %min3A_1286, %max3A_1303 : vector<400x128xf32>
    %select_n3A_1308 = arith.select %lt3A_1306, %select_n3A_1305, %select_n3A_1287 : vector<400x128xi1>, vector<400x128xf32>
    %slice3A_1309 = vector.extract_strided_slice %sub3A {offsets = [0, 7808], sizes = [400, 128], strides = [1, 1]} : vector<400x10112xf32> to vector<400x128xf32>
    %broadcast_in_dim3A_1310 = arith.constant 6.100000e+01 : f32
    %broadcast_in_dim3A_1311 = vector.broadcast %broadcast_in_dim3A_1310 : f32 to vector<400x128xf32>
    %lt3A_1312 = arith.cmpf olt, %slice3A_1309, %min3A_1292 : vector<400x128xf32>
    %min3A_1313 = arith.minimumf %min3A_1292, %slice3A_1309 : vector<400x128xf32>
    %max3A_1314 = arith.maximumf %min3A_1292, %slice3A_1309 : vector<400x128xf32>
    %select_n3A_1315 = arith.select %lt3A_1312, %broadcast_in_dim3A_1311, %select_n3A_1294 : vector<400x128xi1>, vector<400x128xf32>
    %select_n3A_1316 = arith.select %lt3A_1312, %select_n3A_1294, %broadcast_in_dim3A_1311 : vector<400x128xi1>, vector<400x128xf32>
    %lt3A_1317 = arith.cmpf olt, %max3A_1314, %min3A_1297 : vector<400x128xf32>
    %min3A_1318 = arith.minimumf %min3A_1297, %max3A_1314 : vector<400x128xf32>
    %max3A_1319 = arith.maximumf %min3A_1297, %max3A_1314 : vector<400x128xf32>
    %select_n3A_1320 = arith.select %lt3A_1317, %select_n3A_1316, %select_n3A_1299 : vector<400x128xi1>, vector<400x128xf32>
    %select_n3A_1321 = arith.select %lt3A_1317, %select_n3A_1299, %select_n3A_1316 : vector<400x128xi1>, vector<400x128xf32>
    %lt3A_1322 = arith.cmpf olt, %max3A_1319, %min3A_1302 : vector<400x128xf32>
    %min3A_1323 = arith.minimumf %min3A_1302, %max3A_1319 : vector<400x128xf32>
    %max3A_1324 = arith.maximumf %min3A_1302, %max3A_1319 : vector<400x128xf32>
    %select_n3A_1325 = arith.select %lt3A_1322, %select_n3A_1321, %select_n3A_1304 : vector<400x128xi1>, vector<400x128xf32>
    %select_n3A_1326 = arith.select %lt3A_1322, %select_n3A_1304, %select_n3A_1321 : vector<400x128xi1>, vector<400x128xf32>
    %lt3A_1327 = arith.cmpf olt, %max3A_1324, %min3A_1307 : vector<400x128xf32>
    %min3A_1328 = arith.minimumf %min3A_1307, %max3A_1324 : vector<400x128xf32>
    %select_n3A_1329 = arith.select %lt3A_1327, %select_n3A_1326, %select_n3A_1308 : vector<400x128xi1>, vector<400x128xf32>
    %slice3A_1330 = vector.extract_strided_slice %sub3A {offsets = [0, 7936], sizes = [400, 128], strides = [1, 1]} : vector<400x10112xf32> to vector<400x128xf32>
    %broadcast_in_dim3A_1331 = arith.constant 6.200000e+01 : f32
    %broadcast_in_dim3A_1332 = vector.broadcast %broadcast_in_dim3A_1331 : f32 to vector<400x128xf32>
    %lt3A_1333 = arith.cmpf olt, %slice3A_1330, %min3A_1313 : vector<400x128xf32>
    %min3A_1334 = arith.minimumf %min3A_1313, %slice3A_1330 : vector<400x128xf32>
    %max3A_1335 = arith.maximumf %min3A_1313, %slice3A_1330 : vector<400x128xf32>
    %select_n3A_1336 = arith.select %lt3A_1333, %broadcast_in_dim3A_1332, %select_n3A_1315 : vector<400x128xi1>, vector<400x128xf32>
    %select_n3A_1337 = arith.select %lt3A_1333, %select_n3A_1315, %broadcast_in_dim3A_1332 : vector<400x128xi1>, vector<400x128xf32>
    %lt3A_1338 = arith.cmpf olt, %max3A_1335, %min3A_1318 : vector<400x128xf32>
    %min3A_1339 = arith.minimumf %min3A_1318, %max3A_1335 : vector<400x128xf32>
    %max3A_1340 = arith.maximumf %min3A_1318, %max3A_1335 : vector<400x128xf32>
    %select_n3A_1341 = arith.select %lt3A_1338, %select_n3A_1337, %select_n3A_1320 : vector<400x128xi1>, vector<400x128xf32>
    %select_n3A_1342 = arith.select %lt3A_1338, %select_n3A_1320, %select_n3A_1337 : vector<400x128xi1>, vector<400x128xf32>
    %lt3A_1343 = arith.cmpf olt, %max3A_1340, %min3A_1323 : vector<400x128xf32>
    %min3A_1344 = arith.minimumf %min3A_1323, %max3A_1340 : vector<400x128xf32>
    %max3A_1345 = arith.maximumf %min3A_1323, %max3A_1340 : vector<400x128xf32>
    %select_n3A_1346 = arith.select %lt3A_1343, %select_n3A_1342, %select_n3A_1325 : vector<400x128xi1>, vector<400x128xf32>
    %select_n3A_1347 = arith.select %lt3A_1343, %select_n3A_1325, %select_n3A_1342 : vector<400x128xi1>, vector<400x128xf32>
    %lt3A_1348 = arith.cmpf olt, %max3A_1345, %min3A_1328 : vector<400x128xf32>
    %min3A_1349 = arith.minimumf %min3A_1328, %max3A_1345 : vector<400x128xf32>
    %select_n3A_1350 = arith.select %lt3A_1348, %select_n3A_1347, %select_n3A_1329 : vector<400x128xi1>, vector<400x128xf32>
    %slice3A_1351 = vector.extract_strided_slice %sub3A {offsets = [0, 8064], sizes = [400, 128], strides = [1, 1]} : vector<400x10112xf32> to vector<400x128xf32>
    %broadcast_in_dim3A_1352 = arith.constant 6.300000e+01 : f32
    %broadcast_in_dim3A_1353 = vector.broadcast %broadcast_in_dim3A_1352 : f32 to vector<400x128xf32>
    %lt3A_1354 = arith.cmpf olt, %slice3A_1351, %min3A_1334 : vector<400x128xf32>
    %min3A_1355 = arith.minimumf %min3A_1334, %slice3A_1351 : vector<400x128xf32>
    %max3A_1356 = arith.maximumf %min3A_1334, %slice3A_1351 : vector<400x128xf32>
    %select_n3A_1357 = arith.select %lt3A_1354, %broadcast_in_dim3A_1353, %select_n3A_1336 : vector<400x128xi1>, vector<400x128xf32>
    %select_n3A_1358 = arith.select %lt3A_1354, %select_n3A_1336, %broadcast_in_dim3A_1353 : vector<400x128xi1>, vector<400x128xf32>
    %lt3A_1359 = arith.cmpf olt, %max3A_1356, %min3A_1339 : vector<400x128xf32>
    %min3A_1360 = arith.minimumf %min3A_1339, %max3A_1356 : vector<400x128xf32>
    %max3A_1361 = arith.maximumf %min3A_1339, %max3A_1356 : vector<400x128xf32>
    %select_n3A_1362 = arith.select %lt3A_1359, %select_n3A_1358, %select_n3A_1341 : vector<400x128xi1>, vector<400x128xf32>
    %select_n3A_1363 = arith.select %lt3A_1359, %select_n3A_1341, %select_n3A_1358 : vector<400x128xi1>, vector<400x128xf32>
    %lt3A_1364 = arith.cmpf olt, %max3A_1361, %min3A_1344 : vector<400x128xf32>
    %min3A_1365 = arith.minimumf %min3A_1344, %max3A_1361 : vector<400x128xf32>
    %max3A_1366 = arith.maximumf %min3A_1344, %max3A_1361 : vector<400x128xf32>
    %select_n3A_1367 = arith.select %lt3A_1364, %select_n3A_1363, %select_n3A_1346 : vector<400x128xi1>, vector<400x128xf32>
    %select_n3A_1368 = arith.select %lt3A_1364, %select_n3A_1346, %select_n3A_1363 : vector<400x128xi1>, vector<400x128xf32>
    %lt3A_1369 = arith.cmpf olt, %max3A_1366, %min3A_1349 : vector<400x128xf32>
    %min3A_1370 = arith.minimumf %min3A_1349, %max3A_1366 : vector<400x128xf32>
    %select_n3A_1371 = arith.select %lt3A_1369, %select_n3A_1368, %select_n3A_1350 : vector<400x128xi1>, vector<400x128xf32>
    %slice3A_1372 = vector.extract_strided_slice %sub3A {offsets = [0, 8192], sizes = [400, 128], strides = [1, 1]} : vector<400x10112xf32> to vector<400x128xf32>
    %broadcast_in_dim3A_1373 = arith.constant 6.400000e+01 : f32
    %broadcast_in_dim3A_1374 = vector.broadcast %broadcast_in_dim3A_1373 : f32 to vector<400x128xf32>
    %lt3A_1375 = arith.cmpf olt, %slice3A_1372, %min3A_1355 : vector<400x128xf32>
    %min3A_1376 = arith.minimumf %min3A_1355, %slice3A_1372 : vector<400x128xf32>
    %max3A_1377 = arith.maximumf %min3A_1355, %slice3A_1372 : vector<400x128xf32>
    %select_n3A_1378 = arith.select %lt3A_1375, %broadcast_in_dim3A_1374, %select_n3A_1357 : vector<400x128xi1>, vector<400x128xf32>
    %select_n3A_1379 = arith.select %lt3A_1375, %select_n3A_1357, %broadcast_in_dim3A_1374 : vector<400x128xi1>, vector<400x128xf32>
    %lt3A_1380 = arith.cmpf olt, %max3A_1377, %min3A_1360 : vector<400x128xf32>
    %min3A_1381 = arith.minimumf %min3A_1360, %max3A_1377 : vector<400x128xf32>
    %max3A_1382 = arith.maximumf %min3A_1360, %max3A_1377 : vector<400x128xf32>
    %select_n3A_1383 = arith.select %lt3A_1380, %select_n3A_1379, %select_n3A_1362 : vector<400x128xi1>, vector<400x128xf32>
    %select_n3A_1384 = arith.select %lt3A_1380, %select_n3A_1362, %select_n3A_1379 : vector<400x128xi1>, vector<400x128xf32>
    %lt3A_1385 = arith.cmpf olt, %max3A_1382, %min3A_1365 : vector<400x128xf32>
    %min3A_1386 = arith.minimumf %min3A_1365, %max3A_1382 : vector<400x128xf32>
    %max3A_1387 = arith.maximumf %min3A_1365, %max3A_1382 : vector<400x128xf32>
    %select_n3A_1388 = arith.select %lt3A_1385, %select_n3A_1384, %select_n3A_1367 : vector<400x128xi1>, vector<400x128xf32>
    %select_n3A_1389 = arith.select %lt3A_1385, %select_n3A_1367, %select_n3A_1384 : vector<400x128xi1>, vector<400x128xf32>
    %lt3A_1390 = arith.cmpf olt, %max3A_1387, %min3A_1370 : vector<400x128xf32>
    %min3A_1391 = arith.minimumf %min3A_1370, %max3A_1387 : vector<400x128xf32>
    %select_n3A_1392 = arith.select %lt3A_1390, %select_n3A_1389, %select_n3A_1371 : vector<400x128xi1>, vector<400x128xf32>
    %slice3A_1393 = vector.extract_strided_slice %sub3A {offsets = [0, 8320], sizes = [400, 128], strides = [1, 1]} : vector<400x10112xf32> to vector<400x128xf32>
    %broadcast_in_dim3A_1394 = arith.constant 6.500000e+01 : f32
    %broadcast_in_dim3A_1395 = vector.broadcast %broadcast_in_dim3A_1394 : f32 to vector<400x128xf32>
    %lt3A_1396 = arith.cmpf olt, %slice3A_1393, %min3A_1376 : vector<400x128xf32>
    %min3A_1397 = arith.minimumf %min3A_1376, %slice3A_1393 : vector<400x128xf32>
    %max3A_1398 = arith.maximumf %min3A_1376, %slice3A_1393 : vector<400x128xf32>
    %select_n3A_1399 = arith.select %lt3A_1396, %broadcast_in_dim3A_1395, %select_n3A_1378 : vector<400x128xi1>, vector<400x128xf32>
    %select_n3A_1400 = arith.select %lt3A_1396, %select_n3A_1378, %broadcast_in_dim3A_1395 : vector<400x128xi1>, vector<400x128xf32>
    %lt3A_1401 = arith.cmpf olt, %max3A_1398, %min3A_1381 : vector<400x128xf32>
    %min3A_1402 = arith.minimumf %min3A_1381, %max3A_1398 : vector<400x128xf32>
    %max3A_1403 = arith.maximumf %min3A_1381, %max3A_1398 : vector<400x128xf32>
    %select_n3A_1404 = arith.select %lt3A_1401, %select_n3A_1400, %select_n3A_1383 : vector<400x128xi1>, vector<400x128xf32>
    %select_n3A_1405 = arith.select %lt3A_1401, %select_n3A_1383, %select_n3A_1400 : vector<400x128xi1>, vector<400x128xf32>
    %lt3A_1406 = arith.cmpf olt, %max3A_1403, %min3A_1386 : vector<400x128xf32>
    %min3A_1407 = arith.minimumf %min3A_1386, %max3A_1403 : vector<400x128xf32>
    %max3A_1408 = arith.maximumf %min3A_1386, %max3A_1403 : vector<400x128xf32>
    %select_n3A_1409 = arith.select %lt3A_1406, %select_n3A_1405, %select_n3A_1388 : vector<400x128xi1>, vector<400x128xf32>
    %select_n3A_1410 = arith.select %lt3A_1406, %select_n3A_1388, %select_n3A_1405 : vector<400x128xi1>, vector<400x128xf32>
    %lt3A_1411 = arith.cmpf olt, %max3A_1408, %min3A_1391 : vector<400x128xf32>
    %min3A_1412 = arith.minimumf %min3A_1391, %max3A_1408 : vector<400x128xf32>
    %select_n3A_1413 = arith.select %lt3A_1411, %select_n3A_1410, %select_n3A_1392 : vector<400x128xi1>, vector<400x128xf32>
    %slice3A_1414 = vector.extract_strided_slice %sub3A {offsets = [0, 8448], sizes = [400, 128], strides = [1, 1]} : vector<400x10112xf32> to vector<400x128xf32>
    %broadcast_in_dim3A_1415 = arith.constant 6.600000e+01 : f32
    %broadcast_in_dim3A_1416 = vector.broadcast %broadcast_in_dim3A_1415 : f32 to vector<400x128xf32>
    %lt3A_1417 = arith.cmpf olt, %slice3A_1414, %min3A_1397 : vector<400x128xf32>
    %min3A_1418 = arith.minimumf %min3A_1397, %slice3A_1414 : vector<400x128xf32>
    %max3A_1419 = arith.maximumf %min3A_1397, %slice3A_1414 : vector<400x128xf32>
    %select_n3A_1420 = arith.select %lt3A_1417, %broadcast_in_dim3A_1416, %select_n3A_1399 : vector<400x128xi1>, vector<400x128xf32>
    %select_n3A_1421 = arith.select %lt3A_1417, %select_n3A_1399, %broadcast_in_dim3A_1416 : vector<400x128xi1>, vector<400x128xf32>
    %lt3A_1422 = arith.cmpf olt, %max3A_1419, %min3A_1402 : vector<400x128xf32>
    %min3A_1423 = arith.minimumf %min3A_1402, %max3A_1419 : vector<400x128xf32>
    %max3A_1424 = arith.maximumf %min3A_1402, %max3A_1419 : vector<400x128xf32>
    %select_n3A_1425 = arith.select %lt3A_1422, %select_n3A_1421, %select_n3A_1404 : vector<400x128xi1>, vector<400x128xf32>
    %select_n3A_1426 = arith.select %lt3A_1422, %select_n3A_1404, %select_n3A_1421 : vector<400x128xi1>, vector<400x128xf32>
    %lt3A_1427 = arith.cmpf olt, %max3A_1424, %min3A_1407 : vector<400x128xf32>
    %min3A_1428 = arith.minimumf %min3A_1407, %max3A_1424 : vector<400x128xf32>
    %max3A_1429 = arith.maximumf %min3A_1407, %max3A_1424 : vector<400x128xf32>
    %select_n3A_1430 = arith.select %lt3A_1427, %select_n3A_1426, %select_n3A_1409 : vector<400x128xi1>, vector<400x128xf32>
    %select_n3A_1431 = arith.select %lt3A_1427, %select_n3A_1409, %select_n3A_1426 : vector<400x128xi1>, vector<400x128xf32>
    %lt3A_1432 = arith.cmpf olt, %max3A_1429, %min3A_1412 : vector<400x128xf32>
    %min3A_1433 = arith.minimumf %min3A_1412, %max3A_1429 : vector<400x128xf32>
    %select_n3A_1434 = arith.select %lt3A_1432, %select_n3A_1431, %select_n3A_1413 : vector<400x128xi1>, vector<400x128xf32>
    %slice3A_1435 = vector.extract_strided_slice %sub3A {offsets = [0, 8576], sizes = [400, 128], strides = [1, 1]} : vector<400x10112xf32> to vector<400x128xf32>
    %broadcast_in_dim3A_1436 = arith.constant 6.700000e+01 : f32
    %broadcast_in_dim3A_1437 = vector.broadcast %broadcast_in_dim3A_1436 : f32 to vector<400x128xf32>
    %lt3A_1438 = arith.cmpf olt, %slice3A_1435, %min3A_1418 : vector<400x128xf32>
    %min3A_1439 = arith.minimumf %min3A_1418, %slice3A_1435 : vector<400x128xf32>
    %max3A_1440 = arith.maximumf %min3A_1418, %slice3A_1435 : vector<400x128xf32>
    %select_n3A_1441 = arith.select %lt3A_1438, %broadcast_in_dim3A_1437, %select_n3A_1420 : vector<400x128xi1>, vector<400x128xf32>
    %select_n3A_1442 = arith.select %lt3A_1438, %select_n3A_1420, %broadcast_in_dim3A_1437 : vector<400x128xi1>, vector<400x128xf32>
    %lt3A_1443 = arith.cmpf olt, %max3A_1440, %min3A_1423 : vector<400x128xf32>
    %min3A_1444 = arith.minimumf %min3A_1423, %max3A_1440 : vector<400x128xf32>
    %max3A_1445 = arith.maximumf %min3A_1423, %max3A_1440 : vector<400x128xf32>
    %select_n3A_1446 = arith.select %lt3A_1443, %select_n3A_1442, %select_n3A_1425 : vector<400x128xi1>, vector<400x128xf32>
    %select_n3A_1447 = arith.select %lt3A_1443, %select_n3A_1425, %select_n3A_1442 : vector<400x128xi1>, vector<400x128xf32>
    %lt3A_1448 = arith.cmpf olt, %max3A_1445, %min3A_1428 : vector<400x128xf32>
    %min3A_1449 = arith.minimumf %min3A_1428, %max3A_1445 : vector<400x128xf32>
    %max3A_1450 = arith.maximumf %min3A_1428, %max3A_1445 : vector<400x128xf32>
    %select_n3A_1451 = arith.select %lt3A_1448, %select_n3A_1447, %select_n3A_1430 : vector<400x128xi1>, vector<400x128xf32>
    %select_n3A_1452 = arith.select %lt3A_1448, %select_n3A_1430, %select_n3A_1447 : vector<400x128xi1>, vector<400x128xf32>
    %lt3A_1453 = arith.cmpf olt, %max3A_1450, %min3A_1433 : vector<400x128xf32>
    %min3A_1454 = arith.minimumf %min3A_1433, %max3A_1450 : vector<400x128xf32>
    %select_n3A_1455 = arith.select %lt3A_1453, %select_n3A_1452, %select_n3A_1434 : vector<400x128xi1>, vector<400x128xf32>
    %slice3A_1456 = vector.extract_strided_slice %sub3A {offsets = [0, 8704], sizes = [400, 128], strides = [1, 1]} : vector<400x10112xf32> to vector<400x128xf32>
    %broadcast_in_dim3A_1457 = arith.constant 6.800000e+01 : f32
    %broadcast_in_dim3A_1458 = vector.broadcast %broadcast_in_dim3A_1457 : f32 to vector<400x128xf32>
    %lt3A_1459 = arith.cmpf olt, %slice3A_1456, %min3A_1439 : vector<400x128xf32>
    %min3A_1460 = arith.minimumf %min3A_1439, %slice3A_1456 : vector<400x128xf32>
    %max3A_1461 = arith.maximumf %min3A_1439, %slice3A_1456 : vector<400x128xf32>
    %select_n3A_1462 = arith.select %lt3A_1459, %broadcast_in_dim3A_1458, %select_n3A_1441 : vector<400x128xi1>, vector<400x128xf32>
    %select_n3A_1463 = arith.select %lt3A_1459, %select_n3A_1441, %broadcast_in_dim3A_1458 : vector<400x128xi1>, vector<400x128xf32>
    %lt3A_1464 = arith.cmpf olt, %max3A_1461, %min3A_1444 : vector<400x128xf32>
    %min3A_1465 = arith.minimumf %min3A_1444, %max3A_1461 : vector<400x128xf32>
    %max3A_1466 = arith.maximumf %min3A_1444, %max3A_1461 : vector<400x128xf32>
    %select_n3A_1467 = arith.select %lt3A_1464, %select_n3A_1463, %select_n3A_1446 : vector<400x128xi1>, vector<400x128xf32>
    %select_n3A_1468 = arith.select %lt3A_1464, %select_n3A_1446, %select_n3A_1463 : vector<400x128xi1>, vector<400x128xf32>
    %lt3A_1469 = arith.cmpf olt, %max3A_1466, %min3A_1449 : vector<400x128xf32>
    %min3A_1470 = arith.minimumf %min3A_1449, %max3A_1466 : vector<400x128xf32>
    %max3A_1471 = arith.maximumf %min3A_1449, %max3A_1466 : vector<400x128xf32>
    %select_n3A_1472 = arith.select %lt3A_1469, %select_n3A_1468, %select_n3A_1451 : vector<400x128xi1>, vector<400x128xf32>
    %select_n3A_1473 = arith.select %lt3A_1469, %select_n3A_1451, %select_n3A_1468 : vector<400x128xi1>, vector<400x128xf32>
    %lt3A_1474 = arith.cmpf olt, %max3A_1471, %min3A_1454 : vector<400x128xf32>
    %min3A_1475 = arith.minimumf %min3A_1454, %max3A_1471 : vector<400x128xf32>
    %select_n3A_1476 = arith.select %lt3A_1474, %select_n3A_1473, %select_n3A_1455 : vector<400x128xi1>, vector<400x128xf32>
    %slice3A_1477 = vector.extract_strided_slice %sub3A {offsets = [0, 8832], sizes = [400, 128], strides = [1, 1]} : vector<400x10112xf32> to vector<400x128xf32>
    %broadcast_in_dim3A_1478 = arith.constant 6.900000e+01 : f32
    %broadcast_in_dim3A_1479 = vector.broadcast %broadcast_in_dim3A_1478 : f32 to vector<400x128xf32>
    %lt3A_1480 = arith.cmpf olt, %slice3A_1477, %min3A_1460 : vector<400x128xf32>
    %min3A_1481 = arith.minimumf %min3A_1460, %slice3A_1477 : vector<400x128xf32>
    %max3A_1482 = arith.maximumf %min3A_1460, %slice3A_1477 : vector<400x128xf32>
    %select_n3A_1483 = arith.select %lt3A_1480, %broadcast_in_dim3A_1479, %select_n3A_1462 : vector<400x128xi1>, vector<400x128xf32>
    %select_n3A_1484 = arith.select %lt3A_1480, %select_n3A_1462, %broadcast_in_dim3A_1479 : vector<400x128xi1>, vector<400x128xf32>
    %lt3A_1485 = arith.cmpf olt, %max3A_1482, %min3A_1465 : vector<400x128xf32>
    %min3A_1486 = arith.minimumf %min3A_1465, %max3A_1482 : vector<400x128xf32>
    %max3A_1487 = arith.maximumf %min3A_1465, %max3A_1482 : vector<400x128xf32>
    %select_n3A_1488 = arith.select %lt3A_1485, %select_n3A_1484, %select_n3A_1467 : vector<400x128xi1>, vector<400x128xf32>
    %select_n3A_1489 = arith.select %lt3A_1485, %select_n3A_1467, %select_n3A_1484 : vector<400x128xi1>, vector<400x128xf32>
    %lt3A_1490 = arith.cmpf olt, %max3A_1487, %min3A_1470 : vector<400x128xf32>
    %min3A_1491 = arith.minimumf %min3A_1470, %max3A_1487 : vector<400x128xf32>
    %max3A_1492 = arith.maximumf %min3A_1470, %max3A_1487 : vector<400x128xf32>
    %select_n3A_1493 = arith.select %lt3A_1490, %select_n3A_1489, %select_n3A_1472 : vector<400x128xi1>, vector<400x128xf32>
    %select_n3A_1494 = arith.select %lt3A_1490, %select_n3A_1472, %select_n3A_1489 : vector<400x128xi1>, vector<400x128xf32>
    %lt3A_1495 = arith.cmpf olt, %max3A_1492, %min3A_1475 : vector<400x128xf32>
    %min3A_1496 = arith.minimumf %min3A_1475, %max3A_1492 : vector<400x128xf32>
    %select_n3A_1497 = arith.select %lt3A_1495, %select_n3A_1494, %select_n3A_1476 : vector<400x128xi1>, vector<400x128xf32>
    %slice3A_1498 = vector.extract_strided_slice %sub3A {offsets = [0, 8960], sizes = [400, 128], strides = [1, 1]} : vector<400x10112xf32> to vector<400x128xf32>
    %broadcast_in_dim3A_1499 = arith.constant 7.000000e+01 : f32
    %broadcast_in_dim3A_1500 = vector.broadcast %broadcast_in_dim3A_1499 : f32 to vector<400x128xf32>
    %lt3A_1501 = arith.cmpf olt, %slice3A_1498, %min3A_1481 : vector<400x128xf32>
    %min3A_1502 = arith.minimumf %min3A_1481, %slice3A_1498 : vector<400x128xf32>
    %max3A_1503 = arith.maximumf %min3A_1481, %slice3A_1498 : vector<400x128xf32>
    %select_n3A_1504 = arith.select %lt3A_1501, %broadcast_in_dim3A_1500, %select_n3A_1483 : vector<400x128xi1>, vector<400x128xf32>
    %select_n3A_1505 = arith.select %lt3A_1501, %select_n3A_1483, %broadcast_in_dim3A_1500 : vector<400x128xi1>, vector<400x128xf32>
    %lt3A_1506 = arith.cmpf olt, %max3A_1503, %min3A_1486 : vector<400x128xf32>
    %min3A_1507 = arith.minimumf %min3A_1486, %max3A_1503 : vector<400x128xf32>
    %max3A_1508 = arith.maximumf %min3A_1486, %max3A_1503 : vector<400x128xf32>
    %select_n3A_1509 = arith.select %lt3A_1506, %select_n3A_1505, %select_n3A_1488 : vector<400x128xi1>, vector<400x128xf32>
    %select_n3A_1510 = arith.select %lt3A_1506, %select_n3A_1488, %select_n3A_1505 : vector<400x128xi1>, vector<400x128xf32>
    %lt3A_1511 = arith.cmpf olt, %max3A_1508, %min3A_1491 : vector<400x128xf32>
    %min3A_1512 = arith.minimumf %min3A_1491, %max3A_1508 : vector<400x128xf32>
    %max3A_1513 = arith.maximumf %min3A_1491, %max3A_1508 : vector<400x128xf32>
    %select_n3A_1514 = arith.select %lt3A_1511, %select_n3A_1510, %select_n3A_1493 : vector<400x128xi1>, vector<400x128xf32>
    %select_n3A_1515 = arith.select %lt3A_1511, %select_n3A_1493, %select_n3A_1510 : vector<400x128xi1>, vector<400x128xf32>
    %lt3A_1516 = arith.cmpf olt, %max3A_1513, %min3A_1496 : vector<400x128xf32>
    %min3A_1517 = arith.minimumf %min3A_1496, %max3A_1513 : vector<400x128xf32>
    %select_n3A_1518 = arith.select %lt3A_1516, %select_n3A_1515, %select_n3A_1497 : vector<400x128xi1>, vector<400x128xf32>
    %slice3A_1519 = vector.extract_strided_slice %sub3A {offsets = [0, 9088], sizes = [400, 128], strides = [1, 1]} : vector<400x10112xf32> to vector<400x128xf32>
    %broadcast_in_dim3A_1520 = arith.constant 7.100000e+01 : f32
    %broadcast_in_dim3A_1521 = vector.broadcast %broadcast_in_dim3A_1520 : f32 to vector<400x128xf32>
    %lt3A_1522 = arith.cmpf olt, %slice3A_1519, %min3A_1502 : vector<400x128xf32>
    %min3A_1523 = arith.minimumf %min3A_1502, %slice3A_1519 : vector<400x128xf32>
    %max3A_1524 = arith.maximumf %min3A_1502, %slice3A_1519 : vector<400x128xf32>
    %select_n3A_1525 = arith.select %lt3A_1522, %broadcast_in_dim3A_1521, %select_n3A_1504 : vector<400x128xi1>, vector<400x128xf32>
    %select_n3A_1526 = arith.select %lt3A_1522, %select_n3A_1504, %broadcast_in_dim3A_1521 : vector<400x128xi1>, vector<400x128xf32>
    %lt3A_1527 = arith.cmpf olt, %max3A_1524, %min3A_1507 : vector<400x128xf32>
    %min3A_1528 = arith.minimumf %min3A_1507, %max3A_1524 : vector<400x128xf32>
    %max3A_1529 = arith.maximumf %min3A_1507, %max3A_1524 : vector<400x128xf32>
    %select_n3A_1530 = arith.select %lt3A_1527, %select_n3A_1526, %select_n3A_1509 : vector<400x128xi1>, vector<400x128xf32>
    %select_n3A_1531 = arith.select %lt3A_1527, %select_n3A_1509, %select_n3A_1526 : vector<400x128xi1>, vector<400x128xf32>
    %lt3A_1532 = arith.cmpf olt, %max3A_1529, %min3A_1512 : vector<400x128xf32>
    %min3A_1533 = arith.minimumf %min3A_1512, %max3A_1529 : vector<400x128xf32>
    %max3A_1534 = arith.maximumf %min3A_1512, %max3A_1529 : vector<400x128xf32>
    %select_n3A_1535 = arith.select %lt3A_1532, %select_n3A_1531, %select_n3A_1514 : vector<400x128xi1>, vector<400x128xf32>
    %select_n3A_1536 = arith.select %lt3A_1532, %select_n3A_1514, %select_n3A_1531 : vector<400x128xi1>, vector<400x128xf32>
    %lt3A_1537 = arith.cmpf olt, %max3A_1534, %min3A_1517 : vector<400x128xf32>
    %min3A_1538 = arith.minimumf %min3A_1517, %max3A_1534 : vector<400x128xf32>
    %select_n3A_1539 = arith.select %lt3A_1537, %select_n3A_1536, %select_n3A_1518 : vector<400x128xi1>, vector<400x128xf32>
    %slice3A_1540 = vector.extract_strided_slice %sub3A {offsets = [0, 9216], sizes = [400, 128], strides = [1, 1]} : vector<400x10112xf32> to vector<400x128xf32>
    %broadcast_in_dim3A_1541 = arith.constant 7.200000e+01 : f32
    %broadcast_in_dim3A_1542 = vector.broadcast %broadcast_in_dim3A_1541 : f32 to vector<400x128xf32>
    %lt3A_1543 = arith.cmpf olt, %slice3A_1540, %min3A_1523 : vector<400x128xf32>
    %min3A_1544 = arith.minimumf %min3A_1523, %slice3A_1540 : vector<400x128xf32>
    %max3A_1545 = arith.maximumf %min3A_1523, %slice3A_1540 : vector<400x128xf32>
    %select_n3A_1546 = arith.select %lt3A_1543, %broadcast_in_dim3A_1542, %select_n3A_1525 : vector<400x128xi1>, vector<400x128xf32>
    %select_n3A_1547 = arith.select %lt3A_1543, %select_n3A_1525, %broadcast_in_dim3A_1542 : vector<400x128xi1>, vector<400x128xf32>
    %lt3A_1548 = arith.cmpf olt, %max3A_1545, %min3A_1528 : vector<400x128xf32>
    %min3A_1549 = arith.minimumf %min3A_1528, %max3A_1545 : vector<400x128xf32>
    %max3A_1550 = arith.maximumf %min3A_1528, %max3A_1545 : vector<400x128xf32>
    %select_n3A_1551 = arith.select %lt3A_1548, %select_n3A_1547, %select_n3A_1530 : vector<400x128xi1>, vector<400x128xf32>
    %select_n3A_1552 = arith.select %lt3A_1548, %select_n3A_1530, %select_n3A_1547 : vector<400x128xi1>, vector<400x128xf32>
    %lt3A_1553 = arith.cmpf olt, %max3A_1550, %min3A_1533 : vector<400x128xf32>
    %min3A_1554 = arith.minimumf %min3A_1533, %max3A_1550 : vector<400x128xf32>
    %max3A_1555 = arith.maximumf %min3A_1533, %max3A_1550 : vector<400x128xf32>
    %select_n3A_1556 = arith.select %lt3A_1553, %select_n3A_1552, %select_n3A_1535 : vector<400x128xi1>, vector<400x128xf32>
    %select_n3A_1557 = arith.select %lt3A_1553, %select_n3A_1535, %select_n3A_1552 : vector<400x128xi1>, vector<400x128xf32>
    %lt3A_1558 = arith.cmpf olt, %max3A_1555, %min3A_1538 : vector<400x128xf32>
    %min3A_1559 = arith.minimumf %min3A_1538, %max3A_1555 : vector<400x128xf32>
    %select_n3A_1560 = arith.select %lt3A_1558, %select_n3A_1557, %select_n3A_1539 : vector<400x128xi1>, vector<400x128xf32>
    %slice3A_1561 = vector.extract_strided_slice %sub3A {offsets = [0, 9344], sizes = [400, 128], strides = [1, 1]} : vector<400x10112xf32> to vector<400x128xf32>
    %broadcast_in_dim3A_1562 = arith.constant 7.300000e+01 : f32
    %broadcast_in_dim3A_1563 = vector.broadcast %broadcast_in_dim3A_1562 : f32 to vector<400x128xf32>
    %lt3A_1564 = arith.cmpf olt, %slice3A_1561, %min3A_1544 : vector<400x128xf32>
    %min3A_1565 = arith.minimumf %min3A_1544, %slice3A_1561 : vector<400x128xf32>
    %max3A_1566 = arith.maximumf %min3A_1544, %slice3A_1561 : vector<400x128xf32>
    %select_n3A_1567 = arith.select %lt3A_1564, %broadcast_in_dim3A_1563, %select_n3A_1546 : vector<400x128xi1>, vector<400x128xf32>
    %select_n3A_1568 = arith.select %lt3A_1564, %select_n3A_1546, %broadcast_in_dim3A_1563 : vector<400x128xi1>, vector<400x128xf32>
    %lt3A_1569 = arith.cmpf olt, %max3A_1566, %min3A_1549 : vector<400x128xf32>
    %min3A_1570 = arith.minimumf %min3A_1549, %max3A_1566 : vector<400x128xf32>
    %max3A_1571 = arith.maximumf %min3A_1549, %max3A_1566 : vector<400x128xf32>
    %select_n3A_1572 = arith.select %lt3A_1569, %select_n3A_1568, %select_n3A_1551 : vector<400x128xi1>, vector<400x128xf32>
    %select_n3A_1573 = arith.select %lt3A_1569, %select_n3A_1551, %select_n3A_1568 : vector<400x128xi1>, vector<400x128xf32>
    %lt3A_1574 = arith.cmpf olt, %max3A_1571, %min3A_1554 : vector<400x128xf32>
    %min3A_1575 = arith.minimumf %min3A_1554, %max3A_1571 : vector<400x128xf32>
    %max3A_1576 = arith.maximumf %min3A_1554, %max3A_1571 : vector<400x128xf32>
    %select_n3A_1577 = arith.select %lt3A_1574, %select_n3A_1573, %select_n3A_1556 : vector<400x128xi1>, vector<400x128xf32>
    %select_n3A_1578 = arith.select %lt3A_1574, %select_n3A_1556, %select_n3A_1573 : vector<400x128xi1>, vector<400x128xf32>
    %lt3A_1579 = arith.cmpf olt, %max3A_1576, %min3A_1559 : vector<400x128xf32>
    %min3A_1580 = arith.minimumf %min3A_1559, %max3A_1576 : vector<400x128xf32>
    %select_n3A_1581 = arith.select %lt3A_1579, %select_n3A_1578, %select_n3A_1560 : vector<400x128xi1>, vector<400x128xf32>
    %slice3A_1582 = vector.extract_strided_slice %sub3A {offsets = [0, 9472], sizes = [400, 128], strides = [1, 1]} : vector<400x10112xf32> to vector<400x128xf32>
    %broadcast_in_dim3A_1583 = arith.constant 7.400000e+01 : f32
    %broadcast_in_dim3A_1584 = vector.broadcast %broadcast_in_dim3A_1583 : f32 to vector<400x128xf32>
    %lt3A_1585 = arith.cmpf olt, %slice3A_1582, %min3A_1565 : vector<400x128xf32>
    %min3A_1586 = arith.minimumf %min3A_1565, %slice3A_1582 : vector<400x128xf32>
    %max3A_1587 = arith.maximumf %min3A_1565, %slice3A_1582 : vector<400x128xf32>
    %select_n3A_1588 = arith.select %lt3A_1585, %broadcast_in_dim3A_1584, %select_n3A_1567 : vector<400x128xi1>, vector<400x128xf32>
    %select_n3A_1589 = arith.select %lt3A_1585, %select_n3A_1567, %broadcast_in_dim3A_1584 : vector<400x128xi1>, vector<400x128xf32>
    %lt3A_1590 = arith.cmpf olt, %max3A_1587, %min3A_1570 : vector<400x128xf32>
    %min3A_1591 = arith.minimumf %min3A_1570, %max3A_1587 : vector<400x128xf32>
    %max3A_1592 = arith.maximumf %min3A_1570, %max3A_1587 : vector<400x128xf32>
    %select_n3A_1593 = arith.select %lt3A_1590, %select_n3A_1589, %select_n3A_1572 : vector<400x128xi1>, vector<400x128xf32>
    %select_n3A_1594 = arith.select %lt3A_1590, %select_n3A_1572, %select_n3A_1589 : vector<400x128xi1>, vector<400x128xf32>
    %lt3A_1595 = arith.cmpf olt, %max3A_1592, %min3A_1575 : vector<400x128xf32>
    %min3A_1596 = arith.minimumf %min3A_1575, %max3A_1592 : vector<400x128xf32>
    %max3A_1597 = arith.maximumf %min3A_1575, %max3A_1592 : vector<400x128xf32>
    %select_n3A_1598 = arith.select %lt3A_1595, %select_n3A_1594, %select_n3A_1577 : vector<400x128xi1>, vector<400x128xf32>
    %select_n3A_1599 = arith.select %lt3A_1595, %select_n3A_1577, %select_n3A_1594 : vector<400x128xi1>, vector<400x128xf32>
    %lt3A_1600 = arith.cmpf olt, %max3A_1597, %min3A_1580 : vector<400x128xf32>
    %min3A_1601 = arith.minimumf %min3A_1580, %max3A_1597 : vector<400x128xf32>
    %select_n3A_1602 = arith.select %lt3A_1600, %select_n3A_1599, %select_n3A_1581 : vector<400x128xi1>, vector<400x128xf32>
    %slice3A_1603 = vector.extract_strided_slice %sub3A {offsets = [0, 9600], sizes = [400, 128], strides = [1, 1]} : vector<400x10112xf32> to vector<400x128xf32>
    %broadcast_in_dim3A_1604 = arith.constant 7.500000e+01 : f32
    %broadcast_in_dim3A_1605 = vector.broadcast %broadcast_in_dim3A_1604 : f32 to vector<400x128xf32>
    %lt3A_1606 = arith.cmpf olt, %slice3A_1603, %min3A_1586 : vector<400x128xf32>
    %min3A_1607 = arith.minimumf %min3A_1586, %slice3A_1603 : vector<400x128xf32>
    %max3A_1608 = arith.maximumf %min3A_1586, %slice3A_1603 : vector<400x128xf32>
    %select_n3A_1609 = arith.select %lt3A_1606, %broadcast_in_dim3A_1605, %select_n3A_1588 : vector<400x128xi1>, vector<400x128xf32>
    %select_n3A_1610 = arith.select %lt3A_1606, %select_n3A_1588, %broadcast_in_dim3A_1605 : vector<400x128xi1>, vector<400x128xf32>
    %lt3A_1611 = arith.cmpf olt, %max3A_1608, %min3A_1591 : vector<400x128xf32>
    %min3A_1612 = arith.minimumf %min3A_1591, %max3A_1608 : vector<400x128xf32>
    %max3A_1613 = arith.maximumf %min3A_1591, %max3A_1608 : vector<400x128xf32>
    %select_n3A_1614 = arith.select %lt3A_1611, %select_n3A_1610, %select_n3A_1593 : vector<400x128xi1>, vector<400x128xf32>
    %select_n3A_1615 = arith.select %lt3A_1611, %select_n3A_1593, %select_n3A_1610 : vector<400x128xi1>, vector<400x128xf32>
    %lt3A_1616 = arith.cmpf olt, %max3A_1613, %min3A_1596 : vector<400x128xf32>
    %min3A_1617 = arith.minimumf %min3A_1596, %max3A_1613 : vector<400x128xf32>
    %max3A_1618 = arith.maximumf %min3A_1596, %max3A_1613 : vector<400x128xf32>
    %select_n3A_1619 = arith.select %lt3A_1616, %select_n3A_1615, %select_n3A_1598 : vector<400x128xi1>, vector<400x128xf32>
    %select_n3A_1620 = arith.select %lt3A_1616, %select_n3A_1598, %select_n3A_1615 : vector<400x128xi1>, vector<400x128xf32>
    %lt3A_1621 = arith.cmpf olt, %max3A_1618, %min3A_1601 : vector<400x128xf32>
    %min3A_1622 = arith.minimumf %min3A_1601, %max3A_1618 : vector<400x128xf32>
    %select_n3A_1623 = arith.select %lt3A_1621, %select_n3A_1620, %select_n3A_1602 : vector<400x128xi1>, vector<400x128xf32>
    %slice3A_1624 = vector.extract_strided_slice %sub3A {offsets = [0, 9728], sizes = [400, 128], strides = [1, 1]} : vector<400x10112xf32> to vector<400x128xf32>
    %broadcast_in_dim3A_1625 = arith.constant 7.600000e+01 : f32
    %broadcast_in_dim3A_1626 = vector.broadcast %broadcast_in_dim3A_1625 : f32 to vector<400x128xf32>
    %lt3A_1627 = arith.cmpf olt, %slice3A_1624, %min3A_1607 : vector<400x128xf32>
    %min3A_1628 = arith.minimumf %min3A_1607, %slice3A_1624 : vector<400x128xf32>
    %max3A_1629 = arith.maximumf %min3A_1607, %slice3A_1624 : vector<400x128xf32>
    %select_n3A_1630 = arith.select %lt3A_1627, %broadcast_in_dim3A_1626, %select_n3A_1609 : vector<400x128xi1>, vector<400x128xf32>
    %select_n3A_1631 = arith.select %lt3A_1627, %select_n3A_1609, %broadcast_in_dim3A_1626 : vector<400x128xi1>, vector<400x128xf32>
    %lt3A_1632 = arith.cmpf olt, %max3A_1629, %min3A_1612 : vector<400x128xf32>
    %min3A_1633 = arith.minimumf %min3A_1612, %max3A_1629 : vector<400x128xf32>
    %max3A_1634 = arith.maximumf %min3A_1612, %max3A_1629 : vector<400x128xf32>
    %select_n3A_1635 = arith.select %lt3A_1632, %select_n3A_1631, %select_n3A_1614 : vector<400x128xi1>, vector<400x128xf32>
    %select_n3A_1636 = arith.select %lt3A_1632, %select_n3A_1614, %select_n3A_1631 : vector<400x128xi1>, vector<400x128xf32>
    %lt3A_1637 = arith.cmpf olt, %max3A_1634, %min3A_1617 : vector<400x128xf32>
    %min3A_1638 = arith.minimumf %min3A_1617, %max3A_1634 : vector<400x128xf32>
    %max3A_1639 = arith.maximumf %min3A_1617, %max3A_1634 : vector<400x128xf32>
    %select_n3A_1640 = arith.select %lt3A_1637, %select_n3A_1636, %select_n3A_1619 : vector<400x128xi1>, vector<400x128xf32>
    %select_n3A_1641 = arith.select %lt3A_1637, %select_n3A_1619, %select_n3A_1636 : vector<400x128xi1>, vector<400x128xf32>
    %lt3A_1642 = arith.cmpf olt, %max3A_1639, %min3A_1622 : vector<400x128xf32>
    %min3A_1643 = arith.minimumf %min3A_1622, %max3A_1639 : vector<400x128xf32>
    %select_n3A_1644 = arith.select %lt3A_1642, %select_n3A_1641, %select_n3A_1623 : vector<400x128xi1>, vector<400x128xf32>
    %slice3A_1645 = vector.extract_strided_slice %sub3A {offsets = [0, 9856], sizes = [400, 128], strides = [1, 1]} : vector<400x10112xf32> to vector<400x128xf32>
    %broadcast_in_dim3A_1646 = arith.constant 7.700000e+01 : f32
    %broadcast_in_dim3A_1647 = vector.broadcast %broadcast_in_dim3A_1646 : f32 to vector<400x128xf32>
    %lt3A_1648 = arith.cmpf olt, %slice3A_1645, %min3A_1628 : vector<400x128xf32>
    %min3A_1649 = arith.minimumf %min3A_1628, %slice3A_1645 : vector<400x128xf32>
    %max3A_1650 = arith.maximumf %min3A_1628, %slice3A_1645 : vector<400x128xf32>
    %select_n3A_1651 = arith.select %lt3A_1648, %broadcast_in_dim3A_1647, %select_n3A_1630 : vector<400x128xi1>, vector<400x128xf32>
    %select_n3A_1652 = arith.select %lt3A_1648, %select_n3A_1630, %broadcast_in_dim3A_1647 : vector<400x128xi1>, vector<400x128xf32>
    %lt3A_1653 = arith.cmpf olt, %max3A_1650, %min3A_1633 : vector<400x128xf32>
    %min3A_1654 = arith.minimumf %min3A_1633, %max3A_1650 : vector<400x128xf32>
    %max3A_1655 = arith.maximumf %min3A_1633, %max3A_1650 : vector<400x128xf32>
    %select_n3A_1656 = arith.select %lt3A_1653, %select_n3A_1652, %select_n3A_1635 : vector<400x128xi1>, vector<400x128xf32>
    %select_n3A_1657 = arith.select %lt3A_1653, %select_n3A_1635, %select_n3A_1652 : vector<400x128xi1>, vector<400x128xf32>
    %lt3A_1658 = arith.cmpf olt, %max3A_1655, %min3A_1638 : vector<400x128xf32>
    %min3A_1659 = arith.minimumf %min3A_1638, %max3A_1655 : vector<400x128xf32>
    %max3A_1660 = arith.maximumf %min3A_1638, %max3A_1655 : vector<400x128xf32>
    %select_n3A_1661 = arith.select %lt3A_1658, %select_n3A_1657, %select_n3A_1640 : vector<400x128xi1>, vector<400x128xf32>
    %select_n3A_1662 = arith.select %lt3A_1658, %select_n3A_1640, %select_n3A_1657 : vector<400x128xi1>, vector<400x128xf32>
    %lt3A_1663 = arith.cmpf olt, %max3A_1660, %min3A_1643 : vector<400x128xf32>
    %min3A_1664 = arith.minimumf %min3A_1643, %max3A_1660 : vector<400x128xf32>
    %select_n3A_1665 = arith.select %lt3A_1663, %select_n3A_1662, %select_n3A_1644 : vector<400x128xi1>, vector<400x128xf32>
    %slice3A_1666 = vector.extract_strided_slice %sub3A {offsets = [0, 9984], sizes = [400, 128], strides = [1, 1]} : vector<400x10112xf32> to vector<400x128xf32>
    %broadcast_in_dim3A_1667 = arith.constant 7.800000e+01 : f32
    %broadcast_in_dim3A_1668 = vector.broadcast %broadcast_in_dim3A_1667 : f32 to vector<400x128xf32>
    %lt3A_1669 = arith.cmpf olt, %slice3A_1666, %min3A_1649 : vector<400x128xf32>
    %min3A_1670 = arith.minimumf %min3A_1649, %slice3A_1666 : vector<400x128xf32>
    %max3A_1671 = arith.maximumf %min3A_1649, %slice3A_1666 : vector<400x128xf32>
    %select_n3A_1672 = arith.select %lt3A_1669, %broadcast_in_dim3A_1668, %select_n3A_1651 : vector<400x128xi1>, vector<400x128xf32>
    %select_n3A_1673 = arith.select %lt3A_1669, %select_n3A_1651, %broadcast_in_dim3A_1668 : vector<400x128xi1>, vector<400x128xf32>
    %lt3A_1674 = arith.cmpf olt, %max3A_1671, %min3A_1654 : vector<400x128xf32>
    %min3A_1675 = arith.minimumf %min3A_1654, %max3A_1671 : vector<400x128xf32>
    %max3A_1676 = arith.maximumf %min3A_1654, %max3A_1671 : vector<400x128xf32>
    %select_n3A_1677 = arith.select %lt3A_1674, %select_n3A_1673, %select_n3A_1656 : vector<400x128xi1>, vector<400x128xf32>
    %select_n3A_1678 = arith.select %lt3A_1674, %select_n3A_1656, %select_n3A_1673 : vector<400x128xi1>, vector<400x128xf32>
    %lt3A_1679 = arith.cmpf olt, %max3A_1676, %min3A_1659 : vector<400x128xf32>
    %min3A_1680 = arith.minimumf %min3A_1659, %max3A_1676 : vector<400x128xf32>
    %max3A_1681 = arith.maximumf %min3A_1659, %max3A_1676 : vector<400x128xf32>
    %select_n3A_1682 = arith.select %lt3A_1679, %select_n3A_1678, %select_n3A_1661 : vector<400x128xi1>, vector<400x128xf32>
    %select_n3A_1683 = arith.select %lt3A_1679, %select_n3A_1661, %select_n3A_1678 : vector<400x128xi1>, vector<400x128xf32>
    %lt3A_1684 = arith.cmpf olt, %max3A_1681, %min3A_1664 : vector<400x128xf32>
    %min3A_1685 = arith.minimumf %min3A_1664, %max3A_1681 : vector<400x128xf32>
    %select_n3A_1686 = arith.select %lt3A_1684, %select_n3A_1683, %select_n3A_1665 : vector<400x128xi1>, vector<400x128xf32>
    %iota3A = tpu.iota {dimensions = array<i32: 1>} : vector<400x128xi32>
    %convert_element_type3A_1687 = arith.sitofp %iota3A : vector<400x128xi32> to vector<400x128xf32>
    %mul3A_1688 = arith.constant 1.280000e+02 : f32
    %mul3A_1689 = vector.broadcast %mul3A_1688 : f32 to vector<400x128xf32>
    %mul3A_1690 = arith.mulf %select_n3A_1672, %mul3A_1689 : vector<400x128xf32>
    %add3A_1691 = arith.addf %mul3A_1690, %convert_element_type3A_1687 : vector<400x128xf32>
    %mul3A_1692 = arith.constant 1.280000e+02 : f32
    %mul3A_1693 = vector.broadcast %mul3A_1692 : f32 to vector<400x128xf32>
    %mul3A_1694 = arith.mulf %select_n3A_1677, %mul3A_1693 : vector<400x128xf32>
    %add3A_1695 = arith.addf %mul3A_1694, %convert_element_type3A_1687 : vector<400x128xf32>
    %mul3A_1696 = arith.constant 1.280000e+02 : f32
    %mul3A_1697 = vector.broadcast %mul3A_1696 : f32 to vector<400x128xf32>
    %mul3A_1698 = arith.mulf %select_n3A_1682, %mul3A_1697 : vector<400x128xf32>
    %add3A_1699 = arith.addf %mul3A_1698, %convert_element_type3A_1687 : vector<400x128xf32>
    %mul3A_1700 = arith.constant 1.280000e+02 : f32
    %mul3A_1701 = vector.broadcast %mul3A_1700 : f32 to vector<400x128xf32>
    %mul3A_1702 = arith.mulf %select_n3A_1686, %mul3A_1701 : vector<400x128xf32>
    %add3A_1703 = arith.addf %mul3A_1702, %convert_element_type3A_1687 : vector<400x128xf32>
    %reduce_min3A = arith.constant dense<0x7F800000> : vector<400xf32>
    %reduce_min3A_1704 = vector.multi_reduction <minimumf>, %min3A_1670, %reduce_min3A [1] : vector<400x128xf32> to vector<400xf32>
    %broadcast_in_dim3A_1705 = vector.shape_cast %reduce_min3A_1704 : vector<400xf32> to vector<400x1xf32>
    %eq3A = vector.broadcast %broadcast_in_dim3A_1705 : vector<400x1xf32> to vector<400x128xf32>
    %eq3A_1706 = arith.cmpf oeq, %min3A_1670, %eq3A : vector<400x128xf32>
    %jit3A = arith.constant 3.000000e+07 : f32
    %broadcast_in_dim3A_1707 = vector.broadcast %jit3A : f32 to vector<400x128xf32>
    %select_n3A_1708 = arith.select %eq3A_1706, %add3A_1691, %broadcast_in_dim3A_1707 : vector<400x128xi1>, vector<400x128xf32>
    %reduce_min3A_1709 = arith.constant dense<0x7F800000> : vector<400xf32>
    %reduce_min3A_1710 = vector.multi_reduction <minimumf>, %select_n3A_1708, %reduce_min3A_1709 [1] : vector<400x128xf32> to vector<400xf32>
    %broadcast_in_dim3A_1711 = vector.shape_cast %reduce_min3A_1710 : vector<400xf32> to vector<400x1xf32>
    %eq3A_1712 = vector.broadcast %broadcast_in_dim3A_1711 : vector<400x1xf32> to vector<400x128xf32>
    %eq3A_1713 = arith.cmpf oeq, %add3A_1691, %eq3A_1712 : vector<400x128xf32>
    %and3A = arith.andi %eq3A_1706, %eq3A_1713 : vector<400x128xi1>
    %select_n3A_1714 = arith.select %and3A, %min3A_1675, %min3A_1670 : vector<400x128xi1>, vector<400x128xf32>
    %select_n3A_1715 = arith.select %and3A, %min3A_1680, %min3A_1675 : vector<400x128xi1>, vector<400x128xf32>
    %select_n3A_1716 = arith.select %and3A, %min3A_1685, %min3A_1680 : vector<400x128xi1>, vector<400x128xf32>
    %jit3A_1717 = arith.constant 0x7F800000 : f32
    %broadcast_in_dim3A_1718 = vector.broadcast %jit3A_1717 : f32 to vector<400x128xf32>
    %select_n3A_1719 = arith.select %and3A, %broadcast_in_dim3A_1718, %min3A_1685 : vector<400x128xi1>, vector<400x128xf32>
    %select_n3A_1720 = arith.select %and3A, %add3A_1695, %add3A_1691 : vector<400x128xi1>, vector<400x128xf32>
    %select_n3A_1721 = arith.select %and3A, %add3A_1699, %add3A_1695 : vector<400x128xi1>, vector<400x128xf32>
    %select_n3A_1722 = arith.select %and3A, %add3A_1703, %add3A_1699 : vector<400x128xi1>, vector<400x128xf32>
    %jit3A_1723 = arith.constant 3.000000e+07 : f32
    %broadcast_in_dim3A_1724 = vector.broadcast %jit3A_1723 : f32 to vector<400x128xf32>
    %select_n3A_1725 = arith.select %and3A, %broadcast_in_dim3A_1724, %add3A_1703 : vector<400x128xi1>, vector<400x128xf32>
    %reduce_min3A_1726 = arith.constant dense<0x7F800000> : vector<400xf32>
    %reduce_min3A_1727 = vector.multi_reduction <minimumf>, %select_n3A_1714, %reduce_min3A_1726 [1] : vector<400x128xf32> to vector<400xf32>
    %broadcast_in_dim3A_1728 = vector.shape_cast %reduce_min3A_1727 : vector<400xf32> to vector<400x1xf32>
    %eq3A_1729 = vector.broadcast %broadcast_in_dim3A_1728 : vector<400x1xf32> to vector<400x128xf32>
    %eq3A_1730 = arith.cmpf oeq, %select_n3A_1714, %eq3A_1729 : vector<400x128xf32>
    %jit3A_1731 = arith.constant 3.000000e+07 : f32
    %broadcast_in_dim3A_1732 = vector.broadcast %jit3A_1731 : f32 to vector<400x128xf32>
    %select_n3A_1733 = arith.select %eq3A_1730, %select_n3A_1720, %broadcast_in_dim3A_1732 : vector<400x128xi1>, vector<400x128xf32>
    %reduce_min3A_1734 = arith.constant dense<0x7F800000> : vector<400xf32>
    %reduce_min3A_1735 = vector.multi_reduction <minimumf>, %select_n3A_1733, %reduce_min3A_1734 [1] : vector<400x128xf32> to vector<400xf32>
    %broadcast_in_dim3A_1736 = vector.shape_cast %reduce_min3A_1735 : vector<400xf32> to vector<400x1xf32>
    %eq3A_1737 = vector.broadcast %broadcast_in_dim3A_1736 : vector<400x1xf32> to vector<400x128xf32>
    %eq3A_1738 = arith.cmpf oeq, %select_n3A_1720, %eq3A_1737 : vector<400x128xf32>
    %and3A_1739 = arith.andi %eq3A_1730, %eq3A_1738 : vector<400x128xi1>
    %select_n3A_1740 = arith.select %and3A_1739, %select_n3A_1715, %select_n3A_1714 : vector<400x128xi1>, vector<400x128xf32>
    %select_n3A_1741 = arith.select %and3A_1739, %select_n3A_1716, %select_n3A_1715 : vector<400x128xi1>, vector<400x128xf32>
    %select_n3A_1742 = arith.select %and3A_1739, %select_n3A_1719, %select_n3A_1716 : vector<400x128xi1>, vector<400x128xf32>
    %jit3A_1743 = arith.constant 0x7F800000 : f32
    %broadcast_in_dim3A_1744 = vector.broadcast %jit3A_1743 : f32 to vector<400x128xf32>
    %select_n3A_1745 = arith.select %and3A_1739, %broadcast_in_dim3A_1744, %select_n3A_1719 : vector<400x128xi1>, vector<400x128xf32>
    %select_n3A_1746 = arith.select %and3A_1739, %select_n3A_1721, %select_n3A_1720 : vector<400x128xi1>, vector<400x128xf32>
    %select_n3A_1747 = arith.select %and3A_1739, %select_n3A_1722, %select_n3A_1721 : vector<400x128xi1>, vector<400x128xf32>
    %select_n3A_1748 = arith.select %and3A_1739, %select_n3A_1725, %select_n3A_1722 : vector<400x128xi1>, vector<400x128xf32>
    %jit3A_1749 = arith.constant 3.000000e+07 : f32
    %broadcast_in_dim3A_1750 = vector.broadcast %jit3A_1749 : f32 to vector<400x128xf32>
    %select_n3A_1751 = arith.select %and3A_1739, %broadcast_in_dim3A_1750, %select_n3A_1725 : vector<400x128xi1>, vector<400x128xf32>
    %reduce_min3A_1752 = arith.constant dense<0x7F800000> : vector<400xf32>
    %reduce_min3A_1753 = vector.multi_reduction <minimumf>, %select_n3A_1740, %reduce_min3A_1752 [1] : vector<400x128xf32> to vector<400xf32>
    %broadcast_in_dim3A_1754 = vector.shape_cast %reduce_min3A_1753 : vector<400xf32> to vector<400x1xf32>
    %eq3A_1755 = vector.broadcast %broadcast_in_dim3A_1754 : vector<400x1xf32> to vector<400x128xf32>
    %eq3A_1756 = arith.cmpf oeq, %select_n3A_1740, %eq3A_1755 : vector<400x128xf32>
    %jit3A_1757 = arith.constant 3.000000e+07 : f32
    %broadcast_in_dim3A_1758 = vector.broadcast %jit3A_1757 : f32 to vector<400x128xf32>
    %select_n3A_1759 = arith.select %eq3A_1756, %select_n3A_1746, %broadcast_in_dim3A_1758 : vector<400x128xi1>, vector<400x128xf32>
    %reduce_min3A_1760 = arith.constant dense<0x7F800000> : vector<400xf32>
    %reduce_min3A_1761 = vector.multi_reduction <minimumf>, %select_n3A_1759, %reduce_min3A_1760 [1] : vector<400x128xf32> to vector<400xf32>
    %broadcast_in_dim3A_1762 = vector.shape_cast %reduce_min3A_1761 : vector<400xf32> to vector<400x1xf32>
    %eq3A_1763 = vector.broadcast %broadcast_in_dim3A_1762 : vector<400x1xf32> to vector<400x128xf32>
    %eq3A_1764 = arith.cmpf oeq, %select_n3A_1746, %eq3A_1763 : vector<400x128xf32>
    %and3A_1765 = arith.andi %eq3A_1756, %eq3A_1764 : vector<400x128xi1>
    %select_n3A_1766 = arith.select %and3A_1765, %select_n3A_1741, %select_n3A_1740 : vector<400x128xi1>, vector<400x128xf32>
    %select_n3A_1767 = arith.select %and3A_1765, %select_n3A_1742, %select_n3A_1741 : vector<400x128xi1>, vector<400x128xf32>
    %select_n3A_1768 = arith.select %and3A_1765, %select_n3A_1745, %select_n3A_1742 : vector<400x128xi1>, vector<400x128xf32>
    %jit3A_1769 = arith.constant 0x7F800000 : f32
    %broadcast_in_dim3A_1770 = vector.broadcast %jit3A_1769 : f32 to vector<400x128xf32>
    %select_n3A_1771 = arith.select %and3A_1765, %broadcast_in_dim3A_1770, %select_n3A_1745 : vector<400x128xi1>, vector<400x128xf32>
    %select_n3A_1772 = arith.select %and3A_1765, %select_n3A_1747, %select_n3A_1746 : vector<400x128xi1>, vector<400x128xf32>
    %select_n3A_1773 = arith.select %and3A_1765, %select_n3A_1748, %select_n3A_1747 : vector<400x128xi1>, vector<400x128xf32>
    %select_n3A_1774 = arith.select %and3A_1765, %select_n3A_1751, %select_n3A_1748 : vector<400x128xi1>, vector<400x128xf32>
    %jit3A_1775 = arith.constant 3.000000e+07 : f32
    %broadcast_in_dim3A_1776 = vector.broadcast %jit3A_1775 : f32 to vector<400x128xf32>
    %select_n3A_1777 = arith.select %and3A_1765, %broadcast_in_dim3A_1776, %select_n3A_1751 : vector<400x128xi1>, vector<400x128xf32>
    %reduce_min3A_1778 = arith.constant dense<0x7F800000> : vector<400xf32>
    %reduce_min3A_1779 = vector.multi_reduction <minimumf>, %select_n3A_1766, %reduce_min3A_1778 [1] : vector<400x128xf32> to vector<400xf32>
    %broadcast_in_dim3A_1780 = vector.shape_cast %reduce_min3A_1779 : vector<400xf32> to vector<400x1xf32>
    %eq3A_1781 = vector.broadcast %broadcast_in_dim3A_1780 : vector<400x1xf32> to vector<400x128xf32>
    %eq3A_1782 = arith.cmpf oeq, %select_n3A_1766, %eq3A_1781 : vector<400x128xf32>
    %jit3A_1783 = arith.constant 3.000000e+07 : f32
    %broadcast_in_dim3A_1784 = vector.broadcast %jit3A_1783 : f32 to vector<400x128xf32>
    %select_n3A_1785 = arith.select %eq3A_1782, %select_n3A_1772, %broadcast_in_dim3A_1784 : vector<400x128xi1>, vector<400x128xf32>
    %reduce_min3A_1786 = arith.constant dense<0x7F800000> : vector<400xf32>
    %reduce_min3A_1787 = vector.multi_reduction <minimumf>, %select_n3A_1785, %reduce_min3A_1786 [1] : vector<400x128xf32> to vector<400xf32>
    %broadcast_in_dim3A_1788 = vector.shape_cast %reduce_min3A_1787 : vector<400xf32> to vector<400x1xf32>
    %eq3A_1789 = vector.broadcast %broadcast_in_dim3A_1788 : vector<400x1xf32> to vector<400x128xf32>
    %eq3A_1790 = arith.cmpf oeq, %select_n3A_1772, %eq3A_1789 : vector<400x128xf32>
    %and3A_1791 = arith.andi %eq3A_1782, %eq3A_1790 : vector<400x128xi1>
    %select_n3A_1792 = arith.select %and3A_1791, %select_n3A_1767, %select_n3A_1766 : vector<400x128xi1>, vector<400x128xf32>
    %select_n3A_1793 = arith.select %and3A_1791, %select_n3A_1768, %select_n3A_1767 : vector<400x128xi1>, vector<400x128xf32>
    %select_n3A_1794 = arith.select %and3A_1791, %select_n3A_1771, %select_n3A_1768 : vector<400x128xi1>, vector<400x128xf32>
    %jit3A_1795 = arith.constant 0x7F800000 : f32
    %broadcast_in_dim3A_1796 = vector.broadcast %jit3A_1795 : f32 to vector<400x128xf32>
    %select_n3A_1797 = arith.select %and3A_1791, %broadcast_in_dim3A_1796, %select_n3A_1771 : vector<400x128xi1>, vector<400x128xf32>
    %select_n3A_1798 = arith.select %and3A_1791, %select_n3A_1773, %select_n3A_1772 : vector<400x128xi1>, vector<400x128xf32>
    %select_n3A_1799 = arith.select %and3A_1791, %select_n3A_1774, %select_n3A_1773 : vector<400x128xi1>, vector<400x128xf32>
    %select_n3A_1800 = arith.select %and3A_1791, %select_n3A_1777, %select_n3A_1774 : vector<400x128xi1>, vector<400x128xf32>
    %jit3A_1801 = arith.constant 3.000000e+07 : f32
    %broadcast_in_dim3A_1802 = vector.broadcast %jit3A_1801 : f32 to vector<400x128xf32>
    %select_n3A_1803 = arith.select %and3A_1791, %broadcast_in_dim3A_1802, %select_n3A_1777 : vector<400x128xi1>, vector<400x128xf32>
    %reduce_min3A_1804 = arith.constant dense<0x7F800000> : vector<400xf32>
    %reduce_min3A_1805 = vector.multi_reduction <minimumf>, %select_n3A_1792, %reduce_min3A_1804 [1] : vector<400x128xf32> to vector<400xf32>
    %broadcast_in_dim3A_1806 = vector.shape_cast %reduce_min3A_1805 : vector<400xf32> to vector<400x1xf32>
    %eq3A_1807 = vector.broadcast %broadcast_in_dim3A_1806 : vector<400x1xf32> to vector<400x128xf32>
    %eq3A_1808 = arith.cmpf oeq, %select_n3A_1792, %eq3A_1807 : vector<400x128xf32>
    %jit3A_1809 = arith.constant 3.000000e+07 : f32
    %broadcast_in_dim3A_1810 = vector.broadcast %jit3A_1809 : f32 to vector<400x128xf32>
    %select_n3A_1811 = arith.select %eq3A_1808, %select_n3A_1798, %broadcast_in_dim3A_1810 : vector<400x128xi1>, vector<400x128xf32>
    %reduce_min3A_1812 = arith.constant dense<0x7F800000> : vector<400xf32>
    %reduce_min3A_1813 = vector.multi_reduction <minimumf>, %select_n3A_1811, %reduce_min3A_1812 [1] : vector<400x128xf32> to vector<400xf32>
    %broadcast_in_dim3A_1814 = vector.shape_cast %reduce_min3A_1813 : vector<400xf32> to vector<400x1xf32>
    %eq3A_1815 = vector.broadcast %broadcast_in_dim3A_1814 : vector<400x1xf32> to vector<400x128xf32>
    %eq3A_1816 = arith.cmpf oeq, %select_n3A_1798, %eq3A_1815 : vector<400x128xf32>
    %and3A_1817 = arith.andi %eq3A_1808, %eq3A_1816 : vector<400x128xi1>
    %select_n3A_1818 = arith.select %and3A_1817, %select_n3A_1793, %select_n3A_1792 : vector<400x128xi1>, vector<400x128xf32>
    %select_n3A_1819 = arith.select %and3A_1817, %select_n3A_1794, %select_n3A_1793 : vector<400x128xi1>, vector<400x128xf32>
    %select_n3A_1820 = arith.select %and3A_1817, %select_n3A_1797, %select_n3A_1794 : vector<400x128xi1>, vector<400x128xf32>
    %jit3A_1821 = arith.constant 0x7F800000 : f32
    %broadcast_in_dim3A_1822 = vector.broadcast %jit3A_1821 : f32 to vector<400x128xf32>
    %select_n3A_1823 = arith.select %and3A_1817, %broadcast_in_dim3A_1822, %select_n3A_1797 : vector<400x128xi1>, vector<400x128xf32>
    %select_n3A_1824 = arith.select %and3A_1817, %select_n3A_1799, %select_n3A_1798 : vector<400x128xi1>, vector<400x128xf32>
    %select_n3A_1825 = arith.select %and3A_1817, %select_n3A_1800, %select_n3A_1799 : vector<400x128xi1>, vector<400x128xf32>
    %select_n3A_1826 = arith.select %and3A_1817, %select_n3A_1803, %select_n3A_1800 : vector<400x128xi1>, vector<400x128xf32>
    %jit3A_1827 = arith.constant 3.000000e+07 : f32
    %broadcast_in_dim3A_1828 = vector.broadcast %jit3A_1827 : f32 to vector<400x128xf32>
    %select_n3A_1829 = arith.select %and3A_1817, %broadcast_in_dim3A_1828, %select_n3A_1803 : vector<400x128xi1>, vector<400x128xf32>
    %reduce_min3A_1830 = arith.constant dense<0x7F800000> : vector<400xf32>
    %reduce_min3A_1831 = vector.multi_reduction <minimumf>, %select_n3A_1818, %reduce_min3A_1830 [1] : vector<400x128xf32> to vector<400xf32>
    %broadcast_in_dim3A_1832 = vector.shape_cast %reduce_min3A_1831 : vector<400xf32> to vector<400x1xf32>
    %eq3A_1833 = vector.broadcast %broadcast_in_dim3A_1832 : vector<400x1xf32> to vector<400x128xf32>
    %eq3A_1834 = arith.cmpf oeq, %select_n3A_1818, %eq3A_1833 : vector<400x128xf32>
    %jit3A_1835 = arith.constant 3.000000e+07 : f32
    %broadcast_in_dim3A_1836 = vector.broadcast %jit3A_1835 : f32 to vector<400x128xf32>
    %select_n3A_1837 = arith.select %eq3A_1834, %select_n3A_1824, %broadcast_in_dim3A_1836 : vector<400x128xi1>, vector<400x128xf32>
    %reduce_min3A_1838 = arith.constant dense<0x7F800000> : vector<400xf32>
    %reduce_min3A_1839 = vector.multi_reduction <minimumf>, %select_n3A_1837, %reduce_min3A_1838 [1] : vector<400x128xf32> to vector<400xf32>
    %broadcast_in_dim3A_1840 = vector.shape_cast %reduce_min3A_1839 : vector<400xf32> to vector<400x1xf32>
    %eq3A_1841 = vector.broadcast %broadcast_in_dim3A_1840 : vector<400x1xf32> to vector<400x128xf32>
    %eq3A_1842 = arith.cmpf oeq, %select_n3A_1824, %eq3A_1841 : vector<400x128xf32>
    %and3A_1843 = arith.andi %eq3A_1834, %eq3A_1842 : vector<400x128xi1>
    %select_n3A_1844 = arith.select %and3A_1843, %select_n3A_1819, %select_n3A_1818 : vector<400x128xi1>, vector<400x128xf32>
    %select_n3A_1845 = arith.select %and3A_1843, %select_n3A_1820, %select_n3A_1819 : vector<400x128xi1>, vector<400x128xf32>
    %select_n3A_1846 = arith.select %and3A_1843, %select_n3A_1823, %select_n3A_1820 : vector<400x128xi1>, vector<400x128xf32>
    %jit3A_1847 = arith.constant 0x7F800000 : f32
    %broadcast_in_dim3A_1848 = vector.broadcast %jit3A_1847 : f32 to vector<400x128xf32>
    %select_n3A_1849 = arith.select %and3A_1843, %broadcast_in_dim3A_1848, %select_n3A_1823 : vector<400x128xi1>, vector<400x128xf32>
    %select_n3A_1850 = arith.select %and3A_1843, %select_n3A_1825, %select_n3A_1824 : vector<400x128xi1>, vector<400x128xf32>
    %select_n3A_1851 = arith.select %and3A_1843, %select_n3A_1826, %select_n3A_1825 : vector<400x128xi1>, vector<400x128xf32>
    %select_n3A_1852 = arith.select %and3A_1843, %select_n3A_1829, %select_n3A_1826 : vector<400x128xi1>, vector<400x128xf32>
    %jit3A_1853 = arith.constant 3.000000e+07 : f32
    %broadcast_in_dim3A_1854 = vector.broadcast %jit3A_1853 : f32 to vector<400x128xf32>
    %select_n3A_1855 = arith.select %and3A_1843, %broadcast_in_dim3A_1854, %select_n3A_1829 : vector<400x128xi1>, vector<400x128xf32>
    %reduce_min3A_1856 = arith.constant dense<0x7F800000> : vector<400xf32>
    %reduce_min3A_1857 = vector.multi_reduction <minimumf>, %select_n3A_1844, %reduce_min3A_1856 [1] : vector<400x128xf32> to vector<400xf32>
    %broadcast_in_dim3A_1858 = vector.shape_cast %reduce_min3A_1857 : vector<400xf32> to vector<400x1xf32>
    %eq3A_1859 = vector.broadcast %broadcast_in_dim3A_1858 : vector<400x1xf32> to vector<400x128xf32>
    %eq3A_1860 = arith.cmpf oeq, %select_n3A_1844, %eq3A_1859 : vector<400x128xf32>
    %jit3A_1861 = arith.constant 3.000000e+07 : f32
    %broadcast_in_dim3A_1862 = vector.broadcast %jit3A_1861 : f32 to vector<400x128xf32>
    %select_n3A_1863 = arith.select %eq3A_1860, %select_n3A_1850, %broadcast_in_dim3A_1862 : vector<400x128xi1>, vector<400x128xf32>
    %reduce_min3A_1864 = arith.constant dense<0x7F800000> : vector<400xf32>
    %reduce_min3A_1865 = vector.multi_reduction <minimumf>, %select_n3A_1863, %reduce_min3A_1864 [1] : vector<400x128xf32> to vector<400xf32>
    %broadcast_in_dim3A_1866 = vector.shape_cast %reduce_min3A_1865 : vector<400xf32> to vector<400x1xf32>
    %eq3A_1867 = vector.broadcast %broadcast_in_dim3A_1866 : vector<400x1xf32> to vector<400x128xf32>
    %eq3A_1868 = arith.cmpf oeq, %select_n3A_1850, %eq3A_1867 : vector<400x128xf32>
    %and3A_1869 = arith.andi %eq3A_1860, %eq3A_1868 : vector<400x128xi1>
    %select_n3A_1870 = arith.select %and3A_1869, %select_n3A_1845, %select_n3A_1844 : vector<400x128xi1>, vector<400x128xf32>
    %select_n3A_1871 = arith.select %and3A_1869, %select_n3A_1846, %select_n3A_1845 : vector<400x128xi1>, vector<400x128xf32>
    %select_n3A_1872 = arith.select %and3A_1869, %select_n3A_1849, %select_n3A_1846 : vector<400x128xi1>, vector<400x128xf32>
    %jit3A_1873 = arith.constant 0x7F800000 : f32
    %broadcast_in_dim3A_1874 = vector.broadcast %jit3A_1873 : f32 to vector<400x128xf32>
    %select_n3A_1875 = arith.select %and3A_1869, %broadcast_in_dim3A_1874, %select_n3A_1849 : vector<400x128xi1>, vector<400x128xf32>
    %select_n3A_1876 = arith.select %and3A_1869, %select_n3A_1851, %select_n3A_1850 : vector<400x128xi1>, vector<400x128xf32>
    %select_n3A_1877 = arith.select %and3A_1869, %select_n3A_1852, %select_n3A_1851 : vector<400x128xi1>, vector<400x128xf32>
    %select_n3A_1878 = arith.select %and3A_1869, %select_n3A_1855, %select_n3A_1852 : vector<400x128xi1>, vector<400x128xf32>
    %jit3A_1879 = arith.constant 3.000000e+07 : f32
    %broadcast_in_dim3A_1880 = vector.broadcast %jit3A_1879 : f32 to vector<400x128xf32>
    %select_n3A_1881 = arith.select %and3A_1869, %broadcast_in_dim3A_1880, %select_n3A_1855 : vector<400x128xi1>, vector<400x128xf32>
    %reduce_min3A_1882 = arith.constant dense<0x7F800000> : vector<400xf32>
    %reduce_min3A_1883 = vector.multi_reduction <minimumf>, %select_n3A_1870, %reduce_min3A_1882 [1] : vector<400x128xf32> to vector<400xf32>
    %broadcast_in_dim3A_1884 = vector.shape_cast %reduce_min3A_1883 : vector<400xf32> to vector<400x1xf32>
    %eq3A_1885 = vector.broadcast %broadcast_in_dim3A_1884 : vector<400x1xf32> to vector<400x128xf32>
    %eq3A_1886 = arith.cmpf oeq, %select_n3A_1870, %eq3A_1885 : vector<400x128xf32>
    %jit3A_1887 = arith.constant 3.000000e+07 : f32
    %broadcast_in_dim3A_1888 = vector.broadcast %jit3A_1887 : f32 to vector<400x128xf32>
    %select_n3A_1889 = arith.select %eq3A_1886, %select_n3A_1876, %broadcast_in_dim3A_1888 : vector<400x128xi1>, vector<400x128xf32>
    %reduce_min3A_1890 = arith.constant dense<0x7F800000> : vector<400xf32>
    %reduce_min3A_1891 = vector.multi_reduction <minimumf>, %select_n3A_1889, %reduce_min3A_1890 [1] : vector<400x128xf32> to vector<400xf32>
    %broadcast_in_dim3A_1892 = vector.shape_cast %reduce_min3A_1891 : vector<400xf32> to vector<400x1xf32>
    %eq3A_1893 = vector.broadcast %broadcast_in_dim3A_1892 : vector<400x1xf32> to vector<400x128xf32>
    %eq3A_1894 = arith.cmpf oeq, %select_n3A_1876, %eq3A_1893 : vector<400x128xf32>
    %and3A_1895 = arith.andi %eq3A_1886, %eq3A_1894 : vector<400x128xi1>
    %select_n3A_1896 = arith.select %and3A_1895, %select_n3A_1871, %select_n3A_1870 : vector<400x128xi1>, vector<400x128xf32>
    %select_n3A_1897 = arith.select %and3A_1895, %select_n3A_1872, %select_n3A_1871 : vector<400x128xi1>, vector<400x128xf32>
    %select_n3A_1898 = arith.select %and3A_1895, %select_n3A_1875, %select_n3A_1872 : vector<400x128xi1>, vector<400x128xf32>
    %jit3A_1899 = arith.constant 0x7F800000 : f32
    %broadcast_in_dim3A_1900 = vector.broadcast %jit3A_1899 : f32 to vector<400x128xf32>
    %select_n3A_1901 = arith.select %and3A_1895, %broadcast_in_dim3A_1900, %select_n3A_1875 : vector<400x128xi1>, vector<400x128xf32>
    %select_n3A_1902 = arith.select %and3A_1895, %select_n3A_1877, %select_n3A_1876 : vector<400x128xi1>, vector<400x128xf32>
    %select_n3A_1903 = arith.select %and3A_1895, %select_n3A_1878, %select_n3A_1877 : vector<400x128xi1>, vector<400x128xf32>
    %select_n3A_1904 = arith.select %and3A_1895, %select_n3A_1881, %select_n3A_1878 : vector<400x128xi1>, vector<400x128xf32>
    %jit3A_1905 = arith.constant 3.000000e+07 : f32
    %broadcast_in_dim3A_1906 = vector.broadcast %jit3A_1905 : f32 to vector<400x128xf32>
    %select_n3A_1907 = arith.select %and3A_1895, %broadcast_in_dim3A_1906, %select_n3A_1881 : vector<400x128xi1>, vector<400x128xf32>
    %reduce_min3A_1908 = arith.constant dense<0x7F800000> : vector<400xf32>
    %reduce_min3A_1909 = vector.multi_reduction <minimumf>, %select_n3A_1896, %reduce_min3A_1908 [1] : vector<400x128xf32> to vector<400xf32>
    %broadcast_in_dim3A_1910 = vector.shape_cast %reduce_min3A_1909 : vector<400xf32> to vector<400x1xf32>
    %eq3A_1911 = vector.broadcast %broadcast_in_dim3A_1910 : vector<400x1xf32> to vector<400x128xf32>
    %eq3A_1912 = arith.cmpf oeq, %select_n3A_1896, %eq3A_1911 : vector<400x128xf32>
    %jit3A_1913 = arith.constant 3.000000e+07 : f32
    %broadcast_in_dim3A_1914 = vector.broadcast %jit3A_1913 : f32 to vector<400x128xf32>
    %select_n3A_1915 = arith.select %eq3A_1912, %select_n3A_1902, %broadcast_in_dim3A_1914 : vector<400x128xi1>, vector<400x128xf32>
    %reduce_min3A_1916 = arith.constant dense<0x7F800000> : vector<400xf32>
    %reduce_min3A_1917 = vector.multi_reduction <minimumf>, %select_n3A_1915, %reduce_min3A_1916 [1] : vector<400x128xf32> to vector<400xf32>
    %broadcast_in_dim3A_1918 = vector.shape_cast %reduce_min3A_1917 : vector<400xf32> to vector<400x1xf32>
    %eq3A_1919 = vector.broadcast %broadcast_in_dim3A_1918 : vector<400x1xf32> to vector<400x128xf32>
    %eq3A_1920 = arith.cmpf oeq, %select_n3A_1902, %eq3A_1919 : vector<400x128xf32>
    %and3A_1921 = arith.andi %eq3A_1912, %eq3A_1920 : vector<400x128xi1>
    %select_n3A_1922 = arith.select %and3A_1921, %select_n3A_1897, %select_n3A_1896 : vector<400x128xi1>, vector<400x128xf32>
    %select_n3A_1923 = arith.select %and3A_1921, %select_n3A_1898, %select_n3A_1897 : vector<400x128xi1>, vector<400x128xf32>
    %select_n3A_1924 = arith.select %and3A_1921, %select_n3A_1901, %select_n3A_1898 : vector<400x128xi1>, vector<400x128xf32>
    %jit3A_1925 = arith.constant 0x7F800000 : f32
    %broadcast_in_dim3A_1926 = vector.broadcast %jit3A_1925 : f32 to vector<400x128xf32>
    %select_n3A_1927 = arith.select %and3A_1921, %broadcast_in_dim3A_1926, %select_n3A_1901 : vector<400x128xi1>, vector<400x128xf32>
    %select_n3A_1928 = arith.select %and3A_1921, %select_n3A_1903, %select_n3A_1902 : vector<400x128xi1>, vector<400x128xf32>
    %select_n3A_1929 = arith.select %and3A_1921, %select_n3A_1904, %select_n3A_1903 : vector<400x128xi1>, vector<400x128xf32>
    %select_n3A_1930 = arith.select %and3A_1921, %select_n3A_1907, %select_n3A_1904 : vector<400x128xi1>, vector<400x128xf32>
    %jit3A_1931 = arith.constant 3.000000e+07 : f32
    %broadcast_in_dim3A_1932 = vector.broadcast %jit3A_1931 : f32 to vector<400x128xf32>
    %select_n3A_1933 = arith.select %and3A_1921, %broadcast_in_dim3A_1932, %select_n3A_1907 : vector<400x128xi1>, vector<400x128xf32>
    %reduce_min3A_1934 = arith.constant dense<0x7F800000> : vector<400xf32>
    %reduce_min3A_1935 = vector.multi_reduction <minimumf>, %select_n3A_1922, %reduce_min3A_1934 [1] : vector<400x128xf32> to vector<400xf32>
    %broadcast_in_dim3A_1936 = vector.shape_cast %reduce_min3A_1935 : vector<400xf32> to vector<400x1xf32>
    %eq3A_1937 = vector.broadcast %broadcast_in_dim3A_1936 : vector<400x1xf32> to vector<400x128xf32>
    %eq3A_1938 = arith.cmpf oeq, %select_n3A_1922, %eq3A_1937 : vector<400x128xf32>
    %jit3A_1939 = arith.constant 3.000000e+07 : f32
    %broadcast_in_dim3A_1940 = vector.broadcast %jit3A_1939 : f32 to vector<400x128xf32>
    %select_n3A_1941 = arith.select %eq3A_1938, %select_n3A_1928, %broadcast_in_dim3A_1940 : vector<400x128xi1>, vector<400x128xf32>
    %reduce_min3A_1942 = arith.constant dense<0x7F800000> : vector<400xf32>
    %reduce_min3A_1943 = vector.multi_reduction <minimumf>, %select_n3A_1941, %reduce_min3A_1942 [1] : vector<400x128xf32> to vector<400xf32>
    %broadcast_in_dim3A_1944 = vector.shape_cast %reduce_min3A_1943 : vector<400xf32> to vector<400x1xf32>
    %eq3A_1945 = vector.broadcast %broadcast_in_dim3A_1944 : vector<400x1xf32> to vector<400x128xf32>
    %eq3A_1946 = arith.cmpf oeq, %select_n3A_1928, %eq3A_1945 : vector<400x128xf32>
    %and3A_1947 = arith.andi %eq3A_1938, %eq3A_1946 : vector<400x128xi1>
    %select_n3A_1948 = arith.select %and3A_1947, %select_n3A_1923, %select_n3A_1922 : vector<400x128xi1>, vector<400x128xf32>
    %select_n3A_1949 = arith.select %and3A_1947, %select_n3A_1924, %select_n3A_1923 : vector<400x128xi1>, vector<400x128xf32>
    %select_n3A_1950 = arith.select %and3A_1947, %select_n3A_1927, %select_n3A_1924 : vector<400x128xi1>, vector<400x128xf32>
    %jit3A_1951 = arith.constant 0x7F800000 : f32
    %broadcast_in_dim3A_1952 = vector.broadcast %jit3A_1951 : f32 to vector<400x128xf32>
    %select_n3A_1953 = arith.select %and3A_1947, %broadcast_in_dim3A_1952, %select_n3A_1927 : vector<400x128xi1>, vector<400x128xf32>
    %select_n3A_1954 = arith.select %and3A_1947, %select_n3A_1929, %select_n3A_1928 : vector<400x128xi1>, vector<400x128xf32>
    %select_n3A_1955 = arith.select %and3A_1947, %select_n3A_1930, %select_n3A_1929 : vector<400x128xi1>, vector<400x128xf32>
    %select_n3A_1956 = arith.select %and3A_1947, %select_n3A_1933, %select_n3A_1930 : vector<400x128xi1>, vector<400x128xf32>
    %jit3A_1957 = arith.constant 3.000000e+07 : f32
    %broadcast_in_dim3A_1958 = vector.broadcast %jit3A_1957 : f32 to vector<400x128xf32>
    %select_n3A_1959 = arith.select %and3A_1947, %broadcast_in_dim3A_1958, %select_n3A_1933 : vector<400x128xi1>, vector<400x128xf32>
    %reduce_min3A_1960 = arith.constant dense<0x7F800000> : vector<400xf32>
    %reduce_min3A_1961 = vector.multi_reduction <minimumf>, %select_n3A_1948, %reduce_min3A_1960 [1] : vector<400x128xf32> to vector<400xf32>
    %broadcast_in_dim3A_1962 = vector.shape_cast %reduce_min3A_1961 : vector<400xf32> to vector<400x1xf32>
    %eq3A_1963 = vector.broadcast %broadcast_in_dim3A_1962 : vector<400x1xf32> to vector<400x128xf32>
    %eq3A_1964 = arith.cmpf oeq, %select_n3A_1948, %eq3A_1963 : vector<400x128xf32>
    %jit3A_1965 = arith.constant 3.000000e+07 : f32
    %broadcast_in_dim3A_1966 = vector.broadcast %jit3A_1965 : f32 to vector<400x128xf32>
    %select_n3A_1967 = arith.select %eq3A_1964, %select_n3A_1954, %broadcast_in_dim3A_1966 : vector<400x128xi1>, vector<400x128xf32>
    %reduce_min3A_1968 = arith.constant dense<0x7F800000> : vector<400xf32>
    %reduce_min3A_1969 = vector.multi_reduction <minimumf>, %select_n3A_1967, %reduce_min3A_1968 [1] : vector<400x128xf32> to vector<400xf32>
    %broadcast_in_dim3A_1970 = vector.shape_cast %reduce_min3A_1969 : vector<400xf32> to vector<400x1xf32>
    %eq3A_1971 = vector.broadcast %broadcast_in_dim3A_1970 : vector<400x1xf32> to vector<400x128xf32>
    %eq3A_1972 = arith.cmpf oeq, %select_n3A_1954, %eq3A_1971 : vector<400x128xf32>
    %and3A_1973 = arith.andi %eq3A_1964, %eq3A_1972 : vector<400x128xi1>
    %select_n3A_1974 = arith.select %and3A_1973, %select_n3A_1949, %select_n3A_1948 : vector<400x128xi1>, vector<400x128xf32>
    %select_n3A_1975 = arith.select %and3A_1973, %select_n3A_1950, %select_n3A_1949 : vector<400x128xi1>, vector<400x128xf32>
    %select_n3A_1976 = arith.select %and3A_1973, %select_n3A_1953, %select_n3A_1950 : vector<400x128xi1>, vector<400x128xf32>
    %jit3A_1977 = arith.constant 0x7F800000 : f32
    %broadcast_in_dim3A_1978 = vector.broadcast %jit3A_1977 : f32 to vector<400x128xf32>
    %select_n3A_1979 = arith.select %and3A_1973, %broadcast_in_dim3A_1978, %select_n3A_1953 : vector<400x128xi1>, vector<400x128xf32>
    %select_n3A_1980 = arith.select %and3A_1973, %select_n3A_1955, %select_n3A_1954 : vector<400x128xi1>, vector<400x128xf32>
    %select_n3A_1981 = arith.select %and3A_1973, %select_n3A_1956, %select_n3A_1955 : vector<400x128xi1>, vector<400x128xf32>
    %select_n3A_1982 = arith.select %and3A_1973, %select_n3A_1959, %select_n3A_1956 : vector<400x128xi1>, vector<400x128xf32>
    %jit3A_1983 = arith.constant 3.000000e+07 : f32
    %broadcast_in_dim3A_1984 = vector.broadcast %jit3A_1983 : f32 to vector<400x128xf32>
    %select_n3A_1985 = arith.select %and3A_1973, %broadcast_in_dim3A_1984, %select_n3A_1959 : vector<400x128xi1>, vector<400x128xf32>
    %reduce_min3A_1986 = arith.constant dense<0x7F800000> : vector<400xf32>
    %reduce_min3A_1987 = vector.multi_reduction <minimumf>, %select_n3A_1974, %reduce_min3A_1986 [1] : vector<400x128xf32> to vector<400xf32>
    %broadcast_in_dim3A_1988 = vector.shape_cast %reduce_min3A_1987 : vector<400xf32> to vector<400x1xf32>
    %eq3A_1989 = vector.broadcast %broadcast_in_dim3A_1988 : vector<400x1xf32> to vector<400x128xf32>
    %eq3A_1990 = arith.cmpf oeq, %select_n3A_1974, %eq3A_1989 : vector<400x128xf32>
    %jit3A_1991 = arith.constant 3.000000e+07 : f32
    %broadcast_in_dim3A_1992 = vector.broadcast %jit3A_1991 : f32 to vector<400x128xf32>
    %select_n3A_1993 = arith.select %eq3A_1990, %select_n3A_1980, %broadcast_in_dim3A_1992 : vector<400x128xi1>, vector<400x128xf32>
    %reduce_min3A_1994 = arith.constant dense<0x7F800000> : vector<400xf32>
    %reduce_min3A_1995 = vector.multi_reduction <minimumf>, %select_n3A_1993, %reduce_min3A_1994 [1] : vector<400x128xf32> to vector<400xf32>
    %broadcast_in_dim3A_1996 = vector.shape_cast %reduce_min3A_1995 : vector<400xf32> to vector<400x1xf32>
    %eq3A_1997 = vector.broadcast %broadcast_in_dim3A_1996 : vector<400x1xf32> to vector<400x128xf32>
    %eq3A_1998 = arith.cmpf oeq, %select_n3A_1980, %eq3A_1997 : vector<400x128xf32>
    %and3A_1999 = arith.andi %eq3A_1990, %eq3A_1998 : vector<400x128xi1>
    %select_n3A_2000 = arith.select %and3A_1999, %select_n3A_1975, %select_n3A_1974 : vector<400x128xi1>, vector<400x128xf32>
    %select_n3A_2001 = arith.select %and3A_1999, %select_n3A_1976, %select_n3A_1975 : vector<400x128xi1>, vector<400x128xf32>
    %select_n3A_2002 = arith.select %and3A_1999, %select_n3A_1979, %select_n3A_1976 : vector<400x128xi1>, vector<400x128xf32>
    %jit3A_2003 = arith.constant 0x7F800000 : f32
    %broadcast_in_dim3A_2004 = vector.broadcast %jit3A_2003 : f32 to vector<400x128xf32>
    %select_n3A_2005 = arith.select %and3A_1999, %broadcast_in_dim3A_2004, %select_n3A_1979 : vector<400x128xi1>, vector<400x128xf32>
    %select_n3A_2006 = arith.select %and3A_1999, %select_n3A_1981, %select_n3A_1980 : vector<400x128xi1>, vector<400x128xf32>
    %select_n3A_2007 = arith.select %and3A_1999, %select_n3A_1982, %select_n3A_1981 : vector<400x128xi1>, vector<400x128xf32>
    %select_n3A_2008 = arith.select %and3A_1999, %select_n3A_1985, %select_n3A_1982 : vector<400x128xi1>, vector<400x128xf32>
    %jit3A_2009 = arith.constant 3.000000e+07 : f32
    %broadcast_in_dim3A_2010 = vector.broadcast %jit3A_2009 : f32 to vector<400x128xf32>
    %select_n3A_2011 = arith.select %and3A_1999, %broadcast_in_dim3A_2010, %select_n3A_1985 : vector<400x128xi1>, vector<400x128xf32>
    %reduce_min3A_2012 = arith.constant dense<0x7F800000> : vector<400xf32>
    %reduce_min3A_2013 = vector.multi_reduction <minimumf>, %select_n3A_2000, %reduce_min3A_2012 [1] : vector<400x128xf32> to vector<400xf32>
    %broadcast_in_dim3A_2014 = vector.shape_cast %reduce_min3A_2013 : vector<400xf32> to vector<400x1xf32>
    %eq3A_2015 = vector.broadcast %broadcast_in_dim3A_2014 : vector<400x1xf32> to vector<400x128xf32>
    %eq3A_2016 = arith.cmpf oeq, %select_n3A_2000, %eq3A_2015 : vector<400x128xf32>
    %jit3A_2017 = arith.constant 3.000000e+07 : f32
    %broadcast_in_dim3A_2018 = vector.broadcast %jit3A_2017 : f32 to vector<400x128xf32>
    %select_n3A_2019 = arith.select %eq3A_2016, %select_n3A_2006, %broadcast_in_dim3A_2018 : vector<400x128xi1>, vector<400x128xf32>
    %reduce_min3A_2020 = arith.constant dense<0x7F800000> : vector<400xf32>
    %reduce_min3A_2021 = vector.multi_reduction <minimumf>, %select_n3A_2019, %reduce_min3A_2020 [1] : vector<400x128xf32> to vector<400xf32>
    %broadcast_in_dim3A_2022 = vector.shape_cast %reduce_min3A_2021 : vector<400xf32> to vector<400x1xf32>
    %eq3A_2023 = vector.broadcast %broadcast_in_dim3A_2022 : vector<400x1xf32> to vector<400x128xf32>
    %eq3A_2024 = arith.cmpf oeq, %select_n3A_2006, %eq3A_2023 : vector<400x128xf32>
    %and3A_2025 = arith.andi %eq3A_2016, %eq3A_2024 : vector<400x128xi1>
    %select_n3A_2026 = arith.select %and3A_2025, %select_n3A_2001, %select_n3A_2000 : vector<400x128xi1>, vector<400x128xf32>
    %select_n3A_2027 = arith.select %and3A_2025, %select_n3A_2002, %select_n3A_2001 : vector<400x128xi1>, vector<400x128xf32>
    %select_n3A_2028 = arith.select %and3A_2025, %select_n3A_2005, %select_n3A_2002 : vector<400x128xi1>, vector<400x128xf32>
    %select_n3A_2029 = arith.select %and3A_2025, %select_n3A_2007, %select_n3A_2006 : vector<400x128xi1>, vector<400x128xf32>
    %select_n3A_2030 = arith.select %and3A_2025, %select_n3A_2008, %select_n3A_2007 : vector<400x128xi1>, vector<400x128xf32>
    %select_n3A_2031 = arith.select %and3A_2025, %select_n3A_2011, %select_n3A_2008 : vector<400x128xi1>, vector<400x128xf32>
    %reduce_min3A_2032 = arith.constant dense<0x7F800000> : vector<400xf32>
    %reduce_min3A_2033 = vector.multi_reduction <minimumf>, %select_n3A_2026, %reduce_min3A_2032 [1] : vector<400x128xf32> to vector<400xf32>
    %broadcast_in_dim3A_2034 = vector.shape_cast %reduce_min3A_2033 : vector<400xf32> to vector<400x1xf32>
    %eq3A_2035 = vector.broadcast %broadcast_in_dim3A_2034 : vector<400x1xf32> to vector<400x128xf32>
    %eq3A_2036 = arith.cmpf oeq, %select_n3A_2026, %eq3A_2035 : vector<400x128xf32>
    %jit3A_2037 = arith.constant 3.000000e+07 : f32
    %broadcast_in_dim3A_2038 = vector.broadcast %jit3A_2037 : f32 to vector<400x128xf32>
    %select_n3A_2039 = arith.select %eq3A_2036, %select_n3A_2029, %broadcast_in_dim3A_2038 : vector<400x128xi1>, vector<400x128xf32>
    %reduce_min3A_2040 = arith.constant dense<0x7F800000> : vector<400xf32>
    %reduce_min3A_2041 = vector.multi_reduction <minimumf>, %select_n3A_2039, %reduce_min3A_2040 [1] : vector<400x128xf32> to vector<400xf32>
    %broadcast_in_dim3A_2042 = vector.shape_cast %reduce_min3A_2041 : vector<400xf32> to vector<400x1xf32>
    %eq3A_2043 = vector.broadcast %broadcast_in_dim3A_2042 : vector<400x1xf32> to vector<400x128xf32>
    %eq3A_2044 = arith.cmpf oeq, %select_n3A_2029, %eq3A_2043 : vector<400x128xf32>
    %and3A_2045 = arith.andi %eq3A_2036, %eq3A_2044 : vector<400x128xi1>
    %select_n3A_2046 = arith.select %and3A_2045, %select_n3A_2027, %select_n3A_2026 : vector<400x128xi1>, vector<400x128xf32>
    %select_n3A_2047 = arith.select %and3A_2045, %select_n3A_2028, %select_n3A_2027 : vector<400x128xi1>, vector<400x128xf32>
    %select_n3A_2048 = arith.select %and3A_2045, %select_n3A_2030, %select_n3A_2029 : vector<400x128xi1>, vector<400x128xf32>
    %select_n3A_2049 = arith.select %and3A_2045, %select_n3A_2031, %select_n3A_2030 : vector<400x128xi1>, vector<400x128xf32>
    %reduce_min3A_2050 = arith.constant dense<0x7F800000> : vector<400xf32>
    %reduce_min3A_2051 = vector.multi_reduction <minimumf>, %select_n3A_2046, %reduce_min3A_2050 [1] : vector<400x128xf32> to vector<400xf32>
    %broadcast_in_dim3A_2052 = vector.shape_cast %reduce_min3A_2051 : vector<400xf32> to vector<400x1xf32>
    %eq3A_2053 = vector.broadcast %broadcast_in_dim3A_2052 : vector<400x1xf32> to vector<400x128xf32>
    %eq3A_2054 = arith.cmpf oeq, %select_n3A_2046, %eq3A_2053 : vector<400x128xf32>
    %jit3A_2055 = arith.constant 3.000000e+07 : f32
    %broadcast_in_dim3A_2056 = vector.broadcast %jit3A_2055 : f32 to vector<400x128xf32>
    %select_n3A_2057 = arith.select %eq3A_2054, %select_n3A_2048, %broadcast_in_dim3A_2056 : vector<400x128xi1>, vector<400x128xf32>
    %reduce_min3A_2058 = arith.constant dense<0x7F800000> : vector<400xf32>
    %reduce_min3A_2059 = vector.multi_reduction <minimumf>, %select_n3A_2057, %reduce_min3A_2058 [1] : vector<400x128xf32> to vector<400xf32>
    %broadcast_in_dim3A_2060 = vector.shape_cast %reduce_min3A_2059 : vector<400xf32> to vector<400x1xf32>
    %eq3A_2061 = vector.broadcast %broadcast_in_dim3A_2060 : vector<400x1xf32> to vector<400x128xf32>
    %eq3A_2062 = arith.cmpf oeq, %select_n3A_2048, %eq3A_2061 : vector<400x128xf32>
    %and3A_2063 = arith.andi %eq3A_2054, %eq3A_2062 : vector<400x128xi1>
    %select_n3A_2064 = arith.select %and3A_2063, %select_n3A_2047, %select_n3A_2046 : vector<400x128xi1>, vector<400x128xf32>
    %select_n3A_2065 = arith.select %and3A_2063, %select_n3A_2049, %select_n3A_2048 : vector<400x128xi1>, vector<400x128xf32>
    %reduce_min3A_2066 = arith.constant dense<0x7F800000> : vector<400xf32>
    %reduce_min3A_2067 = vector.multi_reduction <minimumf>, %select_n3A_2064, %reduce_min3A_2066 [1] : vector<400x128xf32> to vector<400xf32>
    %broadcast_in_dim3A_2068 = vector.shape_cast %reduce_min3A_2067 : vector<400xf32> to vector<400x1xf32>
    %eq3A_2069 = vector.broadcast %broadcast_in_dim3A_2068 : vector<400x1xf32> to vector<400x128xf32>
    %eq3A_2070 = arith.cmpf oeq, %select_n3A_2064, %eq3A_2069 : vector<400x128xf32>
    %jit3A_2071 = arith.constant 3.000000e+07 : f32
    %broadcast_in_dim3A_2072 = vector.broadcast %jit3A_2071 : f32 to vector<400x128xf32>
    %select_n3A_2073 = arith.select %eq3A_2070, %select_n3A_2065, %broadcast_in_dim3A_2072 : vector<400x128xi1>, vector<400x128xf32>
    %reduce_min3A_2074 = arith.constant dense<0x7F800000> : vector<400xf32>
    %reduce_min3A_2075 = vector.multi_reduction <minimumf>, %select_n3A_2073, %reduce_min3A_2074 [1] : vector<400x128xf32> to vector<400xf32>
    %broadcast_in_dim3A_2076 = vector.shape_cast %reduce_min3A_2075 : vector<400xf32> to vector<400x1xf32>
    %concatenate3A = tpu.concatenate %broadcast_in_dim3A_1705, %broadcast_in_dim3A_1728, %broadcast_in_dim3A_1754, %broadcast_in_dim3A_1780, %broadcast_in_dim3A_1806, %broadcast_in_dim3A_1832, %broadcast_in_dim3A_1858, %broadcast_in_dim3A_1884, %broadcast_in_dim3A_1910, %broadcast_in_dim3A_1936, %broadcast_in_dim3A_1962, %broadcast_in_dim3A_1988, %broadcast_in_dim3A_2014, %broadcast_in_dim3A_2034, %broadcast_in_dim3A_2052, %broadcast_in_dim3A_2068 in 1 : vector<400x1xf32>, vector<400x1xf32>, vector<400x1xf32>, vector<400x1xf32>, vector<400x1xf32>, vector<400x1xf32>, vector<400x1xf32>, vector<400x1xf32>, vector<400x1xf32>, vector<400x1xf32>, vector<400x1xf32>, vector<400x1xf32>, vector<400x1xf32>, vector<400x1xf32>, vector<400x1xf32>, vector<400x1xf32> -> vector<400x16xf32>
    %concatenate3A_2077 = tpu.concatenate %broadcast_in_dim3A_1711, %broadcast_in_dim3A_1736, %broadcast_in_dim3A_1762, %broadcast_in_dim3A_1788, %broadcast_in_dim3A_1814, %broadcast_in_dim3A_1840, %broadcast_in_dim3A_1866, %broadcast_in_dim3A_1892, %broadcast_in_dim3A_1918, %broadcast_in_dim3A_1944, %broadcast_in_dim3A_1970, %broadcast_in_dim3A_1996, %broadcast_in_dim3A_2022, %broadcast_in_dim3A_2042, %broadcast_in_dim3A_2060, %broadcast_in_dim3A_2076 in 1 : vector<400x1xf32>, vector<400x1xf32>, vector<400x1xf32>, vector<400x1xf32>, vector<400x1xf32>, vector<400x1xf32>, vector<400x1xf32>, vector<400x1xf32>, vector<400x1xf32>, vector<400x1xf32>, vector<400x1xf32>, vector<400x1xf32>, vector<400x1xf32>, vector<400x1xf32>, vector<400x1xf32>, vector<400x1xf32> -> vector<400x16xf32>
    %convert_element_type3A_2078 = arith.fptosi %concatenate3A_2077 : vector<400x16xf32> to vector<400x16xi32>
    %max3A_2079 = arith.constant 0.000000e+00 : f32
    %max3A_2080 = vector.broadcast %max3A_2079 : f32 to vector<400x16xf32>
    %max3A_2081 = arith.maximumf %concatenate3A, %max3A_2080 : vector<400x16xf32>
    %sqrt3A = math.sqrt %max3A_2081 : vector<400x16xf32>
    %iota3A_2082 = tpu.iota {dimensions = array<i32: 1>} : vector<400x16xi32>
    %get3A_2083 = arith.constant 0 : index
    %get3A_2084 = arith.constant 0 : index
    %get3A_2085 = vector.load %arg4[%get3A_2083, %get3A_2084] : memref<1x1xf32, #tpu.memory_space<vmem>>, vector<1x1xf32>
    %get3A_2086 = vector.extract %get3A_2085[0, 0] : f32 from vector<1x1xf32>
    %le3A = vector.broadcast %get3A_2086 : f32 to vector<400x16xf32>
    %le3A_2087 = arith.cmpf ole, %sqrt3A, %le3A : vector<400x16xf32>
    %get3A_2088 = arith.constant 0 : index
    %get3A_2089 = arith.constant 0 : index
    %get3A_2090 = vector.load %arg5[%get3A_2088, %get3A_2089] : memref<1x1xi32, #tpu.memory_space<vmem>>, vector<1x1xi32>
    %get3A_2091 = vector.extract %get3A_2090[0, 0] : i32 from vector<1x1xi32>
    %lt3A_2092 = vector.broadcast %get3A_2091 : i32 to vector<400x16xi32>
    %lt3A_2093 = arith.cmpi slt, %iota3A_2082, %lt3A_2092 : vector<400x16xi32>
    %and3A_2094 = arith.andi %le3A_2087, %lt3A_2093 : vector<400x16xi1>
    %jit3A_2095 = arith.constant -1 : i32
    %broadcast_in_dim3A_2096 = vector.broadcast %jit3A_2095 : i32 to vector<400x16xi32>
    %select_n3A_2097 = arith.select %and3A_2094, %convert_element_type3A_2078, %broadcast_in_dim3A_2096 : vector<400x16xi1>, vector<400x16xi32>
    %swap3A_2098 = arith.constant 0 : index
    %swap3A_2099 = arith.constant 0 : index
    %swap3A_2100 = vector.load %arg6[%swap3A_2098, %swap3A_2099] : memref<400x16xi32, #tpu.memory_space<vmem>>, vector<400x16xi32>
    tpu.vector_store %arg6[%swap3A_2098, %swap3A_2099], %select_n3A_2097 {strides = array<i32>} : memref<400x16xi32, #tpu.memory_space<vmem>>, vector<400x16xi32>,
    %swap3A_2101 = arith.constant 0 : index
    %swap3A_2102 = arith.constant 0 : index
    %swap3A_2103 = vector.load %arg7[%swap3A_2101, %swap3A_2102] : memref<400x16xi32, #tpu.memory_space<vmem>>, vector<400x16xi32>
    tpu.vector_store %arg7[%swap3A_2101, %swap3A_2102], %convert_element_type3A_2078 {strides = array<i32>} : memref<400x16xi32, #tpu.memory_space<vmem>>, vector<400x16xi32>,
    %swap3A_2104 = arith.constant 0 : index
    %swap3A_2105 = arith.constant 0 : index
    %swap3A_2106 = vector.load %arg8[%swap3A_2104, %swap3A_2105] : memref<400x16xf32, #tpu.memory_space<vmem>>, vector<400x16xf32>
    tpu.vector_store %arg8[%swap3A_2104, %swap3A_2105], %concatenate3A {strides = array<i32>} : memref<400x16xf32, #tpu.memory_space<vmem>>, vector<400x16xf32>,
    return
  }
  func.func @transform_0(%arg0: i32) -> (i32, i32) {
    %c0_i32 = arith.constant 0 : i32
    %c0_i32_0 = arith.constant 0 : i32
    return %arg0, %c0_i32 : i32, i32
  }
  func.func @transform_1(%arg0: i32) -> (i32, i32) {
    %c0_i32 = arith.constant 0 : i32
    %c0_i32_0 = arith.constant 0 : i32
    %c0_i32_1 = arith.constant 0 : i32
    return %c0_i32, %c0_i32_0 : i32, i32
  }
  func.func @transform_2(%arg0: i32) -> (i32, i32) {
    %c0_i32 = arith.constant 0 : i32
    %c0_i32_0 = arith.constant 0 : i32
    %c0_i32_1 = arith.constant 0 : i32
    return %c0_i32, %c0_i32_0 : i32, i32
  }
  func.func @transform_3(%arg0: i32) -> (i32, i32) {
    %c0_i32 = arith.constant 0 : i32
    %c0_i32_0 = arith.constant 0 : i32
    %c0_i32_1 = arith.constant 0 : i32
    return %c0_i32, %c0_i32_0 : i32, i32
  }
  func.func @transform_4(%arg0: i32) -> (i32, i32) {
    %c0_i32 = arith.constant 0 : i32
    %c0_i32_0 = arith.constant 0 : i32
    %c0_i32_1 = arith.constant 0 : i32
    return %c0_i32, %c0_i32_0 : i32, i32
  }
  func.func @transform_5(%arg0: i32) -> (i32, i32) {
    %c0_i32 = arith.constant 0 : i32
    %c0_i32_0 = arith.constant 0 : i32
    return %arg0, %c0_i32 : i32, i32
  }
  func.func @transform_6(%arg0: i32) -> (i32, i32) {
    %c0_i32 = arith.constant 0 : i32
    %c0_i32_0 = arith.constant 0 : i32
    return %arg0, %c0_i32 : i32, i32
  }
  func.func @transform_7(%arg0: i32) -> (i32, i32) {
    %c0_i32 = arith.constant 0 : i32
    %c0_i32_0 = arith.constant 0 : i32
    return %arg0, %c0_i32 : i32, i32
  }
  func.func @transform_8(%arg0: i32) -> (i32, i32) {
    %c0_i32 = arith.constant 0 : i32
    %c0_i32_0 = arith.constant 0 : i32
    return %arg0, %c0_i32 : i32, i32
  }
}

module attributes {stable_mosaic.version = 14 : i64} {
  func.func @_bn_body(%arg0: memref<10000x16xf32, #tpu.memory_space<vmem>>, %arg1: memref<10000x1xf32, #tpu.memory_space<vmem>>, %arg2: memref<10000x16xf32, #tpu.memory_space<vmem>>, %arg3: memref<1x1xf32, #tpu.memory_space<vmem>>, %arg4: memref<1x1xf32, #tpu.memory_space<vmem>>, %arg5: memref<10000x16xf32, #tpu.memory_space<vmem>>) attributes {dimension_semantics = [], scalar_prefetch = 0 : i64, scratch_operands = 0 : i64, tpu.core_type = #tpu.core_type<tc>} {
    %get3A = arith.constant 0 : index
    %get3A_0 = arith.constant 0 : index
    %get3A_1 = vector.load %arg1[%get3A, %get3A_0] : memref<10000x1xf32, #tpu.memory_space<vmem>>, vector<10000x1xf32>
    %get3A_2 = arith.constant 0 : index
    %get3A_3 = arith.constant 0 : index
    %get3A_4 = vector.load %arg2[%get3A_2, %get3A_3] : memref<10000x16xf32, #tpu.memory_space<vmem>>, vector<10000x16xf32>
    %add3A = vector.broadcast %get3A_1 : vector<10000x1xf32> to vector<10000x16xf32>
    %add3A_5 = arith.addf %add3A, %get3A_4 : vector<10000x16xf32>
    %get3A_6 = arith.constant 0 : index
    %get3A_7 = arith.constant 0 : index
    %get3A_8 = vector.load %arg0[%get3A_6, %get3A_7] : memref<10000x16xf32, #tpu.memory_space<vmem>>, vector<10000x16xf32>
    %sub3A = arith.subf %add3A_5, %get3A_8 : vector<10000x16xf32>
    %mul3A = arith.constant 5.000000e-01 : f32
    %mul3A_9 = vector.broadcast %mul3A : f32 to vector<10000x16xf32>
    %mul3A_10 = arith.mulf %sub3A, %mul3A_9 : vector<10000x16xf32>
    %reduce_sum3A = vector.shape_cast %mul3A_10 : vector<10000x16xf32> to vector<1x10000x16xf32>
    %reduce_sum3A_11 = arith.constant dense<0.000000e+00> : vector<1xf32>
    %reduce_sum3A_12 = vector.multi_reduction <add>, %reduce_sum3A, %reduce_sum3A_11 [1, 2] : vector<1x10000x16xf32> to vector<1xf32>
    %reduce_sum3A_13 = vector.shape_cast %reduce_sum3A_12 : vector<1xf32> to vector<1x1x1xf32>
    %reduce_sum3A_14 = vector.extract %reduce_sum3A_13[0, 0, 0] : f32 from vector<1x1x1xf32>
    %div3A = arith.constant 1.600000e+05 : f32
    %div3A_15 = arith.divf %reduce_sum3A_14, %div3A : f32
    %sub3A_16 = vector.broadcast %div3A_15 : f32 to vector<10000x16xf32>
    %sub3A_17 = arith.subf %mul3A_10, %sub3A_16 : vector<10000x16xf32>
    %integer_pow3A = arith.mulf %sub3A_17, %sub3A_17 : vector<10000x16xf32>
    %reduce_sum3A_18 = vector.shape_cast %integer_pow3A : vector<10000x16xf32> to vector<1x10000x16xf32>
    %reduce_sum3A_19 = arith.constant dense<0.000000e+00> : vector<1xf32>
    %reduce_sum3A_20 = vector.multi_reduction <add>, %reduce_sum3A_18, %reduce_sum3A_19 [1, 2] : vector<1x10000x16xf32> to vector<1xf32>
    %reduce_sum3A_21 = vector.shape_cast %reduce_sum3A_20 : vector<1xf32> to vector<1x1x1xf32>
    %reduce_sum3A_22 = vector.extract %reduce_sum3A_21[0, 0, 0] : f32 from vector<1x1x1xf32>
    %div3A_23 = arith.constant 1.600000e+05 : f32
    %div3A_24 = arith.divf %reduce_sum3A_22, %div3A_23 : f32
    %sub3A_25 = vector.broadcast %div3A_15 : f32 to vector<10000x16xf32>
    %sub3A_26 = arith.subf %mul3A_10, %sub3A_25 : vector<10000x16xf32>
    %add3A_27 = arith.constant 9.99999974E-6 : f32
    %add3A_28 = arith.addf %div3A_24, %add3A_27 : f32
    %sqrt3A = math.sqrt %add3A_28 : f32
    %div3A_29 = vector.broadcast %sqrt3A : f32 to vector<10000x16xf32>
    %div3A_30 = arith.divf %sub3A_26, %div3A_29 : vector<10000x16xf32>
    %get3A_31 = arith.constant 0 : index
    %get3A_32 = arith.constant 0 : index
    %get3A_33 = vector.load %arg3[%get3A_31, %get3A_32] : memref<1x1xf32, #tpu.memory_space<vmem>>, vector<1x1xf32>
    %get3A_34 = vector.extract %get3A_33[0, 0] : f32 from vector<1x1xf32>
    %mul3A_35 = vector.broadcast %get3A_34 : f32 to vector<10000x16xf32>
    %mul3A_36 = arith.mulf %div3A_30, %mul3A_35 : vector<10000x16xf32>
    %get3A_37 = arith.constant 0 : index
    %get3A_38 = arith.constant 0 : index
    %get3A_39 = vector.load %arg4[%get3A_37, %get3A_38] : memref<1x1xf32, #tpu.memory_space<vmem>>, vector<1x1xf32>
    %get3A_40 = vector.extract %get3A_39[0, 0] : f32 from vector<1x1xf32>
    %add3A_41 = vector.broadcast %get3A_40 : f32 to vector<10000x16xf32>
    %add3A_42 = arith.addf %mul3A_36, %add3A_41 : vector<10000x16xf32>
    %logistic3A = arith.negf %add3A_42 : vector<10000x16xf32>
    %logistic3A_43 = math.exp %logistic3A : vector<10000x16xf32>
    %logistic3A_44 = arith.constant 1.000000e+00 : f32
    %logistic3A_45 = vector.broadcast %logistic3A_44 : f32 to vector<10000x16xf32>
    %logistic3A_46 = arith.addf %logistic3A_45, %logistic3A_43 : vector<10000x16xf32>
    %logistic3A_47 = arith.divf %logistic3A_45, %logistic3A_46 : vector<10000x16xf32>
    %swap3A = arith.constant 0 : index
    %swap3A_48 = arith.constant 0 : index
    %swap3A_49 = vector.load %arg5[%swap3A, %swap3A_48] : memref<10000x16xf32, #tpu.memory_space<vmem>>, vector<10000x16xf32>
    tpu.vector_store %arg5[%swap3A, %swap3A_48], %logistic3A_47 {strides = array<i32>} : memref<10000x16xf32, #tpu.memory_space<vmem>>, vector<10000x16xf32>,
    return
  }
}

</mosaic_0001>

<sc_bundles>
// kernel: kernel.6.cloned.1.call-start
scs
__scs_entry_jumppad:
0x0: {  	(pc) =	sbr.rel $0x88, $3  }
0x1: {  	(tag) =	ssettag $0x0;
	lr =	simm.s32 $0x1  }
0x2: {  	[smem:$0x3F9B] =	sst lr;
	_ =	strace $0xD0000000  }
0x3: {  	_ = 	snop  }
0x4: {  	_ = 	snop  }
0x5: {  	_ = 	snop  }
0x6: {  	_ = 	snop  }
0x7: {  	_ = 	snop  }
__scs_overlays_trampoline_lowered:
0x8: {  	[smem:$0x3FAA] =	sst s0  }
0x9: {  	[smem:$0x3FAB] =	sst s1  }
0xa: {  	[smem:$0x3FAC] =	sst s2  }
0xb: {  	[smem:$0x3FAD] =	sst s3  }
0xc: {  	[smem:$0x3FAE] =	sst s4  }
0xd: {  	[smem:$0x3FAF] =	sst s5  }
0xe: {  	[smem:$0x3FB0] =	sst s6  }
0xf: {  	[smem:$0x3FB1] =	sst s7  }
0x10: {  	[smem:$0x3FB2] =	sst s8  }
0x11: {  	[smem:$0x3FB3] =	sst s9;
	s0 =	simm.s32 @!p0 $0x0  }
0x12: {  	s1 =	sld [smem:$0x3F99];
	s0 =	simm.s32 @p0 $0x1  }
0x13: {  	[smem:$0x3FB4] =	sst s0;
	s0 =	simm.s32 @!p1 $0x0  }
0x14: {  	s2 =	sld [smem:$0x3F98];
	s0 =	simm.s32 @p1 $0x1  }
0x15: {  	[smem:$0x3FB5] =	sst s0;
	s0 =	simm.s32 @!p2 $0x0  }
0x16: {  	s3 =	sld [smem:$0x3FDB];
	s0 =	simm.s32 @p2 $0x1  }
0x17: {  	s4 =	simm.s32 $0x1BF5;
	[smem:$0x3FB7] =	sst s0  }
0x18: {  	s0 =	sld [smem:$0x3F9A];
	_ =	swait.ge [sflag:s4], $0x0  }
0x19: {  	s7 =	sld [smem:$0x3F9B]  }
0x1a: {  	s8 =	sadd.s32 $0xFFFFE003, lr  }
0x1b: {  	s9 =	sadd.s32 $0xFFFFFEF7, lr;
	s5 =	simm.s32 $0xFFFFFFFF;
	p2 =	slt.u32 s8, $0xFFFFF086  }
0x1c: {  	p1 =	slt.u32 s9, $0xF7A;
	s5 =	simm.s32 @!p2 $0x0  }
0x1d: {  	s5 =	simm.s32 @p1 $0x1;
	p0 =	seq.s32 s7, s2  }
0x1e: {  	s7 =	smul.u32 @!p0 $0xF7A, s2;
	p2 =	seq.s32 @!p0 s5, $0x0  }
0x1f: {  	s9 =	smul.u32 $0xF7A, s1;
	s8 =	simm.s32 @!p0 $0x1BF5;
	p2 =	por !p2, p0  }
0x20: {  	[sflag:s8] =	ssyncset.s32 @!p0 $0xFFFFF086;
	s6 =	sadd.s32 @!p0 s3, s7;
	s7 =	simm.s32 @!p0 $0x108  }
0x21: {  	s3 =	sadd.s32 s3, s9;
	s6 =	sadd.s32 @!p0 $0x88, s6;
	s7 =	simm.s32 @p2 $0x1082  }
0x22: {  	[simem:s7], [sflag:s8] =	dma.local @!p0 [hbm:s6], $0xF7A  }
0x23: {  	s9 =	sor.u32 $0xD0000000, s2;
	s6 =	simm.s32 $0x108;
	_ =	swait.ge @!p0 [sflag:s8], $0x0  }
0x24: {  	s3 =	sadd.s32 $0x88, s3;
	s6 =	simm.s32 @!p1 $0x1082;
	[sflag:s4] =	ssyncset.s32 $0xFFFFF086  }
0x25: {  	[simem:s6], [sflag:s4] =	dma.local [hbm:s3], $0xF7A  }
0x26: {  	[smem:$0x3F9B] =	sst s1;
	(tag) =	ssettag s2;
	_ =	strace s9  }
0x27: {  	s1 =	sld [smem:$0x3FAB]  }
0x28: {  	s2 =	sld [smem:$0x3FAC]  }
0x29: {  	s4 =	sld [smem:$0x3FAE]  }
0x2a: {  	p0 =	seq.s32 s5, $0x0;
	s5 =	sld [smem:$0x3FAF]  }
0x2b: {  	s6 =	sld [smem:$0x3FB0]  }
0x2c: {  	s7 =	sld [smem:$0x3FB1]  }
0x2d: {  	s3 =	simm.s32 $0x108;
	s8 =	sld [smem:$0x3FB2]  }
0x2e: {  	s3 =	simm.s32 @!p0 $0x1082;
	s9 =	sld [smem:$0x3FB3]  }
0x2f: {  	lr =	sadd.s32 s0, s3;
	s0 =	sld [smem:$0x3FAA]  }
0x30: {  	s3 =	sld [smem:$0x3FAD]  }
0x31: {  	[smem:$0x3FB6] =	sst s10  }
0x32: {  	s10 =	sld [smem:$0x3FB4];
	_ =	sdelay $0x3  }
0x33: {  	p0 =	seq.s32 s10, $0x1;
	s10 =	sld [smem:$0x3FB6];
	_ =	sdelay $0x3  }
0x34: {  	[smem:$0x3FB6] =	sst s10  }
0x35: {  	s10 =	sld [smem:$0x3FB5];
	_ =	sdelay $0x3  }
0x36: {  	p1 =	seq.s32 s10, $0x1;
	s10 =	sld [smem:$0x3FB6];
	_ =	sdelay $0x3  }
0x37: {  	[smem:$0x3FB6] =	sst s10  }
0x38: {  	s10 =	sld [smem:$0x3FB7]  }
0x39: {  	_ = 	snop;
	(pc) =	sbr.ind lr, $3  }
0x3a: {  	_ = 	snop  }
0x3b: {  	_ = 	snop  }
0x3c: {  	p2 =	seq.s32 s10, $0x1;
	s10 =	sld [smem:$0x3FB6]  }
0x3d: {  	_ =	shalt  }
0x3e: {  	_ =	shalt  }
0x3f: {  	_ =	shalt  }
0x40: {  	_ =	shalt  }
0x41: {  	_ =	shalt  }
0x42: {  	_ =	shalt  }
0x43: {  	_ =	shalt  }
0x44: {  	_ =	shalt  }
0x45: {  	_ =	shalt  }
0x46: {  	_ =	shalt  }
0x47: {  	_ =	shalt  }
0x48: {  	_ =	shalt  }
0x49: {  	_ =	shalt  }
0x4a: {  	_ =	shalt  }
0x4b: {  	_ =	shalt  }
0x4c: {  	_ =	shalt  }
0x4d: {  	_ =	shalt  }
0x4e: {  	_ =	shalt  }
0x4f: {  	_ =	shalt  }
0x50: {  	_ =	shalt  }
0x51: {  	_ =	shalt  }
0x52: {  	_ =	shalt  }
0x53: {  	_ =	shalt  }
0x54: {  	_ =	shalt  }
0x55: {  	_ =	shalt  }
0x56: {  	_ =	shalt  }
0x57: {  	_ =	shalt  }
0x58: {  	_ =	shalt  }
0x59: {  	_ =	shalt  }
0x5a: {  	_ =	shalt  }
0x5b: {  	_ =	shalt  }
0x5c: {  	_ =	shalt  }
0x5d: {  	_ =	shalt  }
0x5e: {  	_ =	shalt  }
0x5f: {  	_ =	shalt  }
0x60: {  	_ =	shalt  }
0x61: {  	_ =	shalt  }
0x62: {  	_ =	shalt  }
0x63: {  	_ =	shalt  }
0x64: {  	_ =	shalt  }
0x65: {  	_ =	shalt  }
0x66: {  	_ =	shalt  }
0x67: {  	_ =	shalt  }
0x68: {  	_ =	shalt  }
0x69: {  	_ =	shalt  }
0x6a: {  	_ =	shalt  }
0x6b: {  	_ =	shalt  }
0x6c: {  	_ =	shalt  }
0x6d: {  	_ =	shalt  }
0x6e: {  	_ =	shalt  }
0x6f: {  	_ =	shalt  }
0x70: {  	_ =	shalt  }
0x71: {  	_ =	shalt  }
0x72: {  	_ =	shalt  }
0x73: {  	_ =	shalt  }
0x74: {  	_ =	shalt  }
0x75: {  	_ =	shalt  }
0x76: {  	_ =	shalt  }
0x77: {  	_ =	shalt  }
0x78: {  	_ =	shalt  }
0x79: {  	_ =	shalt  }
0x7a: {  	_ =	shalt  }
0x7b: {  	_ =	shalt  }
0x7c: {  	_ =	shalt  }
0x7d: {  	_ =	shalt  }
0x7e: {  	_ =	shalt  }
0x7f: {  	_ =	shalt  }
0x80: {  	_ =	shalt  }
0x81: {  	_ =	shalt  }
0x82: {  	_ =	shalt  }
0x83: {  	_ =	shalt  }
0x84: {  	_ =	shalt  }
0x85: {  	_ =	shalt  }
0x86: {  	_ =	shalt  }
0x87: {  	_ =	shalt  }
.Lfunc_end0:
.L_simem_size_0:
called_computation_lowered:
.L_overlay_start_0:
0x88: {  	s2 =	sld [smem:$0x3FD9]  }
0x89: {  	s3 =	sld [smem:$0x3FFE];
	_ =	sdelay $0x1  }
0x8a: {  	s1 =	srdreg.scid  }
0x8b: {  	s0 =	sand.u32 $0x1, s1  }
0x8c: {  	s14 =	sshll.u32 s0, $0xA;
	s2 =	sadd.s32 s3, s2  }
0x8d: {  	s2 =	sadd.s32 s2, s14  }
0x8e: {  	[smem:$0x3FC2] =	sst s2  }
0x8f: {  	_ = 	snop  }
0x90: {  	s2 =	sld [smem:$0x3FD0];
	_ =	sdelay $0x2  }
0x91: {  	s15 =	simm.s32 $0xA;
	s4 =	simm.s32 $0x10  }
0x92: {  	[smem:s4], [sflag:s15] =	dma.local [hbm:s2], $0x1  }
0x93: {  	_ =	swait.eq [sflag:s15], $0x1  }
0x94: {  	[sflag:s15] =	ssyncset.done $0x0  }
0x95: {  	[sflag:s15] =	ssyncadd.s32 $0xFFFFFFFF  }
0x96: {  	s16 =	sld [smem:$0x11];
	(tm) =	ssettm $0x1  }
0x97: {  	s17 =	sld [smem:$0x3FFB];
	_ =	sdelay $0x3  }
0x98: {  	_ =	strace s17  }
0x99: {  	s3 =	sld [smem:$0x3FFC];
	_ =	sdelay $0x3  }
0x9a: {  	_ =	strace s3  }
0x9b: {  	s3 =	sld [smem:$0x3FFD];
	_ =	sdelay $0x3  }
0x9c: {  	_ =	strace s3  }
0x9d: {  	_ =	strace $0x8FFFFFFF  }
0x9e: {  	s18 =	sld [smem:$0x3FDB];
	_ =	sdelay $0x1  }
0x9f: {  	s19 =	simm.s32 $_scs_section_size  }
0xa0: {  	s5 =	simm.s32 $_size__tile_overlayer_lowered;
	s6 =	simm.s32 $_tile_overlayer_lowered  }
0xa1: {  	s22 =	simm.s32 $0x1BFF;
	s21 =	sshll.u32 s6, $0x1;
	s3 =	sadd.s32 s19, s18  }
0xa2: {  	s7 =	simm.s32 $0x0;
	s20 =	sshll.u32 s5, $0x1;
	s5 =	sadd.s32 s21, s3  }
0xa3: {  	[timem:s7], [sflag:s22] =	dma.local [hbm:s5], s20  }
0xa4: {  	_ =	swait.ge [sflag:s22], s20  }
0xa5: {  	s4 =	ssub.s32 $0x0, s20;
	[sflag:s22] =	ssyncset.done $0x0  }
0xa6: {  	[sflag:s22] =	ssyncadd.s32 s4;
	_ =	sdelay $0x1  }
0xa7: {  	s23 =	simm.s32 $0x1B8B  }
0xa8: {  	_ =	swait.ge [sflag:s23], $0x1  }
0xa9: {  	[sflag:s23] =	ssyncset.done $0x0  }
0xaa: {  	s25 =	simm.s32 $0x1B8E;
	s24 =	sld [smem:$0x3FFE];
	[sflag:s23] =	ssyncadd.s32 $0xFFFFFFFF  }
0xab: {  	s26 =	simm.s32 $execute0_lowered;
	[smem:$0x3FD2] =	sst s25  }
0xac: {  	s5 =	sshll.u32 s26, $0x1;
	_ =	strace $0x80000046;
	[dreg:$0x1] =	wrdreg $0xFFFFFFFF  }
0xad: {  	s28 =	simm.s32 $_size_execute0_lowered;
	s3 =	sadd.s32 s3, s5;
	[dreg:$0x0] =	wrdreg $0x0  }
0xae: {  	s5 =	sshll.u32 s28, $0x1;
	[dreg:$0x2] =	wrdreg s3  }
0xaf: {  	[dreg:$0x3] =	wrdreg s5  }
0xb0: {  	[dreg:$0x4] =	wrdreg $0xC0  }
0xb1: {  	_ =	task [dreg:s7], $0x5FFFF  }
0xb2: {  	[dreg:$0x1] =	wrdreg $0xFFFFFFFF  }
0xb3: {  	[dreg:$0x0] =	wrdreg $0x60  }
0xb4: {  	[dreg:$0x2] =	wrdreg s16  }
0xb5: {  	[dreg:$0x3] =	wrdreg s24  }
0xb6: {  	[dreg:$0x4] =	wrdreg $0x9  }
0xb7: {  	_ =	task.clear_ibuf [dreg:s7], $0x5FFFF;
	_ =	strace $0x90000046  }
0xb8: {  	s29 =	simm.s32 $0x9;
	_ =	strace $0x80000048  }
0xb9: {  	_ =	swait.ge [sflag:s29], $0x1  }
0xba: {  	[sflag:s29] =	ssyncadd.s32 $0xFFFFFFFF  }
0xbb: {  	_ =	strace $0x90000048  }
0xbc: {  	_ =	sfence  }
0xbd: {  	s30 =	sld [smem:$0x0];
	_ =	sdelay $0x2  }
0xbe: {  	s31 =	sshll.u32 s1, $0xD;
	s1 =	sshrl.u32 s1, $0x2  }
0xbf: {  	s3 =	sand.u32 $0x4000, s31;
	s1 =	sadd.s32 s1, s30  }
0xc0: {  	s0 =	sor.u32 s3, s0;
	s1 =	sshll.u32 s1, $0x11  }
0xc1: {  	s0 =	sor.u32 s1, s0  }
0xc2: {  	s0 =	sadd.s32 $0x8F2B, s0  }
0xc3: {  	[sflag:s0] =	ssyncadd.remote.s32 $0x1  }
0xc4: {  	_ =	sfence.sel $0xFFFF  }
0xc5: {  	[dreg:$0x0] =	wrdreg $0xFFFFFFFF;
	(pc) =	sbr.abs _section_cstart, $3  }
0xc6: {  	[dreg:$0x1] =	wrdreg $0xFFFFFFFF  }
0xc7: {  	_ =	task.clear_ibuf [dreg:s7], $0x2FFFF;
	_ =	strace $0x9FFFFFFF  }
0xc8: {  	(tm) =	ssettm $0x7FFFFFFF  }
0xc9: {  	_ =	shalt  }
tec
execute0_lowered:
.L_overlay_start_1:
0x0: {  	(tag) =	ssettag $0x1  }
0x1: {  	s1 =	srdreg.scid;
	s2 =	rddreg [dreg:$0x0]  }
0x2: {  	s0 =	stileid.u32;
	s5 =	rddreg [dreg:$0x1];
	s3 =	simm.s32 $0x0  }
0x3: {  	s7 =	simm.s32 $0x1;
	s4 =	sand.u32 $0x1, s1;
	s30 =	sshll.u32 s0, $0x1  }
0x4: {  	s8 =	simm.s32 $0x2800;
	s9 =	simm.s32 $0x1400;
	s1 =	sor.u32 s4, s30  }
0x5: {  	[smem:$0x7FF] =	sst s3;
	s4 =	ssub.s32 $0x2, s4;
	s6 =	smul.u32 $0x271, s1  }
0x6: {  	s10 =	simm.s32 $0x0;
	s1 =	rddreg [dreg:$0x2];
	s31 =	sshrl.u32 s4, $0x1  }
0x7: {  	_ =	strace $0x80000047;
	s5 =	sadd.s32 s6, s5;
	s6 =	ssub.s32 s4, s31  }
0x8: {  	s4 =	sadd.s32 $0x28200, s5;
	s5 =	sadd.s32 $0x2D200, s5;
	s6 =	smax.u32 s6, $0x1  }
.LBB2_1:
0x9: {  	[tilespmem:s3], [sflag:$0x1] =	stream.linear.gather [hbm4b:s4+s3], $0x1388, $0x38;
	[tilespmem:$0x4F80] =	vst v63  }
0xa: {  	_ =	swait.ge [sflag:s7], $0x1388  }
0xb: {  	[sflag:s7] =	ssyncset.done $0x0  }
0xc: {  	[sflag:s7] =	ssyncadd.s32 $0xFFFFEC78  }
0xd: {  	[tilespmem:s8], [sflag:$0x1] =	stream.linear.gather [hbm4b:s2+s3], $0x2780, $0x38;
	[tilespmem:$0x4F80] =	vst v63  }
0xe: {  	_ =	swait.ge [sflag:s7], $0x2780  }
0xf: {  	[sflag:s7] =	ssyncset.done $0x0  }
0x10: {  	s11 =	simm.s32 $0x0;
	[sflag:s7] =	ssyncadd.s32 $0xFFFFD880  }
0x11: {  	v0 =	vld [tilespmem:s11+$0x0];
	_ =	sdelay $0x7  }
0x12: {  	s12 =	simm.s32 $0x10;
	s13 =	simm.s32 $0x80;
	v0 =	vld.idx.msk [tilespmem:v0+s8+$0x0], $0xffff  }
.LBB2_2:
0x13: {  	p0 =	sne.s32 s13, $0x4DC0;
	v1 =	vld [tilespmem:s12+$0x0];
	_ =	sdelay $0x3  }
.Ltmp0:
0x14: {  	(pc) =	sbr.rel @p0 .LBB2_2-.Ltmp0, $2  }
0x15: {  	[tilespmem:s11+$0x1400] =	vst v0;
	s11 =	smov.u32 s12;
	_ =	sdelay $0x2  }
0x16: {  	s12 =	sshra.s32 s13, $0x2;
	s13 =	sadd.s32 $0x40, s13;
	v0 =	vld.idx.msk [tilespmem:v1+s8+$0x0], $0xffff  }
0x17: {  	v1 =	vld [tilespmem:s12+$0x0];
	_ =	sdelay $0x6  }
0x18: {  	[tilespmem:s11+$0x1400] =	vst v0  }
0x19: {  	v0 =	vld.idx.msk [tilespmem:v1+s8+$0x0], $0xffff;
	_ =	sdelay $0x4  }
0x1a: {  	[tilespmem:s12+$0x1400] =	vst v0  }
0x1b: {  	v0 =	vld [tilespmem:$0x1378];
	_ =	sdelay $0x7  }
0x1c: {  	v0 =	vld.idx.msk [tilespmem:v0+s8+$0x0], $0xffff;
	_ =	sdelay $0x2  }
0x1d: {  	s10 =	sadd.s32 $0x1, s10  }
0x1e: {  	p0 =	sne.s32 s10, s6  }
.Ltmp1:
0x1f: {  	[tilespmem:$0x2778] =	vst v0;
	(pc) =	sbr.rel @p0 .LBB2_1-.Ltmp1, $4  }
0x20: {  	[hbm4b:s5+s3] =	stream.linear.scatter [tilespmem:s9], [sflag:$0x1], $0x1388, $0x38;
	[tilespmem:$0x4F80] =	vst v63  }
0x21: {  	_ =	swait.ge [sflag:s7], $0x1388  }
0x22: {  	[sflag:s7] =	ssyncset.done $0x0  }
0x23: {  	[sflag:s7] =	ssyncadd.s32 $0xFFFFEC78  }
0x24: {  	_ =	sfence.sel $0x180000  }
0x25: {  	[bflag:$0x0] =	sbarrier.arrive $0xFFFF  }
0x26: {  	p0 =	sne.s32 s0, $0x0;
	_ =	strace $0x90000047  }
0x27: {  	s0 =	sadd.s32 @!p0 $0x100000, s1;
	[bflag:$0x2] =	sbarrier.arrive $0xFFFF  }
0x28: {  	[sflag:s0] =	ssyncadd.tile.s32 @!p0 $0x1;
	_ =	shalt  }
.Lfunc_end2:
_tile_overlayer_lowered:
.L_overlay_start_2:
0x29: {  	(tag) =	ssettag $0x2  }
0x2a: {  	s0 =	rddreg [dreg:$0x0];
	s2 =	stileid.u32  }
0x2b: {  	s1 =	rddreg [dreg:$0x1];
	p0 =	sne.s32 s2, $0x0  }
0x2c: {  	s3 =	rddreg [dreg:$0x2];
	[bflag:$0x3] =	sbarrier.arrive $0xFFFF;
	s2 =	simm.s32 @!p0 $0x1C01  }
0x2d: {  	[timem:s3], [sflag:s2] =	dma.local @!p0 [hbm:s0], s1  }
0x2e: {  	s0 =	simm.s32 @!p0 $0x1  }
0x2f: {  	_ =	swait.ge @!p0 [sflag:s0], s1  }
0x30: {  	s1 =	ssub.s32 @!p0 $0x0, s1;
	[sflag:s0] =	ssyncset.done @!p0 $0x0  }
0x31: {  	[sflag:s0] =	ssyncadd.s32 @!p0 s1  }
0x32: {  	[bflag:$0x3] =	sbarrier.arrive $0xFFFF  }
0x33: {  	_ =	shalt  }

</sc_bundles>
